<compile_context>
chip_gen: v7x
topology: tpu7x:2x2x1
jax: 0.10.2.dev20260603
libtpu: 0.0.44.dev20260713+nightly
codegen_flags: <defaults>
</compile_context>

<pallas_src>
import functools

import jax
import jax.numpy as jnp
from jax import lax
from jax.experimental import pallas as pl
from jax.experimental.pallas import tpu as pltpu
from jax.experimental.pallas import tpu_sc as plsc

N_NODES = 10000
D = 128
N_EDGES = 320000

N_PAD = 10240
NC, NS = 2, 16
NW = NC * NS
CHUNK = 128
CHUNKS_PER_TILE = 80
E_PAD = NW * CHUNKS_PER_TILE * CHUNK
ROWS_PER_TILE = N_PAD // NS

_mesh = plsc.VectorSubcoreMesh(
    core_axis_name="c", subcore_axis_name="s", num_cores=NC, num_subcores=NS)



@functools.partial(
    pl.kernel,
    out_type=jax.ShapeDtypeStruct((NC, N_PAD, D), jnp.float32),
    mesh=_mesh,
    scratch_types=[
        pltpu.MemorySpace.VMEM((CHUNKS_PER_TILE, CHUNK), jnp.int32),
        pltpu.MemorySpace.VMEM((CHUNK, D), jnp.float32),
        pltpu.MemorySpace.VMEM_SHARED((N_PAD, D), jnp.float32),
        pltpu.SemaphoreType.DMA,
    ],
)
def _deg_pass(dst_hbm, zeros_hbm, ones_hbm, cnt_hbm, dst_v, ones_v, acc_sh, sem):
    c = lax.axis_index("c")
    s = lax.axis_index("s")
    wid = s * NC + c
    pltpu.sync_copy(zeros_hbm, acc_sh.at[pl.ds(s * ROWS_PER_TILE, ROWS_PER_TILE)])
    pltpu.sync_copy(ones_hbm, ones_v)
    pltpu.sync_copy(dst_hbm.at[pl.ds(wid * CHUNKS_PER_TILE, CHUNKS_PER_TILE)], dst_v)
    plsc.subcore_barrier()

    def body(t, _):
        jj = 8 * t
        descs = [
            pltpu.async_copy(ones_v, acc_sh.at[dst_v.at[jj + m]], sem, add=True)
            for m in range(8)
        ]
        for d in descs:
            d.wait()
        return 0

    lax.fori_loop(0, CHUNKS_PER_TILE // 8, body, 0)

    plsc.subcore_barrier()
    pltpu.sync_copy(
        acc_sh.at[pl.ds(s * ROWS_PER_TILE, ROWS_PER_TILE)],
        cnt_hbm.at[c, pl.ds(s * ROWS_PER_TILE, ROWS_PER_TILE)],
    )


@functools.partial(
    pl.kernel,
    out_type=jax.ShapeDtypeStruct((NC, N_PAD, D), jnp.float32),
    mesh=_mesh,
    scratch_types=[
        pltpu.MemorySpace.VMEM((CHUNKS_PER_TILE // 2, CHUNK), jnp.int32),
        pltpu.MemorySpace.VMEM((CHUNKS_PER_TILE // 2, CHUNK), jnp.int32),
        pltpu.MemorySpace.VMEM((2 * CHUNK, D), jnp.float32),
        pltpu.MemorySpace.VMEM_SHARED((N_PAD, D), jnp.float32),
        pltpu.SemaphoreType.DMA,
        pltpu.SemaphoreType.DMA,
        pltpu.SemaphoreType.DMA,
        pltpu.SemaphoreType.DMA,
        pltpu.SemaphoreType.DMA,
        pltpu.SemaphoreType.DMA,
    ],
)
def _msg_pass(y_hbm, src_hbm, dst_hbm, zeros_hbm, out_hbm,
              src_v, dst_v, rows_v, acc_sh,
              g0, g1, g2, g3, s0, s1):
    c = lax.axis_index("c")
    s = lax.axis_index("s")
    wid = s * NC + c
    gsem = [g0, g1, g2, g3]
    ssem = [s0, s1]
    half = CHUNKS_PER_TILE // 2
    pltpu.sync_copy(zeros_hbm, acc_sh.at[pl.ds(s * ROWS_PER_TILE, ROWS_PER_TILE)])
    plsc.subcore_barrier()

    def issue_gather(j, b):
        pltpu.async_copy(y_hbm.at[src_v.at[j]],
                         rows_v.at[pl.ds(b * CHUNK, CHUNK)], gsem[b])

    def wait_gather(b):
        pltpu.make_async_copy(y_hbm.at[src_v.at[0]],
                              rows_v.at[pl.ds(b * CHUNK, CHUNK)], gsem[b]).wait()

    def issue_scatter(j, b):
        pltpu.async_copy(rows_v.at[pl.ds(b * CHUNK, CHUNK)],
                         acc_sh.at[dst_v.at[j]], ssem[b], add=True)

    def wait_scatter(b):
        pltpu.make_async_copy(rows_v.at[pl.ds(b * CHUNK, CHUNK)],
                              acc_sh.at[dst_v.at[0]], ssem[b]).wait()

    for h in range(2):
        base = wid * CHUNKS_PER_TILE + h * half
        pltpu.sync_copy(src_hbm.at[pl.ds(base, half)], src_v)
        pltpu.sync_copy(dst_hbm.at[pl.ds(base, half)], dst_v)

        issue_gather(0, 0)
        wait_gather(0)
        issue_scatter(0, 0)
        issue_gather(1, 1)
        wait_gather(1)
        issue_scatter(1, 1)

        def body(t, _):
            jj = 2 * t
            wait_scatter(0)
            issue_gather(jj, 0)
            wait_scatter(1)
            wait_gather(0)
            issue_scatter(jj, 0)
            issue_gather(jj + 1, 1)
            wait_gather(1)
            issue_scatter(jj + 1, 1)
            return 0

        lax.fori_loop(1, half // 2, body, 0)
        wait_scatter(0)
        wait_scatter(1)
    plsc.subcore_barrier()
    pltpu.sync_copy(
        acc_sh.at[pl.ds(s * ROWS_PER_TILE, ROWS_PER_TILE)],
        out_hbm.at[c, pl.ds(s * ROWS_PER_TILE, ROWS_PER_TILE)],
    )



_BLK = 256
_GRID = N_PAD // _BLK


def _mm_body(x_ref, w_ref, o_ref):
    o_ref[...] = jnp.dot(x_ref[...], w_ref[...], preferred_element_type=jnp.float32)


_mm = pl.pallas_call(
    _mm_body,
    grid=(_GRID,),
    in_specs=[
        pl.BlockSpec((_BLK, D), lambda i: (i, 0)),
        pl.BlockSpec((D, D), lambda i: (0, 0)),
    ],
    out_specs=pl.BlockSpec((_BLK, D), lambda i: (i, 0)),
    out_shape=jax.ShapeDtypeStruct((N_PAD, D), jnp.float32),
)


def _dinv_y_body(c0_ref, c1_ref, t_ref, dinv_ref, y_ref):
    i = pl.program_id(0)
    cnt = c0_ref[:, 0:1] + c1_ref[:, 0:1]
    deg = cnt + 1.0
    dinv = lax.rsqrt(deg)
    row = i * _BLK + lax.broadcasted_iota(jnp.int32, (_BLK, 1), 0)
    dinv = jnp.where(row < N_NODES, dinv, 0.0)
    dinv_b = jnp.broadcast_to(dinv, (_BLK, D))
    dinv_ref[...] = dinv_b
    y_ref[...] = dinv_b * t_ref[...]


_dinv_y = pl.pallas_call(
    _dinv_y_body,
    grid=(_GRID,),
    in_specs=[
        pl.BlockSpec((_BLK, D), lambda i: (i, 0)),
        pl.BlockSpec((_BLK, D), lambda i: (i, 0)),
        pl.BlockSpec((_BLK, D), lambda i: (i, 0)),
    ],
    out_specs=[
        pl.BlockSpec((_BLK, D), lambda i: (i, 0)),
        pl.BlockSpec((_BLK, D), lambda i: (i, 0)),
    ],
    out_shape=[
        jax.ShapeDtypeStruct((N_PAD, D), jnp.float32),
        jax.ShapeDtypeStruct((N_PAD, D), jnp.float32),
    ],
)


def _fuse_body(p0_ref, p1_ref, y_ref, dinv_ref, b_ref, w_ref, yn_ref):
    h = dinv_ref[...] * (p0_ref[...] + p1_ref[...] + y_ref[...]) + b_ref[...]
    h = jnp.maximum(h, 0.0)
    t = jnp.dot(h, w_ref[...], preferred_element_type=jnp.float32)
    yn_ref[...] = dinv_ref[...] * t


_fuse = pl.pallas_call(
    _fuse_body,
    grid=(_GRID,),
    in_specs=[
        pl.BlockSpec((_BLK, D), lambda i: (i, 0)),
        pl.BlockSpec((_BLK, D), lambda i: (i, 0)),
        pl.BlockSpec((_BLK, D), lambda i: (i, 0)),
        pl.BlockSpec((_BLK, D), lambda i: (i, 0)),
        pl.BlockSpec((1, D), lambda i: (0, 0)),
        pl.BlockSpec((D, D), lambda i: (0, 0)),
    ],
    out_specs=pl.BlockSpec((_BLK, D), lambda i: (i, 0)),
    out_shape=jax.ShapeDtypeStruct((N_PAD, D), jnp.float32),
)


def _epi_body(p0_ref, p1_ref, y_ref, dinv_ref, b_ref, o_ref):
    o_ref[...] = (
        dinv_ref[...] * (p0_ref[...] + p1_ref[...] + y_ref[...]) + b_ref[...]
    )


_epi = pl.pallas_call(
    _epi_body,
    grid=(_GRID,),
    in_specs=[
        pl.BlockSpec((_BLK, D), lambda i: (i, 0)),
        pl.BlockSpec((_BLK, D), lambda i: (i, 0)),
        pl.BlockSpec((_BLK, D), lambda i: (i, 0)),
        pl.BlockSpec((_BLK, D), lambda i: (i, 0)),
        pl.BlockSpec((1, D), lambda i: (0, 0)),
    ],
    out_specs=pl.BlockSpec((_BLK, D), lambda i: (i, 0)),
    out_shape=jax.ShapeDtypeStruct((N_PAD, D), jnp.float32),
)



@jax.jit
def kernel(x, edge_index, W1, b1, W2, b2, W3, b3):
    src = edge_index[0]
    dst = edge_index[1]
    pad_e = E_PAD - N_EDGES
    src2 = jnp.concatenate(
        [src, jnp.full((pad_e,), N_NODES, jnp.int32)]).reshape(E_PAD // CHUNK, CHUNK)
    dst2 = jnp.concatenate(
        [dst, jnp.full((pad_e,), N_NODES, jnp.int32)]).reshape(E_PAD // CHUNK, CHUNK)
    x_pad = jnp.concatenate(
        [x, jnp.zeros((N_PAD - N_NODES, D), jnp.float32)], axis=0)

    zeros128 = jnp.zeros((ROWS_PER_TILE, D), jnp.float32)
    ones128 = jnp.ones((CHUNK, D), jnp.float32)
    b1r = b1.reshape(1, D)
    b2r = b2.reshape(1, D)
    b3r = b3.reshape(1, D)

    cnt = _deg_pass(dst2, zeros128, ones128)
    t1 = _mm(x_pad, W1)
    dinv, y1 = _dinv_y(cnt[0], cnt[1], t1)
    p = _msg_pass(y1, src2, dst2, zeros128)
    y2 = _fuse(p[0], p[1], y1, dinv, b1r, W2)
    p = _msg_pass(y2, src2, dst2, zeros128)
    y3 = _fuse(p[0], p[1], y2, dinv, b2r, W3)
    p = _msg_pass(y3, src2, dst2, zeros128)
    out = _epi(p[0], p[1], y3, dinv, b3r)
    return out[:N_NODES]

# --- scband reference (transcript-rebuilt; emitter-appended) ---
"""Pipeline reference for scband-gnnbase-20950850469921 (READ-ONLY COPY).

The authoritative reference and input builder live on the scoring server;
editing this copy changes nothing except your own understanding.
"""

import jax, jax.numpy as jnp
import numpy as np

N_NODES = 10000
D = 128
N_EDGES = 320000


def gcn_conv(x, edge_index, W, b, num_nodes):
    # x' = D^{-1/2} (A + I) D^{-1/2} (x W) + b  (PyG GCNConv semantics)
    x = x @ W
    src = edge_index[0]
    dst = edge_index[1]
    loop = jnp.arange(num_nodes, dtype=src.dtype)
    src = jnp.concatenate([src, loop])
    dst = jnp.concatenate([dst, loop])
    ones = jnp.ones(src.shape[0], dtype=x.dtype)
    deg = jax.ops.segment_sum(ones, dst, num_segments=num_nodes)
    dinv = jnp.where(deg > 0, deg ** -0.5, 0.0)
    norm = dinv[src] * dinv[dst]
    msg = jnp.take(x, src, axis=0) * norm[:, None]
    out = jax.ops.segment_sum(msg, dst, num_segments=num_nodes)
    return out + b


def setup_inputs(seed: int = 0) -> dict:
    key = jax.random.key(seed)
    ks = jax.random.split(key, 8)
    x = jax.random.normal(ks[0], (N_NODES, D), dtype=jnp.float32)
    edge_index = jax.random.randint(ks[1], (2, N_EDGES), 0, N_NODES, dtype=jnp.int32)
    scale = 1.0 / np.sqrt(D)
    W1 = jax.random.normal(ks[2], (D, D), dtype=jnp.float32) * scale
    b1 = jnp.zeros((D,), dtype=jnp.float32)
    W2 = jax.random.normal(ks[3], (D, D), dtype=jnp.float32) * scale
    b2 = jnp.zeros((D,), dtype=jnp.float32)
    W3 = jax.random.normal(ks[4], (D, D), dtype=jnp.float32) * scale
    b3 = jnp.zeros((D,), dtype=jnp.float32)
    return {"x": x, "edge_index": edge_index, "W1": W1, "b1": b1, "W2": W2, "b2": b2, "W3": W3, "b3": b3}


def reference(x, edge_index, W1, b1, W2, b2, W3, b3):
    num_nodes = x.shape[0]
    h = gcn_conv(x, edge_index, W1, b1, num_nodes)
    h = jax.nn.relu(h)
    # dropout p=0.0 -> no-op
    h = gcn_conv(h, edge_index, W2, b2, num_nodes)
    h = jax.nn.relu(h)
    out = gcn_conv(h, edge_index, W3, b3, num_nodes)
    return out

if __name__ == "__main__":
    import jax
    _d = setup_inputs()
    print(jax.jit(kernel)(*tuple(_d.values())))

</pallas_src>

<mosaic_0001>
#map = affine_map<(d0, d1) -> (0, 0)>
#map1 = affine_map<(d0, d1) -> (0, 0, 0)>
module attributes {stable_mosaic.version = 14 : i64} {
  func.func @_msg_pass(%arg0: i32, %arg1: i32, %arg2: memref<10240x128xf32, #tpu.memory_space<hbm>>, %arg3: memref<2560x128xi32, #tpu.memory_space<hbm>>, %arg4: memref<2560x128xi32, #tpu.memory_space<hbm>>, %arg5: memref<640x128xf32, #tpu.memory_space<hbm>>, %arg6: memref<2x10240x128xf32, #tpu.memory_space<hbm>>, %arg7: memref<40x128xi32, #tpu.memory_space<vmem>>, %arg8: memref<40x128xi32, #tpu.memory_space<vmem>>, %arg9: memref<256x128xf32, #tpu.memory_space<vmem>>, %arg10: memref<10240x128xf32, #tpu.memory_space<vmem_shared>>, %arg11: memref<!tpu.dma_semaphore, #tpu.memory_space<semaphore_mem>>, %arg12: memref<!tpu.dma_semaphore, #tpu.memory_space<semaphore_mem>>, %arg13: memref<!tpu.dma_semaphore, #tpu.memory_space<semaphore_mem>>, %arg14: memref<!tpu.dma_semaphore, #tpu.memory_space<semaphore_mem>>, %arg15: memref<!tpu.dma_semaphore, #tpu.memory_space<semaphore_mem>>, %arg16: memref<!tpu.dma_semaphore, #tpu.memory_space<semaphore_mem>>) attributes {dimension_semantics = [#tpu.dimension_semantics<core_parallel>, #tpu.dimension_semantics<subcore_parallel>], iteration_bounds = array<i64: 2, 16>, scalar_prefetch = 0 : i64, scratch_operands = 10 : i64, tpu.core_type = #tpu.core_type<sc_vector_subcore>, window_params = [{transform_indices = #map}, {transform_indices = #map}, {transform_indices = #map}, {transform_indices = #map}, {transform_indices = #map1}]} {
    %mul3A = arith.constant 2 : i32
    %mul3A_0 = arith.muli %arg1, %mul3A : i32
    %add3A = arith.addi %mul3A_0, %arg0 : i32
    %mul3A_1 = arith.constant 640 : i32
    %mul3A_2 = arith.muli %arg1, %mul3A_1 : i32
    "tpu.region"() ({
      %run_scoped3A = tpu.sem_alloc : memref<!tpu.dma_semaphore, #tpu.memory_space<semaphore_mem>>
      %dma_start3A_187 = arith.constant 0 : i32
      %dma_start3A_188 = tpu.memref_slice %arg10[%mul3A_2, %dma_start3A_187] : memref<10240x128xf32, #tpu.memory_space<vmem_shared>> -> memref<640x128xf32, #tpu.memory_space<vmem_shared>>
      tpu.enqueue_dma source(%arg5 : memref<640x128xf32, #tpu.memory_space<hbm>>) target(%dma_start3A_188 : memref<640x128xf32, #tpu.memory_space<vmem_shared>>) target_semaphore(%run_scoped3A : memref<!tpu.dma_semaphore, #tpu.memory_space<semaphore_mem>>)
      %dma_wait3A_189 = arith.constant 0 : i32
      %dma_wait3A_190 = tpu.memref_slice %arg10[%mul3A_2, %dma_wait3A_189] : memref<10240x128xf32, #tpu.memory_space<vmem_shared>> -> memref<640x128xf32, #tpu.memory_space<vmem_shared>>
      tpu.wait_dma2 semaphore(%run_scoped3A : memref<!tpu.dma_semaphore, #tpu.memory_space<semaphore_mem>>) src(%arg5 : memref<640x128xf32, #tpu.memory_space<hbm>>) dst(%dma_wait3A_190 : memref<640x128xf32, #tpu.memory_space<vmem_shared>>)
      tpu.yield
    }) : () -> ()
    %barrier3A = arith.constant 0 : index
    tpu.barrier barrier_id(%barrier3A)
    %mul3A_3 = arith.constant 80 : i32
    %mul3A_4 = arith.muli %add3A, %mul3A_3 : i32
    %add3A_5 = arith.constant 0 : i32
    %add3A_6 = arith.addi %mul3A_4, %add3A_5 : i32
    "tpu.region"() ({
      %run_scoped3A = tpu.sem_alloc : memref<!tpu.dma_semaphore, #tpu.memory_space<semaphore_mem>>
      %dma_start3A_187 = arith.constant 0 : i32
      %dma_start3A_188 = tpu.memref_slice %arg3[%add3A_6, %dma_start3A_187] : memref<2560x128xi32, #tpu.memory_space<hbm>> -> memref<40x128xi32, #tpu.memory_space<hbm>>
      %dma_start3A_189 = arith.constant 0 : i32
      %dma_start3A_190 = tpu.memref_slice %arg3[%add3A_6, %dma_start3A_189] : memref<2560x128xi32, #tpu.memory_space<hbm>> -> memref<40x128xi32, #tpu.memory_space<hbm>>
      tpu.enqueue_dma source(%dma_start3A_190 : memref<40x128xi32, #tpu.memory_space<hbm>>) target(%arg7 : memref<40x128xi32, #tpu.memory_space<vmem>>) target_semaphore(%run_scoped3A : memref<!tpu.dma_semaphore, #tpu.memory_space<semaphore_mem>>)
      %dma_wait3A_191 = arith.constant 0 : i32
      %dma_wait3A_192 = tpu.memref_slice %arg3[%add3A_6, %dma_wait3A_191] : memref<2560x128xi32, #tpu.memory_space<hbm>> -> memref<40x128xi32, #tpu.memory_space<hbm>>
      %dma_wait3A_193 = arith.constant 0 : i32
      %dma_wait3A_194 = tpu.memref_slice %arg3[%add3A_6, %dma_wait3A_193] : memref<2560x128xi32, #tpu.memory_space<hbm>> -> memref<40x128xi32, #tpu.memory_space<hbm>>
      tpu.wait_dma2 semaphore(%run_scoped3A : memref<!tpu.dma_semaphore, #tpu.memory_space<semaphore_mem>>) src(%dma_wait3A_194 : memref<40x128xi32, #tpu.memory_space<hbm>>) dst(%arg7 : memref<40x128xi32, #tpu.memory_space<vmem>>)
      tpu.yield
    }) : () -> ()
    "tpu.region"() ({
      %run_scoped3A = tpu.sem_alloc : memref<!tpu.dma_semaphore, #tpu.memory_space<semaphore_mem>>
      %dma_start3A_187 = arith.constant 0 : i32
      %dma_start3A_188 = tpu.memref_slice %arg4[%add3A_6, %dma_start3A_187] : memref<2560x128xi32, #tpu.memory_space<hbm>> -> memref<40x128xi32, #tpu.memory_space<hbm>>
      %dma_start3A_189 = arith.constant 0 : i32
      %dma_start3A_190 = tpu.memref_slice %arg4[%add3A_6, %dma_start3A_189] : memref<2560x128xi32, #tpu.memory_space<hbm>> -> memref<40x128xi32, #tpu.memory_space<hbm>>
      tpu.enqueue_dma source(%dma_start3A_190 : memref<40x128xi32, #tpu.memory_space<hbm>>) target(%arg8 : memref<40x128xi32, #tpu.memory_space<vmem>>) target_semaphore(%run_scoped3A : memref<!tpu.dma_semaphore, #tpu.memory_space<semaphore_mem>>)
      %dma_wait3A_191 = arith.constant 0 : i32
      %dma_wait3A_192 = tpu.memref_slice %arg4[%add3A_6, %dma_wait3A_191] : memref<2560x128xi32, #tpu.memory_space<hbm>> -> memref<40x128xi32, #tpu.memory_space<hbm>>
      %dma_wait3A_193 = arith.constant 0 : i32
      %dma_wait3A_194 = tpu.memref_slice %arg4[%add3A_6, %dma_wait3A_193] : memref<2560x128xi32, #tpu.memory_space<hbm>> -> memref<40x128xi32, #tpu.memory_space<hbm>>
      tpu.wait_dma2 semaphore(%run_scoped3A : memref<!tpu.dma_semaphore, #tpu.memory_space<semaphore_mem>>) src(%dma_wait3A_194 : memref<40x128xi32, #tpu.memory_space<hbm>>) dst(%arg8 : memref<40x128xi32, #tpu.memory_space<vmem>>)
      tpu.yield
    }) : () -> ()
    %dma_start3A = arith.constant 0 : i32
    %dma_start3A_7 = arith.constant 0 : i32
    %dma_start3A_8 = arith.constant 0 : i32
    %dma_start3A_9 = tpu.memref_slice %arg9[%dma_start3A_7, %dma_start3A_8] : memref<256x128xf32, #tpu.memory_space<vmem>> -> memref<128x128xf32, #tpu.memory_space<vmem>>
    %dma_start3A_10 = arith.constant 0 : i32
    %dma_start3A_11 = tpu.memref_slice %arg7[%dma_start3A, %dma_start3A_10] : memref<40x128xi32, #tpu.memory_space<vmem>> -> memref<1x128xi32, #tpu.memory_space<vmem>>
    %dma_start3A_12 = tpu.memref_squeeze %dma_start3A_11 : memref<1x128xi32, #tpu.memory_space<vmem>> -> memref<128xi32, #tpu.memory_space<vmem>>
    %dma_start3A_13 = arith.constant 0 : i32
    %dma_start3A_14 = arith.constant 0 : i32
    %dma_start3A_15 = tpu.memref_slice %arg2[%dma_start3A_13, %dma_start3A_14] : memref<10240x128xf32, #tpu.memory_space<hbm>> -> memref<10240x128xf32, #tpu.memory_space<hbm>>
    tpu.enqueue_indirect_dma source(%dma_start3A_15 : memref<10240x128xf32, #tpu.memory_space<hbm>>) target(%dma_start3A_9 : memref<128x128xf32, #tpu.memory_space<vmem>>) offsets(%dma_start3A_12 : memref<128xi32, #tpu.memory_space<vmem>>) semaphore(%arg11 : memref<!tpu.dma_semaphore, #tpu.memory_space<semaphore_mem>>)
    %dma_wait3A = arith.constant 0 : i32
    %dma_wait3A_16 = arith.constant 0 : i32
    %dma_wait3A_17 = arith.constant 0 : i32
    %dma_wait3A_18 = tpu.memref_slice %arg9[%dma_wait3A_16, %dma_wait3A_17] : memref<256x128xf32, #tpu.memory_space<vmem>> -> memref<128x128xf32, #tpu.memory_space<vmem>>
    %dma_wait3A_19 = arith.constant 0 : i32
    %dma_wait3A_20 = tpu.memref_slice %arg7[%dma_wait3A, %dma_wait3A_19] : memref<40x128xi32, #tpu.memory_space<vmem>> -> memref<1x128xi32, #tpu.memory_space<vmem>>
    %dma_wait3A_21 = tpu.memref_squeeze %dma_wait3A_20 : memref<1x128xi32, #tpu.memory_space<vmem>> -> memref<128xi32, #tpu.memory_space<vmem>>
    %dma_wait3A_22 = arith.constant 0 : i32
    %dma_wait3A_23 = arith.constant 0 : i32
    %dma_wait3A_24 = tpu.memref_slice %arg2[%dma_wait3A_22, %dma_wait3A_23] : memref<10240x128xf32, #tpu.memory_space<hbm>> -> memref<10240x128xf32, #tpu.memory_space<hbm>>
    tpu.wait_indirect_dma semaphore(%arg11 : memref<!tpu.dma_semaphore, #tpu.memory_space<semaphore_mem>>) src(%dma_wait3A_24 : memref<10240x128xf32, #tpu.memory_space<hbm>>) dst(%dma_wait3A_18 : memref<128x128xf32, #tpu.memory_space<vmem>>)
    %dma_start3A_25 = arith.constant 0 : i32
    %dma_start3A_26 = arith.constant 0 : i32
    %dma_start3A_27 = arith.constant 0 : i32
    %dma_start3A_28 = tpu.memref_slice %arg9[%dma_start3A_26, %dma_start3A_27] : memref<256x128xf32, #tpu.memory_space<vmem>> -> memref<128x128xf32, #tpu.memory_space<vmem>>
    %dma_start3A_29 = arith.constant 0 : i32
    %dma_start3A_30 = tpu.memref_slice %arg8[%dma_start3A_25, %dma_start3A_29] : memref<40x128xi32, #tpu.memory_space<vmem>> -> memref<1x128xi32, #tpu.memory_space<vmem>>
    %dma_start3A_31 = tpu.memref_squeeze %dma_start3A_30 : memref<1x128xi32, #tpu.memory_space<vmem>> -> memref<128xi32, #tpu.memory_space<vmem>>
    %dma_start3A_32 = arith.constant 0 : i32
    %dma_start3A_33 = arith.constant 0 : i32
    %dma_start3A_34 = tpu.memref_slice %arg10[%dma_start3A_32, %dma_start3A_33] : memref<10240x128xf32, #tpu.memory_space<vmem_shared>> -> memref<10240x128xf32, #tpu.memory_space<vmem_shared>>
    tpu.enqueue_indirect_dma source(%dma_start3A_28 : memref<128x128xf32, #tpu.memory_space<vmem>>) target(%dma_start3A_34 : memref<10240x128xf32, #tpu.memory_space<vmem_shared>>) offsets(%dma_start3A_31 : memref<128xi32, #tpu.memory_space<vmem>>) semaphore(%arg15 : memref<!tpu.dma_semaphore, #tpu.memory_space<semaphore_mem>>) {add = true}
    %dma_start3A_35 = arith.constant 1 : i32
    %dma_start3A_36 = arith.constant 128 : i32
    %dma_start3A_37 = arith.constant 0 : i32
    %dma_start3A_38 = tpu.memref_slice %arg9[%dma_start3A_36, %dma_start3A_37] : memref<256x128xf32, #tpu.memory_space<vmem>> -> memref<128x128xf32, #tpu.memory_space<vmem>>
    %dma_start3A_39 = arith.constant 0 : i32
    %dma_start3A_40 = tpu.memref_slice %arg7[%dma_start3A_35, %dma_start3A_39] : memref<40x128xi32, #tpu.memory_space<vmem>> -> memref<1x128xi32, #tpu.memory_space<vmem>>
    %dma_start3A_41 = tpu.memref_squeeze %dma_start3A_40 : memref<1x128xi32, #tpu.memory_space<vmem>> -> memref<128xi32, #tpu.memory_space<vmem>>
    %dma_start3A_42 = arith.constant 0 : i32
    %dma_start3A_43 = arith.constant 0 : i32
    %dma_start3A_44 = tpu.memref_slice %arg2[%dma_start3A_42, %dma_start3A_43] : memref<10240x128xf32, #tpu.memory_space<hbm>> -> memref<10240x128xf32, #tpu.memory_space<hbm>>
    tpu.enqueue_indirect_dma source(%dma_start3A_44 : memref<10240x128xf32, #tpu.memory_space<hbm>>) target(%dma_start3A_38 : memref<128x128xf32, #tpu.memory_space<vmem>>) offsets(%dma_start3A_41 : memref<128xi32, #tpu.memory_space<vmem>>) semaphore(%arg12 : memref<!tpu.dma_semaphore, #tpu.memory_space<semaphore_mem>>)
    %dma_wait3A_45 = arith.constant 0 : i32
    %dma_wait3A_46 = arith.constant 128 : i32
    %dma_wait3A_47 = arith.constant 0 : i32
    %dma_wait3A_48 = tpu.memref_slice %arg9[%dma_wait3A_46, %dma_wait3A_47] : memref<256x128xf32, #tpu.memory_space<vmem>> -> memref<128x128xf32, #tpu.memory_space<vmem>>
    %dma_wait3A_49 = arith.constant 0 : i32
    %dma_wait3A_50 = tpu.memref_slice %arg7[%dma_wait3A_45, %dma_wait3A_49] : memref<40x128xi32, #tpu.memory_space<vmem>> -> memref<1x128xi32, #tpu.memory_space<vmem>>
    %dma_wait3A_51 = tpu.memref_squeeze %dma_wait3A_50 : memref<1x128xi32, #tpu.memory_space<vmem>> -> memref<128xi32, #tpu.memory_space<vmem>>
    %dma_wait3A_52 = arith.constant 0 : i32
    %dma_wait3A_53 = arith.constant 0 : i32
    %dma_wait3A_54 = tpu.memref_slice %arg2[%dma_wait3A_52, %dma_wait3A_53] : memref<10240x128xf32, #tpu.memory_space<hbm>> -> memref<10240x128xf32, #tpu.memory_space<hbm>>
    tpu.wait_indirect_dma semaphore(%arg12 : memref<!tpu.dma_semaphore, #tpu.memory_space<semaphore_mem>>) src(%dma_wait3A_54 : memref<10240x128xf32, #tpu.memory_space<hbm>>) dst(%dma_wait3A_48 : memref<128x128xf32, #tpu.memory_space<vmem>>)
    %dma_start3A_55 = arith.constant 1 : i32
    %dma_start3A_56 = arith.constant 128 : i32
    %dma_start3A_57 = arith.constant 0 : i32
    %dma_start3A_58 = tpu.memref_slice %arg9[%dma_start3A_56, %dma_start3A_57] : memref<256x128xf32, #tpu.memory_space<vmem>> -> memref<128x128xf32, #tpu.memory_space<vmem>>
    %dma_start3A_59 = arith.constant 0 : i32
    %dma_start3A_60 = tpu.memref_slice %arg8[%dma_start3A_55, %dma_start3A_59] : memref<40x128xi32, #tpu.memory_space<vmem>> -> memref<1x128xi32, #tpu.memory_space<vmem>>
    %dma_start3A_61 = tpu.memref_squeeze %dma_start3A_60 : memref<1x128xi32, #tpu.memory_space<vmem>> -> memref<128xi32, #tpu.memory_space<vmem>>
    %dma_start3A_62 = arith.constant 0 : i32
    %dma_start3A_63 = arith.constant 0 : i32
    %dma_start3A_64 = tpu.memref_slice %arg10[%dma_start3A_62, %dma_start3A_63] : memref<10240x128xf32, #tpu.memory_space<vmem_shared>> -> memref<10240x128xf32, #tpu.memory_space<vmem_shared>>
    tpu.enqueue_indirect_dma source(%dma_start3A_58 : memref<128x128xf32, #tpu.memory_space<vmem>>) target(%dma_start3A_64 : memref<10240x128xf32, #tpu.memory_space<vmem_shared>>) offsets(%dma_start3A_61 : memref<128xi32, #tpu.memory_space<vmem>>) semaphore(%arg16 : memref<!tpu.dma_semaphore, #tpu.memory_space<semaphore_mem>>) {add = true}
    %scan3A = arith.constant 0 : i32
    %scan3A_65 = arith.constant 1 : i32
    %scan3A_66 = arith.constant 19 : i32
    %scan3A_67 = arith.addi %scan3A_65, %scan3A_66 : i32
    %scan3A_68 = arith.constant 1 : i32
    %scan3A_69 = scf.for %scan3A_187 = %scan3A_65 to %scan3A_67 step %scan3A_68 iter_args(%scan3A_188 = %scan3A) -> (i32)  : i32 {
      %mul3A_189 = arith.constant 2 : i32
      %mul3A_190 = arith.muli %mul3A_189, %scan3A_187 : i32
      %dma_wait3A_191 = arith.constant 0 : i32
      %dma_wait3A_192 = arith.constant 0 : i32
      %dma_wait3A_193 = arith.constant 0 : i32
      %dma_wait3A_194 = tpu.memref_slice %arg9[%dma_wait3A_192, %dma_wait3A_193] : memref<256x128xf32, #tpu.memory_space<vmem>> -> memref<128x128xf32, #tpu.memory_space<vmem>>
      %dma_wait3A_195 = arith.constant 0 : i32
      %dma_wait3A_196 = tpu.memref_slice %arg8[%dma_wait3A_191, %dma_wait3A_195] : memref<40x128xi32, #tpu.memory_space<vmem>> -> memref<1x128xi32, #tpu.memory_space<vmem>>
      %dma_wait3A_197 = tpu.memref_squeeze %dma_wait3A_196 : memref<1x128xi32, #tpu.memory_space<vmem>> -> memref<128xi32, #tpu.memory_space<vmem>>
      %dma_wait3A_198 = arith.constant 0 : i32
      %dma_wait3A_199 = arith.constant 0 : i32
      %dma_wait3A_200 = tpu.memref_slice %arg10[%dma_wait3A_198, %dma_wait3A_199] : memref<10240x128xf32, #tpu.memory_space<vmem_shared>> -> memref<10240x128xf32, #tpu.memory_space<vmem_shared>>
      tpu.wait_indirect_dma semaphore(%arg15 : memref<!tpu.dma_semaphore, #tpu.memory_space<semaphore_mem>>) src(%dma_wait3A_194 : memref<128x128xf32, #tpu.memory_space<vmem>>) dst(%dma_wait3A_200 : memref<10240x128xf32, #tpu.memory_space<vmem_shared>>)
      %dma_start3A_201 = arith.constant 0 : i32
      %dma_start3A_202 = arith.constant 0 : i32
      %dma_start3A_203 = tpu.memref_slice %arg9[%dma_start3A_201, %dma_start3A_202] : memref<256x128xf32, #tpu.memory_space<vmem>> -> memref<128x128xf32, #tpu.memory_space<vmem>>
      %dma_start3A_204 = arith.constant 0 : i32
      %dma_start3A_205 = tpu.memref_slice %arg7[%mul3A_190, %dma_start3A_204] : memref<40x128xi32, #tpu.memory_space<vmem>> -> memref<1x128xi32, #tpu.memory_space<vmem>>
      %dma_start3A_206 = tpu.memref_squeeze %dma_start3A_205 : memref<1x128xi32, #tpu.memory_space<vmem>> -> memref<128xi32, #tpu.memory_space<vmem>>
      %dma_start3A_207 = arith.constant 0 : i32
      %dma_start3A_208 = arith.constant 0 : i32
      %dma_start3A_209 = tpu.memref_slice %arg2[%dma_start3A_207, %dma_start3A_208] : memref<10240x128xf32, #tpu.memory_space<hbm>> -> memref<10240x128xf32, #tpu.memory_space<hbm>>
      tpu.enqueue_indirect_dma source(%dma_start3A_209 : memref<10240x128xf32, #tpu.memory_space<hbm>>) target(%dma_start3A_203 : memref<128x128xf32, #tpu.memory_space<vmem>>) offsets(%dma_start3A_206 : memref<128xi32, #tpu.memory_space<vmem>>) semaphore(%arg11 : memref<!tpu.dma_semaphore, #tpu.memory_space<semaphore_mem>>)
      %dma_wait3A_210 = arith.constant 0 : i32
      %dma_wait3A_211 = arith.constant 128 : i32
      %dma_wait3A_212 = arith.constant 0 : i32
      %dma_wait3A_213 = tpu.memref_slice %arg9[%dma_wait3A_211, %dma_wait3A_212] : memref<256x128xf32, #tpu.memory_space<vmem>> -> memref<128x128xf32, #tpu.memory_space<vmem>>
      %dma_wait3A_214 = arith.constant 0 : i32
      %dma_wait3A_215 = tpu.memref_slice %arg8[%dma_wait3A_210, %dma_wait3A_214] : memref<40x128xi32, #tpu.memory_space<vmem>> -> memref<1x128xi32, #tpu.memory_space<vmem>>
      %dma_wait3A_216 = tpu.memref_squeeze %dma_wait3A_215 : memref<1x128xi32, #tpu.memory_space<vmem>> -> memref<128xi32, #tpu.memory_space<vmem>>
      %dma_wait3A_217 = arith.constant 0 : i32
      %dma_wait3A_218 = arith.constant 0 : i32
      %dma_wait3A_219 = tpu.memref_slice %arg10[%dma_wait3A_217, %dma_wait3A_218] : memref<10240x128xf32, #tpu.memory_space<vmem_shared>> -> memref<10240x128xf32, #tpu.memory_space<vmem_shared>>
      tpu.wait_indirect_dma semaphore(%arg16 : memref<!tpu.dma_semaphore, #tpu.memory_space<semaphore_mem>>) src(%dma_wait3A_213 : memref<128x128xf32, #tpu.memory_space<vmem>>) dst(%dma_wait3A_219 : memref<10240x128xf32, #tpu.memory_space<vmem_shared>>)
      %dma_wait3A_220 = arith.constant 0 : i32
      %dma_wait3A_221 = arith.constant 0 : i32
      %dma_wait3A_222 = arith.constant 0 : i32
      %dma_wait3A_223 = tpu.memref_slice %arg9[%dma_wait3A_221, %dma_wait3A_222] : memref<256x128xf32, #tpu.memory_space<vmem>> -> memref<128x128xf32, #tpu.memory_space<vmem>>
      %dma_wait3A_224 = arith.constant 0 : i32
      %dma_wait3A_225 = tpu.memref_slice %arg7[%dma_wait3A_220, %dma_wait3A_224] : memref<40x128xi32, #tpu.memory_space<vmem>> -> memref<1x128xi32, #tpu.memory_space<vmem>>
      %dma_wait3A_226 = tpu.memref_squeeze %dma_wait3A_225 : memref<1x128xi32, #tpu.memory_space<vmem>> -> memref<128xi32, #tpu.memory_space<vmem>>
      %dma_wait3A_227 = arith.constant 0 : i32
      %dma_wait3A_228 = arith.constant 0 : i32
      %dma_wait3A_229 = tpu.memref_slice %arg2[%dma_wait3A_227, %dma_wait3A_228] : memref<10240x128xf32, #tpu.memory_space<hbm>> -> memref<10240x128xf32, #tpu.memory_space<hbm>>
      tpu.wait_indirect_dma semaphore(%arg11 : memref<!tpu.dma_semaphore, #tpu.memory_space<semaphore_mem>>) src(%dma_wait3A_229 : memref<10240x128xf32, #tpu.memory_space<hbm>>) dst(%dma_wait3A_223 : memref<128x128xf32, #tpu.memory_space<vmem>>)
      %dma_start3A_230 = arith.constant 0 : i32
      %dma_start3A_231 = arith.constant 0 : i32
      %dma_start3A_232 = tpu.memref_slice %arg9[%dma_start3A_230, %dma_start3A_231] : memref<256x128xf32, #tpu.memory_space<vmem>> -> memref<128x128xf32, #tpu.memory_space<vmem>>
      %dma_start3A_233 = arith.constant 0 : i32
      %dma_start3A_234 = tpu.memref_slice %arg8[%mul3A_190, %dma_start3A_233] : memref<40x128xi32, #tpu.memory_space<vmem>> -> memref<1x128xi32, #tpu.memory_space<vmem>>
      %dma_start3A_235 = tpu.memref_squeeze %dma_start3A_234 : memref<1x128xi32, #tpu.memory_space<vmem>> -> memref<128xi32, #tpu.memory_space<vmem>>
      %dma_start3A_236 = arith.constant 0 : i32
      %dma_start3A_237 = arith.constant 0 : i32
      %dma_start3A_238 = tpu.memref_slice %arg10[%dma_start3A_236, %dma_start3A_237] : memref<10240x128xf32, #tpu.memory_space<vmem_shared>> -> memref<10240x128xf32, #tpu.memory_space<vmem_shared>>
      tpu.enqueue_indirect_dma source(%dma_start3A_232 : memref<128x128xf32, #tpu.memory_space<vmem>>) target(%dma_start3A_238 : memref<10240x128xf32, #tpu.memory_space<vmem_shared>>) offsets(%dma_start3A_235 : memref<128xi32, #tpu.memory_space<vmem>>) semaphore(%arg15 : memref<!tpu.dma_semaphore, #tpu.memory_space<semaphore_mem>>) {add = true}
      %add3A_239 = arith.constant 1 : i32
      %add3A_240 = arith.addi %mul3A_190, %add3A_239 : i32
      %dma_start3A_241 = arith.constant 128 : i32
      %dma_start3A_242 = arith.constant 0 : i32
      %dma_start3A_243 = tpu.memref_slice %arg9[%dma_start3A_241, %dma_start3A_242] : memref<256x128xf32, #tpu.memory_space<vmem>> -> memref<128x128xf32, #tpu.memory_space<vmem>>
      %dma_start3A_244 = arith.constant 0 : i32
      %dma_start3A_245 = tpu.memref_slice %arg7[%add3A_240, %dma_start3A_244] : memref<40x128xi32, #tpu.memory_space<vmem>> -> memref<1x128xi32, #tpu.memory_space<vmem>>
      %dma_start3A_246 = tpu.memref_squeeze %dma_start3A_245 : memref<1x128xi32, #tpu.memory_space<vmem>> -> memref<128xi32, #tpu.memory_space<vmem>>
      %dma_start3A_247 = arith.constant 0 : i32
      %dma_start3A_248 = arith.constant 0 : i32
      %dma_start3A_249 = tpu.memref_slice %arg2[%dma_start3A_247, %dma_start3A_248] : memref<10240x128xf32, #tpu.memory_space<hbm>> -> memref<10240x128xf32, #tpu.memory_space<hbm>>
      tpu.enqueue_indirect_dma source(%dma_start3A_249 : memref<10240x128xf32, #tpu.memory_space<hbm>>) target(%dma_start3A_243 : memref<128x128xf32, #tpu.memory_space<vmem>>) offsets(%dma_start3A_246 : memref<128xi32, #tpu.memory_space<vmem>>) semaphore(%arg12 : memref<!tpu.dma_semaphore, #tpu.memory_space<semaphore_mem>>)
      %dma_wait3A_250 = arith.constant 0 : i32
      %dma_wait3A_251 = arith.constant 128 : i32
      %dma_wait3A_252 = arith.constant 0 : i32
      %dma_wait3A_253 = tpu.memref_slice %arg9[%dma_wait3A_251, %dma_wait3A_252] : memref<256x128xf32, #tpu.memory_space<vmem>> -> memref<128x128xf32, #tpu.memory_space<vmem>>
      %dma_wait3A_254 = arith.constant 0 : i32
      %dma_wait3A_255 = tpu.memref_slice %arg7[%dma_wait3A_250, %dma_wait3A_254] : memref<40x128xi32, #tpu.memory_space<vmem>> -> memref<1x128xi32, #tpu.memory_space<vmem>>
      %dma_wait3A_256 = tpu.memref_squeeze %dma_wait3A_255 : memref<1x128xi32, #tpu.memory_space<vmem>> -> memref<128xi32, #tpu.memory_space<vmem>>
      %dma_wait3A_257 = arith.constant 0 : i32
      %dma_wait3A_258 = arith.constant 0 : i32
      %dma_wait3A_259 = tpu.memref_slice %arg2[%dma_wait3A_257, %dma_wait3A_258] : memref<10240x128xf32, #tpu.memory_space<hbm>> -> memref<10240x128xf32, #tpu.memory_space<hbm>>
      tpu.wait_indirect_dma semaphore(%arg12 : memref<!tpu.dma_semaphore, #tpu.memory_space<semaphore_mem>>) src(%dma_wait3A_259 : memref<10240x128xf32, #tpu.memory_space<hbm>>) dst(%dma_wait3A_253 : memref<128x128xf32, #tpu.memory_space<vmem>>)
      %add3A_260 = arith.constant 1 : i32
      %add3A_261 = arith.addi %mul3A_190, %add3A_260 : i32
      %dma_start3A_262 = arith.constant 128 : i32
      %dma_start3A_263 = arith.constant 0 : i32
      %dma_start3A_264 = tpu.memref_slice %arg9[%dma_start3A_262, %dma_start3A_263] : memref<256x128xf32, #tpu.memory_space<vmem>> -> memref<128x128xf32, #tpu.memory_space<vmem>>
      %dma_start3A_265 = arith.constant 0 : i32
      %dma_start3A_266 = tpu.memref_slice %arg8[%add3A_261, %dma_start3A_265] : memref<40x128xi32, #tpu.memory_space<vmem>> -> memref<1x128xi32, #tpu.memory_space<vmem>>
      %dma_start3A_267 = tpu.memref_squeeze %dma_start3A_266 : memref<1x128xi32, #tpu.memory_space<vmem>> -> memref<128xi32, #tpu.memory_space<vmem>>
      %dma_start3A_268 = arith.constant 0 : i32
      %dma_start3A_269 = arith.constant 0 : i32
      %dma_start3A_270 = tpu.memref_slice %arg10[%dma_start3A_268, %dma_start3A_269] : memref<10240x128xf32, #tpu.memory_space<vmem_shared>> -> memref<10240x128xf32, #tpu.memory_space<vmem_shared>>
      tpu.enqueue_indirect_dma source(%dma_start3A_264 : memref<128x128xf32, #tpu.memory_space<vmem>>) target(%dma_start3A_270 : memref<10240x128xf32, #tpu.memory_space<vmem_shared>>) offsets(%dma_start3A_267 : memref<128xi32, #tpu.memory_space<vmem>>) semaphore(%arg16 : memref<!tpu.dma_semaphore, #tpu.memory_space<semaphore_mem>>) {add = true}
      %scan3A_271 = arith.constant 0 : i32
      scf.yield %scan3A_271 : i32
    }
    %scan3A_70 = arith.constant 19 : i32
    %dma_wait3A_71 = arith.constant 0 : i32
    %dma_wait3A_72 = arith.constant 0 : i32
    %dma_wait3A_73 = arith.constant 0 : i32
    %dma_wait3A_74 = tpu.memref_slice %arg9[%dma_wait3A_72, %dma_wait3A_73] : memref<256x128xf32, #tpu.memory_space<vmem>> -> memref<128x128xf32, #tpu.memory_space<vmem>>
    %dma_wait3A_75 = arith.constant 0 : i32
    %dma_wait3A_76 = tpu.memref_slice %arg8[%dma_wait3A_71, %dma_wait3A_75] : memref<40x128xi32, #tpu.memory_space<vmem>> -> memref<1x128xi32, #tpu.memory_space<vmem>>
    %dma_wait3A_77 = tpu.memref_squeeze %dma_wait3A_76 : memref<1x128xi32, #tpu.memory_space<vmem>> -> memref<128xi32, #tpu.memory_space<vmem>>
    %dma_wait3A_78 = arith.constant 0 : i32
    %dma_wait3A_79 = arith.constant 0 : i32
    %dma_wait3A_80 = tpu.memref_slice %arg10[%dma_wait3A_78, %dma_wait3A_79] : memref<10240x128xf32, #tpu.memory_space<vmem_shared>> -> memref<10240x128xf32, #tpu.memory_space<vmem_shared>>
    tpu.wait_indirect_dma semaphore(%arg15 : memref<!tpu.dma_semaphore, #tpu.memory_space<semaphore_mem>>) src(%dma_wait3A_74 : memref<128x128xf32, #tpu.memory_space<vmem>>) dst(%dma_wait3A_80 : memref<10240x128xf32, #tpu.memory_space<vmem_shared>>)
    %dma_wait3A_81 = arith.constant 0 : i32
    %dma_wait3A_82 = arith.constant 128 : i32
    %dma_wait3A_83 = arith.constant 0 : i32
    %dma_wait3A_84 = tpu.memref_slice %arg9[%dma_wait3A_82, %dma_wait3A_83] : memref<256x128xf32, #tpu.memory_space<vmem>> -> memref<128x128xf32, #tpu.memory_space<vmem>>
    %dma_wait3A_85 = arith.constant 0 : i32
    %dma_wait3A_86 = tpu.memref_slice %arg8[%dma_wait3A_81, %dma_wait3A_85] : memref<40x128xi32, #tpu.memory_space<vmem>> -> memref<1x128xi32, #tpu.memory_space<vmem>>
    %dma_wait3A_87 = tpu.memref_squeeze %dma_wait3A_86 : memref<1x128xi32, #tpu.memory_space<vmem>> -> memref<128xi32, #tpu.memory_space<vmem>>
    %dma_wait3A_88 = arith.constant 0 : i32
    %dma_wait3A_89 = arith.constant 0 : i32
    %dma_wait3A_90 = tpu.memref_slice %arg10[%dma_wait3A_88, %dma_wait3A_89] : memref<10240x128xf32, #tpu.memory_space<vmem_shared>> -> memref<10240x128xf32, #tpu.memory_space<vmem_shared>>
    tpu.wait_indirect_dma semaphore(%arg16 : memref<!tpu.dma_semaphore, #tpu.memory_space<semaphore_mem>>) src(%dma_wait3A_84 : memref<128x128xf32, #tpu.memory_space<vmem>>) dst(%dma_wait3A_90 : memref<10240x128xf32, #tpu.memory_space<vmem_shared>>)
    %mul3A_91 = arith.constant 80 : i32
    %mul3A_92 = arith.muli %add3A, %mul3A_91 : i32
    %add3A_93 = arith.constant 40 : i32
    %add3A_94 = arith.addi %mul3A_92, %add3A_93 : i32
    "tpu.region"() ({
      %run_scoped3A = tpu.sem_alloc : memref<!tpu.dma_semaphore, #tpu.memory_space<semaphore_mem>>
      %dma_start3A_187 = arith.constant 0 : i32
      %dma_start3A_188 = tpu.memref_slice %arg3[%add3A_94, %dma_start3A_187] : memref<2560x128xi32, #tpu.memory_space<hbm>> -> memref<40x128xi32, #tpu.memory_space<hbm>>
      %dma_start3A_189 = arith.constant 0 : i32
      %dma_start3A_190 = tpu.memref_slice %arg3[%add3A_94, %dma_start3A_189] : memref<2560x128xi32, #tpu.memory_space<hbm>> -> memref<40x128xi32, #tpu.memory_space<hbm>>
      tpu.enqueue_dma source(%dma_start3A_190 : memref<40x128xi32, #tpu.memory_space<hbm>>) target(%arg7 : memref<40x128xi32, #tpu.memory_space<vmem>>) target_semaphore(%run_scoped3A : memref<!tpu.dma_semaphore, #tpu.memory_space<semaphore_mem>>)
      %dma_wait3A_191 = arith.constant 0 : i32
      %dma_wait3A_192 = tpu.memref_slice %arg3[%add3A_94, %dma_wait3A_191] : memref<2560x128xi32, #tpu.memory_space<hbm>> -> memref<40x128xi32, #tpu.memory_space<hbm>>
      %dma_wait3A_193 = arith.constant 0 : i32
      %dma_wait3A_194 = tpu.memref_slice %arg3[%add3A_94, %dma_wait3A_193] : memref<2560x128xi32, #tpu.memory_space<hbm>> -> memref<40x128xi32, #tpu.memory_space<hbm>>
      tpu.wait_dma2 semaphore(%run_scoped3A : memref<!tpu.dma_semaphore, #tpu.memory_space<semaphore_mem>>) src(%dma_wait3A_194 : memref<40x128xi32, #tpu.memory_space<hbm>>) dst(%arg7 : memref<40x128xi32, #tpu.memory_space<vmem>>)
      tpu.yield
    }) : () -> ()
    "tpu.region"() ({
      %run_scoped3A = tpu.sem_alloc : memref<!tpu.dma_semaphore, #tpu.memory_space<semaphore_mem>>
      %dma_start3A_187 = arith.constant 0 : i32
      %dma_start3A_188 = tpu.memref_slice %arg4[%add3A_94, %dma_start3A_187] : memref<2560x128xi32, #tpu.memory_space<hbm>> -> memref<40x128xi32, #tpu.memory_space<hbm>>
      %dma_start3A_189 = arith.constant 0 : i32
      %dma_start3A_190 = tpu.memref_slice %arg4[%add3A_94, %dma_start3A_189] : memref<2560x128xi32, #tpu.memory_space<hbm>> -> memref<40x128xi32, #tpu.memory_space<hbm>>
      tpu.enqueue_dma source(%dma_start3A_190 : memref<40x128xi32, #tpu.memory_space<hbm>>) target(%arg8 : memref<40x128xi32, #tpu.memory_space<vmem>>) target_semaphore(%run_scoped3A : memref<!tpu.dma_semaphore, #tpu.memory_space<semaphore_mem>>)
      %dma_wait3A_191 = arith.constant 0 : i32
      %dma_wait3A_192 = tpu.memref_slice %arg4[%add3A_94, %dma_wait3A_191] : memref<2560x128xi32, #tpu.memory_space<hbm>> -> memref<40x128xi32, #tpu.memory_space<hbm>>
      %dma_wait3A_193 = arith.constant 0 : i32
      %dma_wait3A_194 = tpu.memref_slice %arg4[%add3A_94, %dma_wait3A_193] : memref<2560x128xi32, #tpu.memory_space<hbm>> -> memref<40x128xi32, #tpu.memory_space<hbm>>
      tpu.wait_dma2 semaphore(%run_scoped3A : memref<!tpu.dma_semaphore, #tpu.memory_space<semaphore_mem>>) src(%dma_wait3A_194 : memref<40x128xi32, #tpu.memory_space<hbm>>) dst(%arg8 : memref<40x128xi32, #tpu.memory_space<vmem>>)
      tpu.yield
    }) : () -> ()
    %dma_start3A_95 = arith.constant 0 : i32
    %dma_start3A_96 = arith.constant 0 : i32
    %dma_start3A_97 = arith.constant 0 : i32
    %dma_start3A_98 = tpu.memref_slice %arg9[%dma_start3A_96, %dma_start3A_97] : memref<256x128xf32, #tpu.memory_space<vmem>> -> memref<128x128xf32, #tpu.memory_space<vmem>>
    %dma_start3A_99 = arith.constant 0 : i32
    %dma_start3A_100 = tpu.memref_slice %arg7[%dma_start3A_95, %dma_start3A_99] : memref<40x128xi32, #tpu.memory_space<vmem>> -> memref<1x128xi32, #tpu.memory_space<vmem>>
    %dma_start3A_101 = tpu.memref_squeeze %dma_start3A_100 : memref<1x128xi32, #tpu.memory_space<vmem>> -> memref<128xi32, #tpu.memory_space<vmem>>
    %dma_start3A_102 = arith.constant 0 : i32
    %dma_start3A_103 = arith.constant 0 : i32
    %dma_start3A_104 = tpu.memref_slice %arg2[%dma_start3A_102, %dma_start3A_103] : memref<10240x128xf32, #tpu.memory_space<hbm>> -> memref<10240x128xf32, #tpu.memory_space<hbm>>
    tpu.enqueue_indirect_dma source(%dma_start3A_104 : memref<10240x128xf32, #tpu.memory_space<hbm>>) target(%dma_start3A_98 : memref<128x128xf32, #tpu.memory_space<vmem>>) offsets(%dma_start3A_101 : memref<128xi32, #tpu.memory_space<vmem>>) semaphore(%arg11 : memref<!tpu.dma_semaphore, #tpu.memory_space<semaphore_mem>>)
    %dma_wait3A_105 = arith.constant 0 : i32
    %dma_wait3A_106 = arith.constant 0 : i32
    %dma_wait3A_107 = arith.constant 0 : i32
    %dma_wait3A_108 = tpu.memref_slice %arg9[%dma_wait3A_106, %dma_wait3A_107] : memref<256x128xf32, #tpu.memory_space<vmem>> -> memref<128x128xf32, #tpu.memory_space<vmem>>
    %dma_wait3A_109 = arith.constant 0 : i32
    %dma_wait3A_110 = tpu.memref_slice %arg7[%dma_wait3A_105, %dma_wait3A_109] : memref<40x128xi32, #tpu.memory_space<vmem>> -> memref<1x128xi32, #tpu.memory_space<vmem>>
    %dma_wait3A_111 = tpu.memref_squeeze %dma_wait3A_110 : memref<1x128xi32, #tpu.memory_space<vmem>> -> memref<128xi32, #tpu.memory_space<vmem>>
    %dma_wait3A_112 = arith.constant 0 : i32
    %dma_wait3A_113 = arith.constant 0 : i32
    %dma_wait3A_114 = tpu.memref_slice %arg2[%dma_wait3A_112, %dma_wait3A_113] : memref<10240x128xf32, #tpu.memory_space<hbm>> -> memref<10240x128xf32, #tpu.memory_space<hbm>>
    tpu.wait_indirect_dma semaphore(%arg11 : memref<!tpu.dma_semaphore, #tpu.memory_space<semaphore_mem>>) src(%dma_wait3A_114 : memref<10240x128xf32, #tpu.memory_space<hbm>>) dst(%dma_wait3A_108 : memref<128x128xf32, #tpu.memory_space<vmem>>)
    %dma_start3A_115 = arith.constant 0 : i32
    %dma_start3A_116 = arith.constant 0 : i32
    %dma_start3A_117 = arith.constant 0 : i32
    %dma_start3A_118 = tpu.memref_slice %arg9[%dma_start3A_116, %dma_start3A_117] : memref<256x128xf32, #tpu.memory_space<vmem>> -> memref<128x128xf32, #tpu.memory_space<vmem>>
    %dma_start3A_119 = arith.constant 0 : i32
    %dma_start3A_120 = tpu.memref_slice %arg8[%dma_start3A_115, %dma_start3A_119] : memref<40x128xi32, #tpu.memory_space<vmem>> -> memref<1x128xi32, #tpu.memory_space<vmem>>
    %dma_start3A_121 = tpu.memref_squeeze %dma_start3A_120 : memref<1x128xi32, #tpu.memory_space<vmem>> -> memref<128xi32, #tpu.memory_space<vmem>>
    %dma_start3A_122 = arith.constant 0 : i32
    %dma_start3A_123 = arith.constant 0 : i32
    %dma_start3A_124 = tpu.memref_slice %arg10[%dma_start3A_122, %dma_start3A_123] : memref<10240x128xf32, #tpu.memory_space<vmem_shared>> -> memref<10240x128xf32, #tpu.memory_space<vmem_shared>>
    tpu.enqueue_indirect_dma source(%dma_start3A_118 : memref<128x128xf32, #tpu.memory_space<vmem>>) target(%dma_start3A_124 : memref<10240x128xf32, #tpu.memory_space<vmem_shared>>) offsets(%dma_start3A_121 : memref<128xi32, #tpu.memory_space<vmem>>) semaphore(%arg15 : memref<!tpu.dma_semaphore, #tpu.memory_space<semaphore_mem>>) {add = true}
    %dma_start3A_125 = arith.constant 1 : i32
    %dma_start3A_126 = arith.constant 128 : i32
    %dma_start3A_127 = arith.constant 0 : i32
    %dma_start3A_128 = tpu.memref_slice %arg9[%dma_start3A_126, %dma_start3A_127] : memref<256x128xf32, #tpu.memory_space<vmem>> -> memref<128x128xf32, #tpu.memory_space<vmem>>
    %dma_start3A_129 = arith.constant 0 : i32
    %dma_start3A_130 = tpu.memref_slice %arg7[%dma_start3A_125, %dma_start3A_129] : memref<40x128xi32, #tpu.memory_space<vmem>> -> memref<1x128xi32, #tpu.memory_space<vmem>>
    %dma_start3A_131 = tpu.memref_squeeze %dma_start3A_130 : memref<1x128xi32, #tpu.memory_space<vmem>> -> memref<128xi32, #tpu.memory_space<vmem>>
    %dma_start3A_132 = arith.constant 0 : i32
    %dma_start3A_133 = arith.constant 0 : i32
    %dma_start3A_134 = tpu.memref_slice %arg2[%dma_start3A_132, %dma_start3A_133] : memref<10240x128xf32, #tpu.memory_space<hbm>> -> memref<10240x128xf32, #tpu.memory_space<hbm>>
    tpu.enqueue_indirect_dma source(%dma_start3A_134 : memref<10240x128xf32, #tpu.memory_space<hbm>>) target(%dma_start3A_128 : memref<128x128xf32, #tpu.memory_space<vmem>>) offsets(%dma_start3A_131 : memref<128xi32, #tpu.memory_space<vmem>>) semaphore(%arg12 : memref<!tpu.dma_semaphore, #tpu.memory_space<semaphore_mem>>)
    %dma_wait3A_135 = arith.constant 0 : i32
    %dma_wait3A_136 = arith.constant 128 : i32
    %dma_wait3A_137 = arith.constant 0 : i32
    %dma_wait3A_138 = tpu.memref_slice %arg9[%dma_wait3A_136, %dma_wait3A_137] : memref<256x128xf32, #tpu.memory_space<vmem>> -> memref<128x128xf32, #tpu.memory_space<vmem>>
    %dma_wait3A_139 = arith.constant 0 : i32
    %dma_wait3A_140 = tpu.memref_slice %arg7[%dma_wait3A_135, %dma_wait3A_139] : memref<40x128xi32, #tpu.memory_space<vmem>> -> memref<1x128xi32, #tpu.memory_space<vmem>>
    %dma_wait3A_141 = tpu.memref_squeeze %dma_wait3A_140 : memref<1x128xi32, #tpu.memory_space<vmem>> -> memref<128xi32, #tpu.memory_space<vmem>>
    %dma_wait3A_142 = arith.constant 0 : i32
    %dma_wait3A_143 = arith.constant 0 : i32
    %dma_wait3A_144 = tpu.memref_slice %arg2[%dma_wait3A_142, %dma_wait3A_143] : memref<10240x128xf32, #tpu.memory_space<hbm>> -> memref<10240x128xf32, #tpu.memory_space<hbm>>
    tpu.wait_indirect_dma semaphore(%arg12 : memref<!tpu.dma_semaphore, #tpu.memory_space<semaphore_mem>>) src(%dma_wait3A_144 : memref<10240x128xf32, #tpu.memory_space<hbm>>) dst(%dma_wait3A_138 : memref<128x128xf32, #tpu.memory_space<vmem>>)
    %dma_start3A_145 = arith.constant 1 : i32
    %dma_start3A_146 = arith.constant 128 : i32
    %dma_start3A_147 = arith.constant 0 : i32
    %dma_start3A_148 = tpu.memref_slice %arg9[%dma_start3A_146, %dma_start3A_147] : memref<256x128xf32, #tpu.memory_space<vmem>> -> memref<128x128xf32, #tpu.memory_space<vmem>>
    %dma_start3A_149 = arith.constant 0 : i32
    %dma_start3A_150 = tpu.memref_slice %arg8[%dma_start3A_145, %dma_start3A_149] : memref<40x128xi32, #tpu.memory_space<vmem>> -> memref<1x128xi32, #tpu.memory_space<vmem>>
    %dma_start3A_151 = tpu.memref_squeeze %dma_start3A_150 : memref<1x128xi32, #tpu.memory_space<vmem>> -> memref<128xi32, #tpu.memory_space<vmem>>
    %dma_start3A_152 = arith.constant 0 : i32
    %dma_start3A_153 = arith.constant 0 : i32
    %dma_start3A_154 = tpu.memref_slice %arg10[%dma_start3A_152, %dma_start3A_153] : memref<10240x128xf32, #tpu.memory_space<vmem_shared>> -> memref<10240x128xf32, #tpu.memory_space<vmem_shared>>
    tpu.enqueue_indirect_dma source(%dma_start3A_148 : memref<128x128xf32, #tpu.memory_space<vmem>>) target(%dma_start3A_154 : memref<10240x128xf32, #tpu.memory_space<vmem_shared>>) offsets(%dma_start3A_151 : memref<128xi32, #tpu.memory_space<vmem>>) semaphore(%arg16 : memref<!tpu.dma_semaphore, #tpu.memory_space<semaphore_mem>>) {add = true}
    %scan3A_155 = arith.constant 0 : i32
    %scan3A_156 = arith.constant 1 : i32
    %scan3A_157 = arith.constant 19 : i32
    %scan3A_158 = arith.addi %scan3A_156, %scan3A_157 : i32
    %scan3A_159 = arith.constant 1 : i32
    %scan3A_160 = scf.for %scan3A_187 = %scan3A_156 to %scan3A_158 step %scan3A_159 iter_args(%scan3A_188 = %scan3A_155) -> (i32)  : i32 {
      %mul3A_189 = arith.constant 2 : i32
      %mul3A_190 = arith.muli %mul3A_189, %scan3A_187 : i32
      %dma_wait3A_191 = arith.constant 0 : i32
      %dma_wait3A_192 = arith.constant 0 : i32
      %dma_wait3A_193 = arith.constant 0 : i32
      %dma_wait3A_194 = tpu.memref_slice %arg9[%dma_wait3A_192, %dma_wait3A_193] : memref<256x128xf32, #tpu.memory_space<vmem>> -> memref<128x128xf32, #tpu.memory_space<vmem>>
      %dma_wait3A_195 = arith.constant 0 : i32
      %dma_wait3A_196 = tpu.memref_slice %arg8[%dma_wait3A_191, %dma_wait3A_195] : memref<40x128xi32, #tpu.memory_space<vmem>> -> memref<1x128xi32, #tpu.memory_space<vmem>>
      %dma_wait3A_197 = tpu.memref_squeeze %dma_wait3A_196 : memref<1x128xi32, #tpu.memory_space<vmem>> -> memref<128xi32, #tpu.memory_space<vmem>>
      %dma_wait3A_198 = arith.constant 0 : i32
      %dma_wait3A_199 = arith.constant 0 : i32
      %dma_wait3A_200 = tpu.memref_slice %arg10[%dma_wait3A_198, %dma_wait3A_199] : memref<10240x128xf32, #tpu.memory_space<vmem_shared>> -> memref<10240x128xf32, #tpu.memory_space<vmem_shared>>
      tpu.wait_indirect_dma semaphore(%arg15 : memref<!tpu.dma_semaphore, #tpu.memory_space<semaphore_mem>>) src(%dma_wait3A_194 : memref<128x128xf32, #tpu.memory_space<vmem>>) dst(%dma_wait3A_200 : memref<10240x128xf32, #tpu.memory_space<vmem_shared>>)
      %dma_start3A_201 = arith.constant 0 : i32
      %dma_start3A_202 = arith.constant 0 : i32
      %dma_start3A_203 = tpu.memref_slice %arg9[%dma_start3A_201, %dma_start3A_202] : memref<256x128xf32, #tpu.memory_space<vmem>> -> memref<128x128xf32, #tpu.memory_space<vmem>>
      %dma_start3A_204 = arith.constant 0 : i32
      %dma_start3A_205 = tpu.memref_slice %arg7[%mul3A_190, %dma_start3A_204] : memref<40x128xi32, #tpu.memory_space<vmem>> -> memref<1x128xi32, #tpu.memory_space<vmem>>
      %dma_start3A_206 = tpu.memref_squeeze %dma_start3A_205 : memref<1x128xi32, #tpu.memory_space<vmem>> -> memref<128xi32, #tpu.memory_space<vmem>>
      %dma_start3A_207 = arith.constant 0 : i32
      %dma_start3A_208 = arith.constant 0 : i32
      %dma_start3A_209 = tpu.memref_slice %arg2[%dma_start3A_207, %dma_start3A_208] : memref<10240x128xf32, #tpu.memory_space<hbm>> -> memref<10240x128xf32, #tpu.memory_space<hbm>>
      tpu.enqueue_indirect_dma source(%dma_start3A_209 : memref<10240x128xf32, #tpu.memory_space<hbm>>) target(%dma_start3A_203 : memref<128x128xf32, #tpu.memory_space<vmem>>) offsets(%dma_start3A_206 : memref<128xi32, #tpu.memory_space<vmem>>) semaphore(%arg11 : memref<!tpu.dma_semaphore, #tpu.memory_space<semaphore_mem>>)
      %dma_wait3A_210 = arith.constant 0 : i32
      %dma_wait3A_211 = arith.constant 128 : i32
      %dma_wait3A_212 = arith.constant 0 : i32
      %dma_wait3A_213 = tpu.memref_slice %arg9[%dma_wait3A_211, %dma_wait3A_212] : memref<256x128xf32, #tpu.memory_space<vmem>> -> memref<128x128xf32, #tpu.memory_space<vmem>>
      %dma_wait3A_214 = arith.constant 0 : i32
      %dma_wait3A_215 = tpu.memref_slice %arg8[%dma_wait3A_210, %dma_wait3A_214] : memref<40x128xi32, #tpu.memory_space<vmem>> -> memref<1x128xi32, #tpu.memory_space<vmem>>
      %dma_wait3A_216 = tpu.memref_squeeze %dma_wait3A_215 : memref<1x128xi32, #tpu.memory_space<vmem>> -> memref<128xi32, #tpu.memory_space<vmem>>
      %dma_wait3A_217 = arith.constant 0 : i32
      %dma_wait3A_218 = arith.constant 0 : i32
      %dma_wait3A_219 = tpu.memref_slice %arg10[%dma_wait3A_217, %dma_wait3A_218] : memref<10240x128xf32, #tpu.memory_space<vmem_shared>> -> memref<10240x128xf32, #tpu.memory_space<vmem_shared>>
      tpu.wait_indirect_dma semaphore(%arg16 : memref<!tpu.dma_semaphore, #tpu.memory_space<semaphore_mem>>) src(%dma_wait3A_213 : memref<128x128xf32, #tpu.memory_space<vmem>>) dst(%dma_wait3A_219 : memref<10240x128xf32, #tpu.memory_space<vmem_shared>>)
      %dma_wait3A_220 = arith.constant 0 : i32
      %dma_wait3A_221 = arith.constant 0 : i32
      %dma_wait3A_222 = arith.constant 0 : i32
      %dma_wait3A_223 = tpu.memref_slice %arg9[%dma_wait3A_221, %dma_wait3A_222] : memref<256x128xf32, #tpu.memory_space<vmem>> -> memref<128x128xf32, #tpu.memory_space<vmem>>
      %dma_wait3A_224 = arith.constant 0 : i32
      %dma_wait3A_225 = tpu.memref_slice %arg7[%dma_wait3A_220, %dma_wait3A_224] : memref<40x128xi32, #tpu.memory_space<vmem>> -> memref<1x128xi32, #tpu.memory_space<vmem>>
      %dma_wait3A_226 = tpu.memref_squeeze %dma_wait3A_225 : memref<1x128xi32, #tpu.memory_space<vmem>> -> memref<128xi32, #tpu.memory_space<vmem>>
      %dma_wait3A_227 = arith.constant 0 : i32
      %dma_wait3A_228 = arith.constant 0 : i32
      %dma_wait3A_229 = tpu.memref_slice %arg2[%dma_wait3A_227, %dma_wait3A_228] : memref<10240x128xf32, #tpu.memory_space<hbm>> -> memref<10240x128xf32, #tpu.memory_space<hbm>>
      tpu.wait_indirect_dma semaphore(%arg11 : memref<!tpu.dma_semaphore, #tpu.memory_space<semaphore_mem>>) src(%dma_wait3A_229 : memref<10240x128xf32, #tpu.memory_space<hbm>>) dst(%dma_wait3A_223 : memref<128x128xf32, #tpu.memory_space<vmem>>)
      %dma_start3A_230 = arith.constant 0 : i32
      %dma_start3A_231 = arith.constant 0 : i32
      %dma_start3A_232 = tpu.memref_slice %arg9[%dma_start3A_230, %dma_start3A_231] : memref<256x128xf32, #tpu.memory_space<vmem>> -> memref<128x128xf32, #tpu.memory_space<vmem>>
      %dma_start3A_233 = arith.constant 0 : i32
      %dma_start3A_234 = tpu.memref_slice %arg8[%mul3A_190, %dma_start3A_233] : memref<40x128xi32, #tpu.memory_space<vmem>> -> memref<1x128xi32, #tpu.memory_space<vmem>>
      %dma_start3A_235 = tpu.memref_squeeze %dma_start3A_234 : memref<1x128xi32, #tpu.memory_space<vmem>> -> memref<128xi32, #tpu.memory_space<vmem>>
      %dma_start3A_236 = arith.constant 0 : i32
      %dma_start3A_237 = arith.constant 0 : i32
      %dma_start3A_238 = tpu.memref_slice %arg10[%dma_start3A_236, %dma_start3A_237] : memref<10240x128xf32, #tpu.memory_space<vmem_shared>> -> memref<10240x128xf32, #tpu.memory_space<vmem_shared>>
      tpu.enqueue_indirect_dma source(%dma_start3A_232 : memref<128x128xf32, #tpu.memory_space<vmem>>) target(%dma_start3A_238 : memref<10240x128xf32, #tpu.memory_space<vmem_shared>>) offsets(%dma_start3A_235 : memref<128xi32, #tpu.memory_space<vmem>>) semaphore(%arg15 : memref<!tpu.dma_semaphore, #tpu.memory_space<semaphore_mem>>) {add = true}
      %add3A_239 = arith.constant 1 : i32
      %add3A_240 = arith.addi %mul3A_190, %add3A_239 : i32
      %dma_start3A_241 = arith.constant 128 : i32
      %dma_start3A_242 = arith.constant 0 : i32
      %dma_start3A_243 = tpu.memref_slice %arg9[%dma_start3A_241, %dma_start3A_242] : memref<256x128xf32, #tpu.memory_space<vmem>> -> memref<128x128xf32, #tpu.memory_space<vmem>>
      %dma_start3A_244 = arith.constant 0 : i32
      %dma_start3A_245 = tpu.memref_slice %arg7[%add3A_240, %dma_start3A_244] : memref<40x128xi32, #tpu.memory_space<vmem>> -> memref<1x128xi32, #tpu.memory_space<vmem>>
      %dma_start3A_246 = tpu.memref_squeeze %dma_start3A_245 : memref<1x128xi32, #tpu.memory_space<vmem>> -> memref<128xi32, #tpu.memory_space<vmem>>
      %dma_start3A_247 = arith.constant 0 : i32
      %dma_start3A_248 = arith.constant 0 : i32
      %dma_start3A_249 = tpu.memref_slice %arg2[%dma_start3A_247, %dma_start3A_248] : memref<10240x128xf32, #tpu.memory_space<hbm>> -> memref<10240x128xf32, #tpu.memory_space<hbm>>
      tpu.enqueue_indirect_dma source(%dma_start3A_249 : memref<10240x128xf32, #tpu.memory_space<hbm>>) target(%dma_start3A_243 : memref<128x128xf32, #tpu.memory_space<vmem>>) offsets(%dma_start3A_246 : memref<128xi32, #tpu.memory_space<vmem>>) semaphore(%arg12 : memref<!tpu.dma_semaphore, #tpu.memory_space<semaphore_mem>>)
      %dma_wait3A_250 = arith.constant 0 : i32
      %dma_wait3A_251 = arith.constant 128 : i32
      %dma_wait3A_252 = arith.constant 0 : i32
      %dma_wait3A_253 = tpu.memref_slice %arg9[%dma_wait3A_251, %dma_wait3A_252] : memref<256x128xf32, #tpu.memory_space<vmem>> -> memref<128x128xf32, #tpu.memory_space<vmem>>
      %dma_wait3A_254 = arith.constant 0 : i32
      %dma_wait3A_255 = tpu.memref_slice %arg7[%dma_wait3A_250, %dma_wait3A_254] : memref<40x128xi32, #tpu.memory_space<vmem>> -> memref<1x128xi32, #tpu.memory_space<vmem>>
      %dma_wait3A_256 = tpu.memref_squeeze %dma_wait3A_255 : memref<1x128xi32, #tpu.memory_space<vmem>> -> memref<128xi32, #tpu.memory_space<vmem>>
      %dma_wait3A_257 = arith.constant 0 : i32
      %dma_wait3A_258 = arith.constant 0 : i32
      %dma_wait3A_259 = tpu.memref_slice %arg2[%dma_wait3A_257, %dma_wait3A_258] : memref<10240x128xf32, #tpu.memory_space<hbm>> -> memref<10240x128xf32, #tpu.memory_space<hbm>>
      tpu.wait_indirect_dma semaphore(%arg12 : memref<!tpu.dma_semaphore, #tpu.memory_space<semaphore_mem>>) src(%dma_wait3A_259 : memref<10240x128xf32, #tpu.memory_space<hbm>>) dst(%dma_wait3A_253 : memref<128x128xf32, #tpu.memory_space<vmem>>)
      %add3A_260 = arith.constant 1 : i32
      %add3A_261 = arith.addi %mul3A_190, %add3A_260 : i32
      %dma_start3A_262 = arith.constant 128 : i32
      %dma_start3A_263 = arith.constant 0 : i32
      %dma_start3A_264 = tpu.memref_slice %arg9[%dma_start3A_262, %dma_start3A_263] : memref<256x128xf32, #tpu.memory_space<vmem>> -> memref<128x128xf32, #tpu.memory_space<vmem>>
      %dma_start3A_265 = arith.constant 0 : i32
      %dma_start3A_266 = tpu.memref_slice %arg8[%add3A_261, %dma_start3A_265] : memref<40x128xi32, #tpu.memory_space<vmem>> -> memref<1x128xi32, #tpu.memory_space<vmem>>
      %dma_start3A_267 = tpu.memref_squeeze %dma_start3A_266 : memref<1x128xi32, #tpu.memory_space<vmem>> -> memref<128xi32, #tpu.memory_space<vmem>>
      %dma_start3A_268 = arith.constant 0 : i32
      %dma_start3A_269 = arith.constant 0 : i32
      %dma_start3A_270 = tpu.memref_slice %arg10[%dma_start3A_268, %dma_start3A_269] : memref<10240x128xf32, #tpu.memory_space<vmem_shared>> -> memref<10240x128xf32, #tpu.memory_space<vmem_shared>>
      tpu.enqueue_indirect_dma source(%dma_start3A_264 : memref<128x128xf32, #tpu.memory_space<vmem>>) target(%dma_start3A_270 : memref<10240x128xf32, #tpu.memory_space<vmem_shared>>) offsets(%dma_start3A_267 : memref<128xi32, #tpu.memory_space<vmem>>) semaphore(%arg16 : memref<!tpu.dma_semaphore, #tpu.memory_space<semaphore_mem>>) {add = true}
      %scan3A_271 = arith.constant 0 : i32
      scf.yield %scan3A_271 : i32
    }
    %scan3A_161 = arith.constant 19 : i32
    %dma_wait3A_162 = arith.constant 0 : i32
    %dma_wait3A_163 = arith.constant 0 : i32
    %dma_wait3A_164 = arith.constant 0 : i32
    %dma_wait3A_165 = tpu.memref_slice %arg9[%dma_wait3A_163, %dma_wait3A_164] : memref<256x128xf32, #tpu.memory_space<vmem>> -> memref<128x128xf32, #tpu.memory_space<vmem>>
    %dma_wait3A_166 = arith.constant 0 : i32
    %dma_wait3A_167 = tpu.memref_slice %arg8[%dma_wait3A_162, %dma_wait3A_166] : memref<40x128xi32, #tpu.memory_space<vmem>> -> memref<1x128xi32, #tpu.memory_space<vmem>>
    %dma_wait3A_168 = tpu.memref_squeeze %dma_wait3A_167 : memref<1x128xi32, #tpu.memory_space<vmem>> -> memref<128xi32, #tpu.memory_space<vmem>>
    %dma_wait3A_169 = arith.constant 0 : i32
    %dma_wait3A_170 = arith.constant 0 : i32
    %dma_wait3A_171 = tpu.memref_slice %arg10[%dma_wait3A_169, %dma_wait3A_170] : memref<10240x128xf32, #tpu.memory_space<vmem_shared>> -> memref<10240x128xf32, #tpu.memory_space<vmem_shared>>
    tpu.wait_indirect_dma semaphore(%arg15 : memref<!tpu.dma_semaphore, #tpu.memory_space<semaphore_mem>>) src(%dma_wait3A_165 : memref<128x128xf32, #tpu.memory_space<vmem>>) dst(%dma_wait3A_171 : memref<10240x128xf32, #tpu.memory_space<vmem_shared>>)
    %dma_wait3A_172 = arith.constant 0 : i32
    %dma_wait3A_173 = arith.constant 128 : i32
    %dma_wait3A_174 = arith.constant 0 : i32
    %dma_wait3A_175 = tpu.memref_slice %arg9[%dma_wait3A_173, %dma_wait3A_174] : memref<256x128xf32, #tpu.memory_space<vmem>> -> memref<128x128xf32, #tpu.memory_space<vmem>>
    %dma_wait3A_176 = arith.constant 0 : i32
    %dma_wait3A_177 = tpu.memref_slice %arg8[%dma_wait3A_172, %dma_wait3A_176] : memref<40x128xi32, #tpu.memory_space<vmem>> -> memref<1x128xi32, #tpu.memory_space<vmem>>
    %dma_wait3A_178 = tpu.memref_squeeze %dma_wait3A_177 : memref<1x128xi32, #tpu.memory_space<vmem>> -> memref<128xi32, #tpu.memory_space<vmem>>
    %dma_wait3A_179 = arith.constant 0 : i32
    %dma_wait3A_180 = arith.constant 0 : i32
    %dma_wait3A_181 = tpu.memref_slice %arg10[%dma_wait3A_179, %dma_wait3A_180] : memref<10240x128xf32, #tpu.memory_space<vmem_shared>> -> memref<10240x128xf32, #tpu.memory_space<vmem_shared>>
    tpu.wait_indirect_dma semaphore(%arg16 : memref<!tpu.dma_semaphore, #tpu.memory_space<semaphore_mem>>) src(%dma_wait3A_175 : memref<128x128xf32, #tpu.memory_space<vmem>>) dst(%dma_wait3A_181 : memref<10240x128xf32, #tpu.memory_space<vmem_shared>>)
    %barrier3A_182 = arith.constant 0 : index
    tpu.barrier barrier_id(%barrier3A_182)
    %mul3A_183 = arith.constant 640 : i32
    %mul3A_184 = arith.muli %arg1, %mul3A_183 : i32
    %mul3A_185 = arith.constant 640 : i32
    %mul3A_186 = arith.muli %arg1, %mul3A_185 : i32
    "tpu.region"() ({
      %run_scoped3A = tpu.sem_alloc : memref<!tpu.dma_semaphore, #tpu.memory_space<semaphore_mem>>
      %dma_start3A_187 = arith.constant 0 : i32
      %dma_start3A_188 = tpu.memref_slice %arg6[%arg0, %mul3A_186, %dma_start3A_187] : memref<2x10240x128xf32, #tpu.memory_space<hbm>> -> memref<1x640x128xf32, #tpu.memory_space<hbm>>
      %dma_start3A_189 = tpu.memref_squeeze %dma_start3A_188 : memref<1x640x128xf32, #tpu.memory_space<hbm>> -> memref<640x128xf32, #tpu.memory_space<hbm>>
      %dma_start3A_190 = arith.constant 0 : i32
      %dma_start3A_191 = tpu.memref_slice %arg10[%mul3A_184, %dma_start3A_190] : memref<10240x128xf32, #tpu.memory_space<vmem_shared>> -> memref<640x128xf32, #tpu.memory_space<vmem_shared>>
      tpu.enqueue_dma source(%dma_start3A_191 : memref<640x128xf32, #tpu.memory_space<vmem_shared>>) target(%dma_start3A_189 : memref<640x128xf32, #tpu.memory_space<hbm>>) target_semaphore(%run_scoped3A : memref<!tpu.dma_semaphore, #tpu.memory_space<semaphore_mem>>)
      %dma_wait3A_192 = arith.constant 0 : i32
      %dma_wait3A_193 = tpu.memref_slice %arg6[%arg0, %mul3A_186, %dma_wait3A_192] : memref<2x10240x128xf32, #tpu.memory_space<hbm>> -> memref<1x640x128xf32, #tpu.memory_space<hbm>>
      %dma_wait3A_194 = tpu.memref_squeeze %dma_wait3A_193 : memref<1x640x128xf32, #tpu.memory_space<hbm>> -> memref<640x128xf32, #tpu.memory_space<hbm>>
      %dma_wait3A_195 = arith.constant 0 : i32
      %dma_wait3A_196 = tpu.memref_slice %arg10[%mul3A_184, %dma_wait3A_195] : memref<10240x128xf32, #tpu.memory_space<vmem_shared>> -> memref<640x128xf32, #tpu.memory_space<vmem_shared>>
      tpu.wait_dma2 semaphore(%run_scoped3A : memref<!tpu.dma_semaphore, #tpu.memory_space<semaphore_mem>>) src(%dma_wait3A_196 : memref<640x128xf32, #tpu.memory_space<vmem_shared>>) dst(%dma_wait3A_194 : memref<640x128xf32, #tpu.memory_space<hbm>>)
      tpu.yield
    }) : () -> ()
    return
  }
}

#map = affine_map<(d0, d1) -> (0, 0)>
#map1 = affine_map<(d0, d1) -> (0, 0, 0)>
module attributes {stable_mosaic.version = 14 : i64} {
  func.func @_deg_pass(%arg0: i32, %arg1: i32, %arg2: memref<2560x128xi32, #tpu.memory_space<hbm>>, %arg3: memref<640x128xf32, #tpu.memory_space<hbm>>, %arg4: memref<128x128xf32, #tpu.memory_space<hbm>>, %arg5: memref<2x10240x128xf32, #tpu.memory_space<hbm>>, %arg6: memref<80x128xi32, #tpu.memory_space<vmem>>, %arg7: memref<128x128xf32, #tpu.memory_space<vmem>>, %arg8: memref<10240x128xf32, #tpu.memory_space<vmem_shared>>, %arg9: memref<!tpu.dma_semaphore, #tpu.memory_space<semaphore_mem>>) attributes {dimension_semantics = [#tpu.dimension_semantics<core_parallel>, #tpu.dimension_semantics<subcore_parallel>], iteration_bounds = array<i64: 2, 16>, scalar_prefetch = 0 : i64, scratch_operands = 4 : i64, tpu.core_type = #tpu.core_type<sc_vector_subcore>, window_params = [{transform_indices = #map}, {transform_indices = #map}, {transform_indices = #map}, {transform_indices = #map1}]} {
    %mul3A = arith.constant 2 : i32
    %mul3A_0 = arith.muli %arg1, %mul3A : i32
    %add3A = arith.addi %mul3A_0, %arg0 : i32
    %mul3A_1 = arith.constant 640 : i32
    %mul3A_2 = arith.muli %arg1, %mul3A_1 : i32
    "tpu.region"() ({
      %run_scoped3A = tpu.sem_alloc : memref<!tpu.dma_semaphore, #tpu.memory_space<semaphore_mem>>
      %dma_start3A = arith.constant 0 : i32
      %dma_start3A_16 = tpu.memref_slice %arg8[%mul3A_2, %dma_start3A] : memref<10240x128xf32, #tpu.memory_space<vmem_shared>> -> memref<640x128xf32, #tpu.memory_space<vmem_shared>>
      tpu.enqueue_dma source(%arg3 : memref<640x128xf32, #tpu.memory_space<hbm>>) target(%dma_start3A_16 : memref<640x128xf32, #tpu.memory_space<vmem_shared>>) target_semaphore(%run_scoped3A : memref<!tpu.dma_semaphore, #tpu.memory_space<semaphore_mem>>)
      %dma_wait3A = arith.constant 0 : i32
      %dma_wait3A_17 = tpu.memref_slice %arg8[%mul3A_2, %dma_wait3A] : memref<10240x128xf32, #tpu.memory_space<vmem_shared>> -> memref<640x128xf32, #tpu.memory_space<vmem_shared>>
      tpu.wait_dma2 semaphore(%run_scoped3A : memref<!tpu.dma_semaphore, #tpu.memory_space<semaphore_mem>>) src(%arg3 : memref<640x128xf32, #tpu.memory_space<hbm>>) dst(%dma_wait3A_17 : memref<640x128xf32, #tpu.memory_space<vmem_shared>>)
      tpu.yield
    }) : () -> ()
    "tpu.region"() ({
      %run_scoped3A = tpu.sem_alloc : memref<!tpu.dma_semaphore, #tpu.memory_space<semaphore_mem>>
      tpu.enqueue_dma source(%arg4 : memref<128x128xf32, #tpu.memory_space<hbm>>) target(%arg7 : memref<128x128xf32, #tpu.memory_space<vmem>>) target_semaphore(%run_scoped3A : memref<!tpu.dma_semaphore, #tpu.memory_space<semaphore_mem>>)
      tpu.wait_dma2 semaphore(%run_scoped3A : memref<!tpu.dma_semaphore, #tpu.memory_space<semaphore_mem>>) src(%arg4 : memref<128x128xf32, #tpu.memory_space<hbm>>) dst(%arg7 : memref<128x128xf32, #tpu.memory_space<vmem>>)
      tpu.yield
    }) : () -> ()
    %mul3A_3 = arith.constant 80 : i32
    %mul3A_4 = arith.muli %add3A, %mul3A_3 : i32
    "tpu.region"() ({
      %run_scoped3A = tpu.sem_alloc : memref<!tpu.dma_semaphore, #tpu.memory_space<semaphore_mem>>
      %dma_start3A = arith.constant 0 : i32
      %dma_start3A_16 = tpu.memref_slice %arg2[%mul3A_4, %dma_start3A] : memref<2560x128xi32, #tpu.memory_space<hbm>> -> memref<80x128xi32, #tpu.memory_space<hbm>>
      %dma_start3A_17 = arith.constant 0 : i32
      %dma_start3A_18 = tpu.memref_slice %arg2[%mul3A_4, %dma_start3A_17] : memref<2560x128xi32, #tpu.memory_space<hbm>> -> memref<80x128xi32, #tpu.memory_space<hbm>>
      tpu.enqueue_dma source(%dma_start3A_18 : memref<80x128xi32, #tpu.memory_space<hbm>>) target(%arg6 : memref<80x128xi32, #tpu.memory_space<vmem>>) target_semaphore(%run_scoped3A : memref<!tpu.dma_semaphore, #tpu.memory_space<semaphore_mem>>)
      %dma_wait3A = arith.constant 0 : i32
      %dma_wait3A_19 = tpu.memref_slice %arg2[%mul3A_4, %dma_wait3A] : memref<2560x128xi32, #tpu.memory_space<hbm>> -> memref<80x128xi32, #tpu.memory_space<hbm>>
      %dma_wait3A_20 = arith.constant 0 : i32
      %dma_wait3A_21 = tpu.memref_slice %arg2[%mul3A_4, %dma_wait3A_20] : memref<2560x128xi32, #tpu.memory_space<hbm>> -> memref<80x128xi32, #tpu.memory_space<hbm>>
      tpu.wait_dma2 semaphore(%run_scoped3A : memref<!tpu.dma_semaphore, #tpu.memory_space<semaphore_mem>>) src(%dma_wait3A_21 : memref<80x128xi32, #tpu.memory_space<hbm>>) dst(%arg6 : memref<80x128xi32, #tpu.memory_space<vmem>>)
      tpu.yield
    }) : () -> ()
    %barrier3A = arith.constant 0 : index
    tpu.barrier barrier_id(%barrier3A)
    %scan3A = arith.constant 0 : i32
    %scan3A_5 = arith.constant 0 : i32
    %scan3A_6 = arith.constant 10 : i32
    %scan3A_7 = arith.addi %scan3A_5, %scan3A_6 : i32
    %scan3A_8 = arith.constant 1 : i32
    %scan3A_9 = scf.for %scan3A_16 = %scan3A_5 to %scan3A_7 step %scan3A_8 iter_args(%scan3A_17 = %scan3A) -> (i32)  : i32 {
      %mul3A_18 = arith.constant 8 : i32
      %mul3A_19 = arith.muli %mul3A_18, %scan3A_16 : i32
      %add3A_20 = arith.constant 0 : i32
      %add3A_21 = arith.addi %mul3A_19, %add3A_20 : i32
      %dma_start3A = arith.constant 0 : i32
      %dma_start3A_22 = tpu.memref_slice %arg6[%add3A_21, %dma_start3A] : memref<80x128xi32, #tpu.memory_space<vmem>> -> memref<1x128xi32, #tpu.memory_space<vmem>>
      %dma_start3A_23 = tpu.memref_squeeze %dma_start3A_22 : memref<1x128xi32, #tpu.memory_space<vmem>> -> memref<128xi32, #tpu.memory_space<vmem>>
      %dma_start3A_24 = arith.constant 0 : i32
      %dma_start3A_25 = arith.constant 0 : i32
      %dma_start3A_26 = tpu.memref_slice %arg8[%dma_start3A_24, %dma_start3A_25] : memref<10240x128xf32, #tpu.memory_space<vmem_shared>> -> memref<10240x128xf32, #tpu.memory_space<vmem_shared>>
      tpu.enqueue_indirect_dma source(%arg7 : memref<128x128xf32, #tpu.memory_space<vmem>>) target(%dma_start3A_26 : memref<10240x128xf32, #tpu.memory_space<vmem_shared>>) offsets(%dma_start3A_23 : memref<128xi32, #tpu.memory_space<vmem>>) semaphore(%arg9 : memref<!tpu.dma_semaphore, #tpu.memory_space<semaphore_mem>>) {add = true}
      %add3A_27 = arith.constant 1 : i32
      %add3A_28 = arith.addi %mul3A_19, %add3A_27 : i32
      %dma_start3A_29 = arith.constant 0 : i32
      %dma_start3A_30 = tpu.memref_slice %arg6[%add3A_28, %dma_start3A_29] : memref<80x128xi32, #tpu.memory_space<vmem>> -> memref<1x128xi32, #tpu.memory_space<vmem>>
      %dma_start3A_31 = tpu.memref_squeeze %dma_start3A_30 : memref<1x128xi32, #tpu.memory_space<vmem>> -> memref<128xi32, #tpu.memory_space<vmem>>
      %dma_start3A_32 = arith.constant 0 : i32
      %dma_start3A_33 = arith.constant 0 : i32
      %dma_start3A_34 = tpu.memref_slice %arg8[%dma_start3A_32, %dma_start3A_33] : memref<10240x128xf32, #tpu.memory_space<vmem_shared>> -> memref<10240x128xf32, #tpu.memory_space<vmem_shared>>
      tpu.enqueue_indirect_dma source(%arg7 : memref<128x128xf32, #tpu.memory_space<vmem>>) target(%dma_start3A_34 : memref<10240x128xf32, #tpu.memory_space<vmem_shared>>) offsets(%dma_start3A_31 : memref<128xi32, #tpu.memory_space<vmem>>) semaphore(%arg9 : memref<!tpu.dma_semaphore, #tpu.memory_space<semaphore_mem>>) {add = true}
      %add3A_35 = arith.constant 2 : i32
      %add3A_36 = arith.addi %mul3A_19, %add3A_35 : i32
      %dma_start3A_37 = arith.constant 0 : i32
      %dma_start3A_38 = tpu.memref_slice %arg6[%add3A_36, %dma_start3A_37] : memref<80x128xi32, #tpu.memory_space<vmem>> -> memref<1x128xi32, #tpu.memory_space<vmem>>
      %dma_start3A_39 = tpu.memref_squeeze %dma_start3A_38 : memref<1x128xi32, #tpu.memory_space<vmem>> -> memref<128xi32, #tpu.memory_space<vmem>>
      %dma_start3A_40 = arith.constant 0 : i32
      %dma_start3A_41 = arith.constant 0 : i32
      %dma_start3A_42 = tpu.memref_slice %arg8[%dma_start3A_40, %dma_start3A_41] : memref<10240x128xf32, #tpu.memory_space<vmem_shared>> -> memref<10240x128xf32, #tpu.memory_space<vmem_shared>>
      tpu.enqueue_indirect_dma source(%arg7 : memref<128x128xf32, #tpu.memory_space<vmem>>) target(%dma_start3A_42 : memref<10240x128xf32, #tpu.memory_space<vmem_shared>>) offsets(%dma_start3A_39 : memref<128xi32, #tpu.memory_space<vmem>>) semaphore(%arg9 : memref<!tpu.dma_semaphore, #tpu.memory_space<semaphore_mem>>) {add = true}
      %add3A_43 = arith.constant 3 : i32
      %add3A_44 = arith.addi %mul3A_19, %add3A_43 : i32
      %dma_start3A_45 = arith.constant 0 : i32
      %dma_start3A_46 = tpu.memref_slice %arg6[%add3A_44, %dma_start3A_45] : memref<80x128xi32, #tpu.memory_space<vmem>> -> memref<1x128xi32, #tpu.memory_space<vmem>>
      %dma_start3A_47 = tpu.memref_squeeze %dma_start3A_46 : memref<1x128xi32, #tpu.memory_space<vmem>> -> memref<128xi32, #tpu.memory_space<vmem>>
      %dma_start3A_48 = arith.constant 0 : i32
      %dma_start3A_49 = arith.constant 0 : i32
      %dma_start3A_50 = tpu.memref_slice %arg8[%dma_start3A_48, %dma_start3A_49] : memref<10240x128xf32, #tpu.memory_space<vmem_shared>> -> memref<10240x128xf32, #tpu.memory_space<vmem_shared>>
      tpu.enqueue_indirect_dma source(%arg7 : memref<128x128xf32, #tpu.memory_space<vmem>>) target(%dma_start3A_50 : memref<10240x128xf32, #tpu.memory_space<vmem_shared>>) offsets(%dma_start3A_47 : memref<128xi32, #tpu.memory_space<vmem>>) semaphore(%arg9 : memref<!tpu.dma_semaphore, #tpu.memory_space<semaphore_mem>>) {add = true}
      %add3A_51 = arith.constant 4 : i32
      %add3A_52 = arith.addi %mul3A_19, %add3A_51 : i32
      %dma_start3A_53 = arith.constant 0 : i32
      %dma_start3A_54 = tpu.memref_slice %arg6[%add3A_52, %dma_start3A_53] : memref<80x128xi32, #tpu.memory_space<vmem>> -> memref<1x128xi32, #tpu.memory_space<vmem>>
      %dma_start3A_55 = tpu.memref_squeeze %dma_start3A_54 : memref<1x128xi32, #tpu.memory_space<vmem>> -> memref<128xi32, #tpu.memory_space<vmem>>
      %dma_start3A_56 = arith.constant 0 : i32
      %dma_start3A_57 = arith.constant 0 : i32
      %dma_start3A_58 = tpu.memref_slice %arg8[%dma_start3A_56, %dma_start3A_57] : memref<10240x128xf32, #tpu.memory_space<vmem_shared>> -> memref<10240x128xf32, #tpu.memory_space<vmem_shared>>
      tpu.enqueue_indirect_dma source(%arg7 : memref<128x128xf32, #tpu.memory_space<vmem>>) target(%dma_start3A_58 : memref<10240x128xf32, #tpu.memory_space<vmem_shared>>) offsets(%dma_start3A_55 : memref<128xi32, #tpu.memory_space<vmem>>) semaphore(%arg9 : memref<!tpu.dma_semaphore, #tpu.memory_space<semaphore_mem>>) {add = true}
      %add3A_59 = arith.constant 5 : i32
      %add3A_60 = arith.addi %mul3A_19, %add3A_59 : i32
      %dma_start3A_61 = arith.constant 0 : i32
      %dma_start3A_62 = tpu.memref_slice %arg6[%add3A_60, %dma_start3A_61] : memref<80x128xi32, #tpu.memory_space<vmem>> -> memref<1x128xi32, #tpu.memory_space<vmem>>
      %dma_start3A_63 = tpu.memref_squeeze %dma_start3A_62 : memref<1x128xi32, #tpu.memory_space<vmem>> -> memref<128xi32, #tpu.memory_space<vmem>>
      %dma_start3A_64 = arith.constant 0 : i32
      %dma_start3A_65 = arith.constant 0 : i32
      %dma_start3A_66 = tpu.memref_slice %arg8[%dma_start3A_64, %dma_start3A_65] : memref<10240x128xf32, #tpu.memory_space<vmem_shared>> -> memref<10240x128xf32, #tpu.memory_space<vmem_shared>>
      tpu.enqueue_indirect_dma source(%arg7 : memref<128x128xf32, #tpu.memory_space<vmem>>) target(%dma_start3A_66 : memref<10240x128xf32, #tpu.memory_space<vmem_shared>>) offsets(%dma_start3A_63 : memref<128xi32, #tpu.memory_space<vmem>>) semaphore(%arg9 : memref<!tpu.dma_semaphore, #tpu.memory_space<semaphore_mem>>) {add = true}
      %add3A_67 = arith.constant 6 : i32
      %add3A_68 = arith.addi %mul3A_19, %add3A_67 : i32
      %dma_start3A_69 = arith.constant 0 : i32
      %dma_start3A_70 = tpu.memref_slice %arg6[%add3A_68, %dma_start3A_69] : memref<80x128xi32, #tpu.memory_space<vmem>> -> memref<1x128xi32, #tpu.memory_space<vmem>>
      %dma_start3A_71 = tpu.memref_squeeze %dma_start3A_70 : memref<1x128xi32, #tpu.memory_space<vmem>> -> memref<128xi32, #tpu.memory_space<vmem>>
      %dma_start3A_72 = arith.constant 0 : i32
      %dma_start3A_73 = arith.constant 0 : i32
      %dma_start3A_74 = tpu.memref_slice %arg8[%dma_start3A_72, %dma_start3A_73] : memref<10240x128xf32, #tpu.memory_space<vmem_shared>> -> memref<10240x128xf32, #tpu.memory_space<vmem_shared>>
      tpu.enqueue_indirect_dma source(%arg7 : memref<128x128xf32, #tpu.memory_space<vmem>>) target(%dma_start3A_74 : memref<10240x128xf32, #tpu.memory_space<vmem_shared>>) offsets(%dma_start3A_71 : memref<128xi32, #tpu.memory_space<vmem>>) semaphore(%arg9 : memref<!tpu.dma_semaphore, #tpu.memory_space<semaphore_mem>>) {add = true}
      %add3A_75 = arith.constant 7 : i32
      %add3A_76 = arith.addi %mul3A_19, %add3A_75 : i32
      %dma_start3A_77 = arith.constant 0 : i32
      %dma_start3A_78 = tpu.memref_slice %arg6[%add3A_76, %dma_start3A_77] : memref<80x128xi32, #tpu.memory_space<vmem>> -> memref<1x128xi32, #tpu.memory_space<vmem>>
      %dma_start3A_79 = tpu.memref_squeeze %dma_start3A_78 : memref<1x128xi32, #tpu.memory_space<vmem>> -> memref<128xi32, #tpu.memory_space<vmem>>
      %dma_start3A_80 = arith.constant 0 : i32
      %dma_start3A_81 = arith.constant 0 : i32
      %dma_start3A_82 = tpu.memref_slice %arg8[%dma_start3A_80, %dma_start3A_81] : memref<10240x128xf32, #tpu.memory_space<vmem_shared>> -> memref<10240x128xf32, #tpu.memory_space<vmem_shared>>
      tpu.enqueue_indirect_dma source(%arg7 : memref<128x128xf32, #tpu.memory_space<vmem>>) target(%dma_start3A_82 : memref<10240x128xf32, #tpu.memory_space<vmem_shared>>) offsets(%dma_start3A_79 : memref<128xi32, #tpu.memory_space<vmem>>) semaphore(%arg9 : memref<!tpu.dma_semaphore, #tpu.memory_space<semaphore_mem>>) {add = true}
      %dma_wait3A = arith.constant 0 : i32
      %dma_wait3A_83 = tpu.memref_slice %arg6[%add3A_21, %dma_wait3A] : memref<80x128xi32, #tpu.memory_space<vmem>> -> memref<1x128xi32, #tpu.memory_space<vmem>>
      %dma_wait3A_84 = tpu.memref_squeeze %dma_wait3A_83 : memref<1x128xi32, #tpu.memory_space<vmem>> -> memref<128xi32, #tpu.memory_space<vmem>>
      %dma_wait3A_85 = arith.constant 0 : i32
      %dma_wait3A_86 = arith.constant 0 : i32
      %dma_wait3A_87 = tpu.memref_slice %arg8[%dma_wait3A_85, %dma_wait3A_86] : memref<10240x128xf32, #tpu.memory_space<vmem_shared>> -> memref<10240x128xf32, #tpu.memory_space<vmem_shared>>
      tpu.wait_indirect_dma semaphore(%arg9 : memref<!tpu.dma_semaphore, #tpu.memory_space<semaphore_mem>>) src(%arg7 : memref<128x128xf32, #tpu.memory_space<vmem>>) dst(%dma_wait3A_87 : memref<10240x128xf32, #tpu.memory_space<vmem_shared>>)
      %dma_wait3A_88 = arith.constant 0 : i32
      %dma_wait3A_89 = tpu.memref_slice %arg6[%add3A_28, %dma_wait3A_88] : memref<80x128xi32, #tpu.memory_space<vmem>> -> memref<1x128xi32, #tpu.memory_space<vmem>>
      %dma_wait3A_90 = tpu.memref_squeeze %dma_wait3A_89 : memref<1x128xi32, #tpu.memory_space<vmem>> -> memref<128xi32, #tpu.memory_space<vmem>>
      %dma_wait3A_91 = arith.constant 0 : i32
      %dma_wait3A_92 = arith.constant 0 : i32
      %dma_wait3A_93 = tpu.memref_slice %arg8[%dma_wait3A_91, %dma_wait3A_92] : memref<10240x128xf32, #tpu.memory_space<vmem_shared>> -> memref<10240x128xf32, #tpu.memory_space<vmem_shared>>
      tpu.wait_indirect_dma semaphore(%arg9 : memref<!tpu.dma_semaphore, #tpu.memory_space<semaphore_mem>>) src(%arg7 : memref<128x128xf32, #tpu.memory_space<vmem>>) dst(%dma_wait3A_93 : memref<10240x128xf32, #tpu.memory_space<vmem_shared>>)
      %dma_wait3A_94 = arith.constant 0 : i32
      %dma_wait3A_95 = tpu.memref_slice %arg6[%add3A_36, %dma_wait3A_94] : memref<80x128xi32, #tpu.memory_space<vmem>> -> memref<1x128xi32, #tpu.memory_space<vmem>>
      %dma_wait3A_96 = tpu.memref_squeeze %dma_wait3A_95 : memref<1x128xi32, #tpu.memory_space<vmem>> -> memref<128xi32, #tpu.memory_space<vmem>>
      %dma_wait3A_97 = arith.constant 0 : i32
      %dma_wait3A_98 = arith.constant 0 : i32
      %dma_wait3A_99 = tpu.memref_slice %arg8[%dma_wait3A_97, %dma_wait3A_98] : memref<10240x128xf32, #tpu.memory_space<vmem_shared>> -> memref<10240x128xf32, #tpu.memory_space<vmem_shared>>
      tpu.wait_indirect_dma semaphore(%arg9 : memref<!tpu.dma_semaphore, #tpu.memory_space<semaphore_mem>>) src(%arg7 : memref<128x128xf32, #tpu.memory_space<vmem>>) dst(%dma_wait3A_99 : memref<10240x128xf32, #tpu.memory_space<vmem_shared>>)
      %dma_wait3A_100 = arith.constant 0 : i32
      %dma_wait3A_101 = tpu.memref_slice %arg6[%add3A_44, %dma_wait3A_100] : memref<80x128xi32, #tpu.memory_space<vmem>> -> memref<1x128xi32, #tpu.memory_space<vmem>>
      %dma_wait3A_102 = tpu.memref_squeeze %dma_wait3A_101 : memref<1x128xi32, #tpu.memory_space<vmem>> -> memref<128xi32, #tpu.memory_space<vmem>>
      %dma_wait3A_103 = arith.constant 0 : i32
      %dma_wait3A_104 = arith.constant 0 : i32
      %dma_wait3A_105 = tpu.memref_slice %arg8[%dma_wait3A_103, %dma_wait3A_104] : memref<10240x128xf32, #tpu.memory_space<vmem_shared>> -> memref<10240x128xf32, #tpu.memory_space<vmem_shared>>
      tpu.wait_indirect_dma semaphore(%arg9 : memref<!tpu.dma_semaphore, #tpu.memory_space<semaphore_mem>>) src(%arg7 : memref<128x128xf32, #tpu.memory_space<vmem>>) dst(%dma_wait3A_105 : memref<10240x128xf32, #tpu.memory_space<vmem_shared>>)
      %dma_wait3A_106 = arith.constant 0 : i32
      %dma_wait3A_107 = tpu.memref_slice %arg6[%add3A_52, %dma_wait3A_106] : memref<80x128xi32, #tpu.memory_space<vmem>> -> memref<1x128xi32, #tpu.memory_space<vmem>>
      %dma_wait3A_108 = tpu.memref_squeeze %dma_wait3A_107 : memref<1x128xi32, #tpu.memory_space<vmem>> -> memref<128xi32, #tpu.memory_space<vmem>>
      %dma_wait3A_109 = arith.constant 0 : i32
      %dma_wait3A_110 = arith.constant 0 : i32
      %dma_wait3A_111 = tpu.memref_slice %arg8[%dma_wait3A_109, %dma_wait3A_110] : memref<10240x128xf32, #tpu.memory_space<vmem_shared>> -> memref<10240x128xf32, #tpu.memory_space<vmem_shared>>
      tpu.wait_indirect_dma semaphore(%arg9 : memref<!tpu.dma_semaphore, #tpu.memory_space<semaphore_mem>>) src(%arg7 : memref<128x128xf32, #tpu.memory_space<vmem>>) dst(%dma_wait3A_111 : memref<10240x128xf32, #tpu.memory_space<vmem_shared>>)
      %dma_wait3A_112 = arith.constant 0 : i32
      %dma_wait3A_113 = tpu.memref_slice %arg6[%add3A_60, %dma_wait3A_112] : memref<80x128xi32, #tpu.memory_space<vmem>> -> memref<1x128xi32, #tpu.memory_space<vmem>>
      %dma_wait3A_114 = tpu.memref_squeeze %dma_wait3A_113 : memref<1x128xi32, #tpu.memory_space<vmem>> -> memref<128xi32, #tpu.memory_space<vmem>>
      %dma_wait3A_115 = arith.constant 0 : i32
      %dma_wait3A_116 = arith.constant 0 : i32
      %dma_wait3A_117 = tpu.memref_slice %arg8[%dma_wait3A_115, %dma_wait3A_116] : memref<10240x128xf32, #tpu.memory_space<vmem_shared>> -> memref<10240x128xf32, #tpu.memory_space<vmem_shared>>
      tpu.wait_indirect_dma semaphore(%arg9 : memref<!tpu.dma_semaphore, #tpu.memory_space<semaphore_mem>>) src(%arg7 : memref<128x128xf32, #tpu.memory_space<vmem>>) dst(%dma_wait3A_117 : memref<10240x128xf32, #tpu.memory_space<vmem_shared>>)
      %dma_wait3A_118 = arith.constant 0 : i32
      %dma_wait3A_119 = tpu.memref_slice %arg6[%add3A_68, %dma_wait3A_118] : memref<80x128xi32, #tpu.memory_space<vmem>> -> memref<1x128xi32, #tpu.memory_space<vmem>>
      %dma_wait3A_120 = tpu.memref_squeeze %dma_wait3A_119 : memref<1x128xi32, #tpu.memory_space<vmem>> -> memref<128xi32, #tpu.memory_space<vmem>>
      %dma_wait3A_121 = arith.constant 0 : i32
      %dma_wait3A_122 = arith.constant 0 : i32
      %dma_wait3A_123 = tpu.memref_slice %arg8[%dma_wait3A_121, %dma_wait3A_122] : memref<10240x128xf32, #tpu.memory_space<vmem_shared>> -> memref<10240x128xf32, #tpu.memory_space<vmem_shared>>
      tpu.wait_indirect_dma semaphore(%arg9 : memref<!tpu.dma_semaphore, #tpu.memory_space<semaphore_mem>>) src(%arg7 : memref<128x128xf32, #tpu.memory_space<vmem>>) dst(%dma_wait3A_123 : memref<10240x128xf32, #tpu.memory_space<vmem_shared>>)
      %dma_wait3A_124 = arith.constant 0 : i32
      %dma_wait3A_125 = tpu.memref_slice %arg6[%add3A_76, %dma_wait3A_124] : memref<80x128xi32, #tpu.memory_space<vmem>> -> memref<1x128xi32, #tpu.memory_space<vmem>>
      %dma_wait3A_126 = tpu.memref_squeeze %dma_wait3A_125 : memref<1x128xi32, #tpu.memory_space<vmem>> -> memref<128xi32, #tpu.memory_space<vmem>>
      %dma_wait3A_127 = arith.constant 0 : i32
      %dma_wait3A_128 = arith.constant 0 : i32
      %dma_wait3A_129 = tpu.memref_slice %arg8[%dma_wait3A_127, %dma_wait3A_128] : memref<10240x128xf32, #tpu.memory_space<vmem_shared>> -> memref<10240x128xf32, #tpu.memory_space<vmem_shared>>
      tpu.wait_indirect_dma semaphore(%arg9 : memref<!tpu.dma_semaphore, #tpu.memory_space<semaphore_mem>>) src(%arg7 : memref<128x128xf32, #tpu.memory_space<vmem>>) dst(%dma_wait3A_129 : memref<10240x128xf32, #tpu.memory_space<vmem_shared>>)
      %scan3A_130 = arith.constant 0 : i32
      scf.yield %scan3A_130 : i32
    }
    %scan3A_10 = arith.constant 10 : i32
    %barrier3A_11 = arith.constant 0 : index
    tpu.barrier barrier_id(%barrier3A_11)
    %mul3A_12 = arith.constant 640 : i32
    %mul3A_13 = arith.muli %arg1, %mul3A_12 : i32
    %mul3A_14 = arith.constant 640 : i32
    %mul3A_15 = arith.muli %arg1, %mul3A_14 : i32
    "tpu.region"() ({
      %run_scoped3A = tpu.sem_alloc : memref<!tpu.dma_semaphore, #tpu.memory_space<semaphore_mem>>
      %dma_start3A = arith.constant 0 : i32
      %dma_start3A_16 = tpu.memref_slice %arg5[%arg0, %mul3A_15, %dma_start3A] : memref<2x10240x128xf32, #tpu.memory_space<hbm>> -> memref<1x640x128xf32, #tpu.memory_space<hbm>>
      %dma_start3A_17 = tpu.memref_squeeze %dma_start3A_16 : memref<1x640x128xf32, #tpu.memory_space<hbm>> -> memref<640x128xf32, #tpu.memory_space<hbm>>
      %dma_start3A_18 = arith.constant 0 : i32
      %dma_start3A_19 = tpu.memref_slice %arg8[%mul3A_13, %dma_start3A_18] : memref<10240x128xf32, #tpu.memory_space<vmem_shared>> -> memref<640x128xf32, #tpu.memory_space<vmem_shared>>
      tpu.enqueue_dma source(%dma_start3A_19 : memref<640x128xf32, #tpu.memory_space<vmem_shared>>) target(%dma_start3A_17 : memref<640x128xf32, #tpu.memory_space<hbm>>) target_semaphore(%run_scoped3A : memref<!tpu.dma_semaphore, #tpu.memory_space<semaphore_mem>>)
      %dma_wait3A = arith.constant 0 : i32
      %dma_wait3A_20 = tpu.memref_slice %arg5[%arg0, %mul3A_15, %dma_wait3A] : memref<2x10240x128xf32, #tpu.memory_space<hbm>> -> memref<1x640x128xf32, #tpu.memory_space<hbm>>
      %dma_wait3A_21 = tpu.memref_squeeze %dma_wait3A_20 : memref<1x640x128xf32, #tpu.memory_space<hbm>> -> memref<640x128xf32, #tpu.memory_space<hbm>>
      %dma_wait3A_22 = arith.constant 0 : i32
      %dma_wait3A_23 = tpu.memref_slice %arg8[%mul3A_13, %dma_wait3A_22] : memref<10240x128xf32, #tpu.memory_space<vmem_shared>> -> memref<640x128xf32, #tpu.memory_space<vmem_shared>>
      tpu.wait_dma2 semaphore(%run_scoped3A : memref<!tpu.dma_semaphore, #tpu.memory_space<semaphore_mem>>) src(%dma_wait3A_23 : memref<640x128xf32, #tpu.memory_space<vmem_shared>>) dst(%dma_wait3A_21 : memref<640x128xf32, #tpu.memory_space<hbm>>)
      tpu.yield
    }) : () -> ()
    return
  }
}

#map = affine_map<(d0, d1) -> (0, 0)>
#map1 = affine_map<(d0, d1) -> (0, 0, 0)>
module attributes {stable_mosaic.version = 14 : i64} {
  func.func @_msg_pass(%arg0: i32, %arg1: i32, %arg2: memref<10240x128xf32, #tpu.memory_space<hbm>>, %arg3: memref<2560x128xi32, #tpu.memory_space<hbm>>, %arg4: memref<2560x128xi32, #tpu.memory_space<hbm>>, %arg5: memref<640x128xf32, #tpu.memory_space<hbm>>, %arg6: memref<2x10240x128xf32, #tpu.memory_space<hbm>>, %arg7: memref<40x128xi32, #tpu.memory_space<vmem>>, %arg8: memref<40x128xi32, #tpu.memory_space<vmem>>, %arg9: memref<256x128xf32, #tpu.memory_space<vmem>>, %arg10: memref<10240x128xf32, #tpu.memory_space<vmem_shared>>, %arg11: memref<!tpu.dma_semaphore, #tpu.memory_space<semaphore_mem>>, %arg12: memref<!tpu.dma_semaphore, #tpu.memory_space<semaphore_mem>>, %arg13: memref<!tpu.dma_semaphore, #tpu.memory_space<semaphore_mem>>, %arg14: memref<!tpu.dma_semaphore, #tpu.memory_space<semaphore_mem>>, %arg15: memref<!tpu.dma_semaphore, #tpu.memory_space<semaphore_mem>>, %arg16: memref<!tpu.dma_semaphore, #tpu.memory_space<semaphore_mem>>) attributes {dimension_semantics = [#tpu.dimension_semantics<core_parallel>, #tpu.dimension_semantics<subcore_parallel>], iteration_bounds = array<i64: 2, 16>, scalar_prefetch = 0 : i64, scratch_operands = 10 : i64, tpu.core_type = #tpu.core_type<sc_vector_subcore>, window_params = [{transform_indices = #map}, {transform_indices = #map}, {transform_indices = #map}, {transform_indices = #map}, {transform_indices = #map1}]} {
    %mul3A = arith.constant 2 : i32
    %mul3A_0 = arith.muli %arg1, %mul3A : i32
    %add3A = arith.addi %mul3A_0, %arg0 : i32
    %mul3A_1 = arith.constant 640 : i32
    %mul3A_2 = arith.muli %arg1, %mul3A_1 : i32
    "tpu.region"() ({
      %run_scoped3A = tpu.sem_alloc : memref<!tpu.dma_semaphore, #tpu.memory_space<semaphore_mem>>
      %dma_start3A_187 = arith.constant 0 : i32
      %dma_start3A_188 = tpu.memref_slice %arg10[%mul3A_2, %dma_start3A_187] : memref<10240x128xf32, #tpu.memory_space<vmem_shared>> -> memref<640x128xf32, #tpu.memory_space<vmem_shared>>
      tpu.enqueue_dma source(%arg5 : memref<640x128xf32, #tpu.memory_space<hbm>>) target(%dma_start3A_188 : memref<640x128xf32, #tpu.memory_space<vmem_shared>>) target_semaphore(%run_scoped3A : memref<!tpu.dma_semaphore, #tpu.memory_space<semaphore_mem>>)
      %dma_wait3A_189 = arith.constant 0 : i32
      %dma_wait3A_190 = tpu.memref_slice %arg10[%mul3A_2, %dma_wait3A_189] : memref<10240x128xf32, #tpu.memory_space<vmem_shared>> -> memref<640x128xf32, #tpu.memory_space<vmem_shared>>
      tpu.wait_dma2 semaphore(%run_scoped3A : memref<!tpu.dma_semaphore, #tpu.memory_space<semaphore_mem>>) src(%arg5 : memref<640x128xf32, #tpu.memory_space<hbm>>) dst(%dma_wait3A_190 : memref<640x128xf32, #tpu.memory_space<vmem_shared>>)
      tpu.yield
    }) : () -> ()
    %barrier3A = arith.constant 0 : index
    tpu.barrier barrier_id(%barrier3A)
    %mul3A_3 = arith.constant 80 : i32
    %mul3A_4 = arith.muli %add3A, %mul3A_3 : i32
    %add3A_5 = arith.constant 0 : i32
    %add3A_6 = arith.addi %mul3A_4, %add3A_5 : i32
    "tpu.region"() ({
      %run_scoped3A = tpu.sem_alloc : memref<!tpu.dma_semaphore, #tpu.memory_space<semaphore_mem>>
      %dma_start3A_187 = arith.constant 0 : i32
      %dma_start3A_188 = tpu.memref_slice %arg3[%add3A_6, %dma_start3A_187] : memref<2560x128xi32, #tpu.memory_space<hbm>> -> memref<40x128xi32, #tpu.memory_space<hbm>>
      %dma_start3A_189 = arith.constant 0 : i32
      %dma_start3A_190 = tpu.memref_slice %arg3[%add3A_6, %dma_start3A_189] : memref<2560x128xi32, #tpu.memory_space<hbm>> -> memref<40x128xi32, #tpu.memory_space<hbm>>
      tpu.enqueue_dma source(%dma_start3A_190 : memref<40x128xi32, #tpu.memory_space<hbm>>) target(%arg7 : memref<40x128xi32, #tpu.memory_space<vmem>>) target_semaphore(%run_scoped3A : memref<!tpu.dma_semaphore, #tpu.memory_space<semaphore_mem>>)
      %dma_wait3A_191 = arith.constant 0 : i32
      %dma_wait3A_192 = tpu.memref_slice %arg3[%add3A_6, %dma_wait3A_191] : memref<2560x128xi32, #tpu.memory_space<hbm>> -> memref<40x128xi32, #tpu.memory_space<hbm>>
      %dma_wait3A_193 = arith.constant 0 : i32
      %dma_wait3A_194 = tpu.memref_slice %arg3[%add3A_6, %dma_wait3A_193] : memref<2560x128xi32, #tpu.memory_space<hbm>> -> memref<40x128xi32, #tpu.memory_space<hbm>>
      tpu.wait_dma2 semaphore(%run_scoped3A : memref<!tpu.dma_semaphore, #tpu.memory_space<semaphore_mem>>) src(%dma_wait3A_194 : memref<40x128xi32, #tpu.memory_space<hbm>>) dst(%arg7 : memref<40x128xi32, #tpu.memory_space<vmem>>)
      tpu.yield
    }) : () -> ()
    "tpu.region"() ({
      %run_scoped3A = tpu.sem_alloc : memref<!tpu.dma_semaphore, #tpu.memory_space<semaphore_mem>>
      %dma_start3A_187 = arith.constant 0 : i32
      %dma_start3A_188 = tpu.memref_slice %arg4[%add3A_6, %dma_start3A_187] : memref<2560x128xi32, #tpu.memory_space<hbm>> -> memref<40x128xi32, #tpu.memory_space<hbm>>
      %dma_start3A_189 = arith.constant 0 : i32
      %dma_start3A_190 = tpu.memref_slice %arg4[%add3A_6, %dma_start3A_189] : memref<2560x128xi32, #tpu.memory_space<hbm>> -> memref<40x128xi32, #tpu.memory_space<hbm>>
      tpu.enqueue_dma source(%dma_start3A_190 : memref<40x128xi32, #tpu.memory_space<hbm>>) target(%arg8 : memref<40x128xi32, #tpu.memory_space<vmem>>) target_semaphore(%run_scoped3A : memref<!tpu.dma_semaphore, #tpu.memory_space<semaphore_mem>>)
      %dma_wait3A_191 = arith.constant 0 : i32
      %dma_wait3A_192 = tpu.memref_slice %arg4[%add3A_6, %dma_wait3A_191] : memref<2560x128xi32, #tpu.memory_space<hbm>> -> memref<40x128xi32, #tpu.memory_space<hbm>>
      %dma_wait3A_193 = arith.constant 0 : i32
      %dma_wait3A_194 = tpu.memref_slice %arg4[%add3A_6, %dma_wait3A_193] : memref<2560x128xi32, #tpu.memory_space<hbm>> -> memref<40x128xi32, #tpu.memory_space<hbm>>
      tpu.wait_dma2 semaphore(%run_scoped3A : memref<!tpu.dma_semaphore, #tpu.memory_space<semaphore_mem>>) src(%dma_wait3A_194 : memref<40x128xi32, #tpu.memory_space<hbm>>) dst(%arg8 : memref<40x128xi32, #tpu.memory_space<vmem>>)
      tpu.yield
    }) : () -> ()
    %dma_start3A = arith.constant 0 : i32
    %dma_start3A_7 = arith.constant 0 : i32
    %dma_start3A_8 = arith.constant 0 : i32
    %dma_start3A_9 = tpu.memref_slice %arg9[%dma_start3A_7, %dma_start3A_8] : memref<256x128xf32, #tpu.memory_space<vmem>> -> memref<128x128xf32, #tpu.memory_space<vmem>>
    %dma_start3A_10 = arith.constant 0 : i32
    %dma_start3A_11 = tpu.memref_slice %arg7[%dma_start3A, %dma_start3A_10] : memref<40x128xi32, #tpu.memory_space<vmem>> -> memref<1x128xi32, #tpu.memory_space<vmem>>
    %dma_start3A_12 = tpu.memref_squeeze %dma_start3A_11 : memref<1x128xi32, #tpu.memory_space<vmem>> -> memref<128xi32, #tpu.memory_space<vmem>>
    %dma_start3A_13 = arith.constant 0 : i32
    %dma_start3A_14 = arith.constant 0 : i32
    %dma_start3A_15 = tpu.memref_slice %arg2[%dma_start3A_13, %dma_start3A_14] : memref<10240x128xf32, #tpu.memory_space<hbm>> -> memref<10240x128xf32, #tpu.memory_space<hbm>>
    tpu.enqueue_indirect_dma source(%dma_start3A_15 : memref<10240x128xf32, #tpu.memory_space<hbm>>) target(%dma_start3A_9 : memref<128x128xf32, #tpu.memory_space<vmem>>) offsets(%dma_start3A_12 : memref<128xi32, #tpu.memory_space<vmem>>) semaphore(%arg11 : memref<!tpu.dma_semaphore, #tpu.memory_space<semaphore_mem>>)
    %dma_wait3A = arith.constant 0 : i32
    %dma_wait3A_16 = arith.constant 0 : i32
    %dma_wait3A_17 = arith.constant 0 : i32
    %dma_wait3A_18 = tpu.memref_slice %arg9[%dma_wait3A_16, %dma_wait3A_17] : memref<256x128xf32, #tpu.memory_space<vmem>> -> memref<128x128xf32, #tpu.memory_space<vmem>>
    %dma_wait3A_19 = arith.constant 0 : i32
    %dma_wait3A_20 = tpu.memref_slice %arg7[%dma_wait3A, %dma_wait3A_19] : memref<40x128xi32, #tpu.memory_space<vmem>> -> memref<1x128xi32, #tpu.memory_space<vmem>>
    %dma_wait3A_21 = tpu.memref_squeeze %dma_wait3A_20 : memref<1x128xi32, #tpu.memory_space<vmem>> -> memref<128xi32, #tpu.memory_space<vmem>>
    %dma_wait3A_22 = arith.constant 0 : i32
    %dma_wait3A_23 = arith.constant 0 : i32
    %dma_wait3A_24 = tpu.memref_slice %arg2[%dma_wait3A_22, %dma_wait3A_23] : memref<10240x128xf32, #tpu.memory_space<hbm>> -> memref<10240x128xf32, #tpu.memory_space<hbm>>
    tpu.wait_indirect_dma semaphore(%arg11 : memref<!tpu.dma_semaphore, #tpu.memory_space<semaphore_mem>>) src(%dma_wait3A_24 : memref<10240x128xf32, #tpu.memory_space<hbm>>) dst(%dma_wait3A_18 : memref<128x128xf32, #tpu.memory_space<vmem>>)
    %dma_start3A_25 = arith.constant 0 : i32
    %dma_start3A_26 = arith.constant 0 : i32
    %dma_start3A_27 = arith.constant 0 : i32
    %dma_start3A_28 = tpu.memref_slice %arg9[%dma_start3A_26, %dma_start3A_27] : memref<256x128xf32, #tpu.memory_space<vmem>> -> memref<128x128xf32, #tpu.memory_space<vmem>>
    %dma_start3A_29 = arith.constant 0 : i32
    %dma_start3A_30 = tpu.memref_slice %arg8[%dma_start3A_25, %dma_start3A_29] : memref<40x128xi32, #tpu.memory_space<vmem>> -> memref<1x128xi32, #tpu.memory_space<vmem>>
    %dma_start3A_31 = tpu.memref_squeeze %dma_start3A_30 : memref<1x128xi32, #tpu.memory_space<vmem>> -> memref<128xi32, #tpu.memory_space<vmem>>
    %dma_start3A_32 = arith.constant 0 : i32
    %dma_start3A_33 = arith.constant 0 : i32
    %dma_start3A_34 = tpu.memref_slice %arg10[%dma_start3A_32, %dma_start3A_33] : memref<10240x128xf32, #tpu.memory_space<vmem_shared>> -> memref<10240x128xf32, #tpu.memory_space<vmem_shared>>
    tpu.enqueue_indirect_dma source(%dma_start3A_28 : memref<128x128xf32, #tpu.memory_space<vmem>>) target(%dma_start3A_34 : memref<10240x128xf32, #tpu.memory_space<vmem_shared>>) offsets(%dma_start3A_31 : memref<128xi32, #tpu.memory_space<vmem>>) semaphore(%arg15 : memref<!tpu.dma_semaphore, #tpu.memory_space<semaphore_mem>>) {add = true}
    %dma_start3A_35 = arith.constant 1 : i32
    %dma_start3A_36 = arith.constant 128 : i32
    %dma_start3A_37 = arith.constant 0 : i32
    %dma_start3A_38 = tpu.memref_slice %arg9[%dma_start3A_36, %dma_start3A_37] : memref<256x128xf32, #tpu.memory_space<vmem>> -> memref<128x128xf32, #tpu.memory_space<vmem>>
    %dma_start3A_39 = arith.constant 0 : i32
    %dma_start3A_40 = tpu.memref_slice %arg7[%dma_start3A_35, %dma_start3A_39] : memref<40x128xi32, #tpu.memory_space<vmem>> -> memref<1x128xi32, #tpu.memory_space<vmem>>
    %dma_start3A_41 = tpu.memref_squeeze %dma_start3A_40 : memref<1x128xi32, #tpu.memory_space<vmem>> -> memref<128xi32, #tpu.memory_space<vmem>>
    %dma_start3A_42 = arith.constant 0 : i32
    %dma_start3A_43 = arith.constant 0 : i32
    %dma_start3A_44 = tpu.memref_slice %arg2[%dma_start3A_42, %dma_start3A_43] : memref<10240x128xf32, #tpu.memory_space<hbm>> -> memref<10240x128xf32, #tpu.memory_space<hbm>>
    tpu.enqueue_indirect_dma source(%dma_start3A_44 : memref<10240x128xf32, #tpu.memory_space<hbm>>) target(%dma_start3A_38 : memref<128x128xf32, #tpu.memory_space<vmem>>) offsets(%dma_start3A_41 : memref<128xi32, #tpu.memory_space<vmem>>) semaphore(%arg12 : memref<!tpu.dma_semaphore, #tpu.memory_space<semaphore_mem>>)
    %dma_wait3A_45 = arith.constant 0 : i32
    %dma_wait3A_46 = arith.constant 128 : i32
    %dma_wait3A_47 = arith.constant 0 : i32
    %dma_wait3A_48 = tpu.memref_slice %arg9[%dma_wait3A_46, %dma_wait3A_47] : memref<256x128xf32, #tpu.memory_space<vmem>> -> memref<128x128xf32, #tpu.memory_space<vmem>>
    %dma_wait3A_49 = arith.constant 0 : i32
    %dma_wait3A_50 = tpu.memref_slice %arg7[%dma_wait3A_45, %dma_wait3A_49] : memref<40x128xi32, #tpu.memory_space<vmem>> -> memref<1x128xi32, #tpu.memory_space<vmem>>
    %dma_wait3A_51 = tpu.memref_squeeze %dma_wait3A_50 : memref<1x128xi32, #tpu.memory_space<vmem>> -> memref<128xi32, #tpu.memory_space<vmem>>
    %dma_wait3A_52 = arith.constant 0 : i32
    %dma_wait3A_53 = arith.constant 0 : i32
    %dma_wait3A_54 = tpu.memref_slice %arg2[%dma_wait3A_52, %dma_wait3A_53] : memref<10240x128xf32, #tpu.memory_space<hbm>> -> memref<10240x128xf32, #tpu.memory_space<hbm>>
    tpu.wait_indirect_dma semaphore(%arg12 : memref<!tpu.dma_semaphore, #tpu.memory_space<semaphore_mem>>) src(%dma_wait3A_54 : memref<10240x128xf32, #tpu.memory_space<hbm>>) dst(%dma_wait3A_48 : memref<128x128xf32, #tpu.memory_space<vmem>>)
    %dma_start3A_55 = arith.constant 1 : i32
    %dma_start3A_56 = arith.constant 128 : i32
    %dma_start3A_57 = arith.constant 0 : i32
    %dma_start3A_58 = tpu.memref_slice %arg9[%dma_start3A_56, %dma_start3A_57] : memref<256x128xf32, #tpu.memory_space<vmem>> -> memref<128x128xf32, #tpu.memory_space<vmem>>
    %dma_start3A_59 = arith.constant 0 : i32
    %dma_start3A_60 = tpu.memref_slice %arg8[%dma_start3A_55, %dma_start3A_59] : memref<40x128xi32, #tpu.memory_space<vmem>> -> memref<1x128xi32, #tpu.memory_space<vmem>>
    %dma_start3A_61 = tpu.memref_squeeze %dma_start3A_60 : memref<1x128xi32, #tpu.memory_space<vmem>> -> memref<128xi32, #tpu.memory_space<vmem>>
    %dma_start3A_62 = arith.constant 0 : i32
    %dma_start3A_63 = arith.constant 0 : i32
    %dma_start3A_64 = tpu.memref_slice %arg10[%dma_start3A_62, %dma_start3A_63] : memref<10240x128xf32, #tpu.memory_space<vmem_shared>> -> memref<10240x128xf32, #tpu.memory_space<vmem_shared>>
    tpu.enqueue_indirect_dma source(%dma_start3A_58 : memref<128x128xf32, #tpu.memory_space<vmem>>) target(%dma_start3A_64 : memref<10240x128xf32, #tpu.memory_space<vmem_shared>>) offsets(%dma_start3A_61 : memref<128xi32, #tpu.memory_space<vmem>>) semaphore(%arg16 : memref<!tpu.dma_semaphore, #tpu.memory_space<semaphore_mem>>) {add = true}
    %scan3A = arith.constant 0 : i32
    %scan3A_65 = arith.constant 1 : i32
    %scan3A_66 = arith.constant 19 : i32
    %scan3A_67 = arith.addi %scan3A_65, %scan3A_66 : i32
    %scan3A_68 = arith.constant 1 : i32
    %scan3A_69 = scf.for %scan3A_187 = %scan3A_65 to %scan3A_67 step %scan3A_68 iter_args(%scan3A_188 = %scan3A) -> (i32)  : i32 {
      %mul3A_189 = arith.constant 2 : i32
      %mul3A_190 = arith.muli %mul3A_189, %scan3A_187 : i32
      %dma_wait3A_191 = arith.constant 0 : i32
      %dma_wait3A_192 = arith.constant 0 : i32
      %dma_wait3A_193 = arith.constant 0 : i32
      %dma_wait3A_194 = tpu.memref_slice %arg9[%dma_wait3A_192, %dma_wait3A_193] : memref<256x128xf32, #tpu.memory_space<vmem>> -> memref<128x128xf32, #tpu.memory_space<vmem>>
      %dma_wait3A_195 = arith.constant 0 : i32
      %dma_wait3A_196 = tpu.memref_slice %arg8[%dma_wait3A_191, %dma_wait3A_195] : memref<40x128xi32, #tpu.memory_space<vmem>> -> memref<1x128xi32, #tpu.memory_space<vmem>>
      %dma_wait3A_197 = tpu.memref_squeeze %dma_wait3A_196 : memref<1x128xi32, #tpu.memory_space<vmem>> -> memref<128xi32, #tpu.memory_space<vmem>>
      %dma_wait3A_198 = arith.constant 0 : i32
      %dma_wait3A_199 = arith.constant 0 : i32
      %dma_wait3A_200 = tpu.memref_slice %arg10[%dma_wait3A_198, %dma_wait3A_199] : memref<10240x128xf32, #tpu.memory_space<vmem_shared>> -> memref<10240x128xf32, #tpu.memory_space<vmem_shared>>
      tpu.wait_indirect_dma semaphore(%arg15 : memref<!tpu.dma_semaphore, #tpu.memory_space<semaphore_mem>>) src(%dma_wait3A_194 : memref<128x128xf32, #tpu.memory_space<vmem>>) dst(%dma_wait3A_200 : memref<10240x128xf32, #tpu.memory_space<vmem_shared>>)
      %dma_start3A_201 = arith.constant 0 : i32
      %dma_start3A_202 = arith.constant 0 : i32
      %dma_start3A_203 = tpu.memref_slice %arg9[%dma_start3A_201, %dma_start3A_202] : memref<256x128xf32, #tpu.memory_space<vmem>> -> memref<128x128xf32, #tpu.memory_space<vmem>>
      %dma_start3A_204 = arith.constant 0 : i32
      %dma_start3A_205 = tpu.memref_slice %arg7[%mul3A_190, %dma_start3A_204] : memref<40x128xi32, #tpu.memory_space<vmem>> -> memref<1x128xi32, #tpu.memory_space<vmem>>
      %dma_start3A_206 = tpu.memref_squeeze %dma_start3A_205 : memref<1x128xi32, #tpu.memory_space<vmem>> -> memref<128xi32, #tpu.memory_space<vmem>>
      %dma_start3A_207 = arith.constant 0 : i32
      %dma_start3A_208 = arith.constant 0 : i32
      %dma_start3A_209 = tpu.memref_slice %arg2[%dma_start3A_207, %dma_start3A_208] : memref<10240x128xf32, #tpu.memory_space<hbm>> -> memref<10240x128xf32, #tpu.memory_space<hbm>>
      tpu.enqueue_indirect_dma source(%dma_start3A_209 : memref<10240x128xf32, #tpu.memory_space<hbm>>) target(%dma_start3A_203 : memref<128x128xf32, #tpu.memory_space<vmem>>) offsets(%dma_start3A_206 : memref<128xi32, #tpu.memory_space<vmem>>) semaphore(%arg11 : memref<!tpu.dma_semaphore, #tpu.memory_space<semaphore_mem>>)
      %dma_wait3A_210 = arith.constant 0 : i32
      %dma_wait3A_211 = arith.constant 128 : i32
      %dma_wait3A_212 = arith.constant 0 : i32
      %dma_wait3A_213 = tpu.memref_slice %arg9[%dma_wait3A_211, %dma_wait3A_212] : memref<256x128xf32, #tpu.memory_space<vmem>> -> memref<128x128xf32, #tpu.memory_space<vmem>>
      %dma_wait3A_214 = arith.constant 0 : i32
      %dma_wait3A_215 = tpu.memref_slice %arg8[%dma_wait3A_210, %dma_wait3A_214] : memref<40x128xi32, #tpu.memory_space<vmem>> -> memref<1x128xi32, #tpu.memory_space<vmem>>
      %dma_wait3A_216 = tpu.memref_squeeze %dma_wait3A_215 : memref<1x128xi32, #tpu.memory_space<vmem>> -> memref<128xi32, #tpu.memory_space<vmem>>
      %dma_wait3A_217 = arith.constant 0 : i32
      %dma_wait3A_218 = arith.constant 0 : i32
      %dma_wait3A_219 = tpu.memref_slice %arg10[%dma_wait3A_217, %dma_wait3A_218] : memref<10240x128xf32, #tpu.memory_space<vmem_shared>> -> memref<10240x128xf32, #tpu.memory_space<vmem_shared>>
      tpu.wait_indirect_dma semaphore(%arg16 : memref<!tpu.dma_semaphore, #tpu.memory_space<semaphore_mem>>) src(%dma_wait3A_213 : memref<128x128xf32, #tpu.memory_space<vmem>>) dst(%dma_wait3A_219 : memref<10240x128xf32, #tpu.memory_space<vmem_shared>>)
      %dma_wait3A_220 = arith.constant 0 : i32
      %dma_wait3A_221 = arith.constant 0 : i32
      %dma_wait3A_222 = arith.constant 0 : i32
      %dma_wait3A_223 = tpu.memref_slice %arg9[%dma_wait3A_221, %dma_wait3A_222] : memref<256x128xf32, #tpu.memory_space<vmem>> -> memref<128x128xf32, #tpu.memory_space<vmem>>
      %dma_wait3A_224 = arith.constant 0 : i32
      %dma_wait3A_225 = tpu.memref_slice %arg7[%dma_wait3A_220, %dma_wait3A_224] : memref<40x128xi32, #tpu.memory_space<vmem>> -> memref<1x128xi32, #tpu.memory_space<vmem>>
      %dma_wait3A_226 = tpu.memref_squeeze %dma_wait3A_225 : memref<1x128xi32, #tpu.memory_space<vmem>> -> memref<128xi32, #tpu.memory_space<vmem>>
      %dma_wait3A_227 = arith.constant 0 : i32
      %dma_wait3A_228 = arith.constant 0 : i32
      %dma_wait3A_229 = tpu.memref_slice %arg2[%dma_wait3A_227, %dma_wait3A_228] : memref<10240x128xf32, #tpu.memory_space<hbm>> -> memref<10240x128xf32, #tpu.memory_space<hbm>>
      tpu.wait_indirect_dma semaphore(%arg11 : memref<!tpu.dma_semaphore, #tpu.memory_space<semaphore_mem>>) src(%dma_wait3A_229 : memref<10240x128xf32, #tpu.memory_space<hbm>>) dst(%dma_wait3A_223 : memref<128x128xf32, #tpu.memory_space<vmem>>)
      %dma_start3A_230 = arith.constant 0 : i32
      %dma_start3A_231 = arith.constant 0 : i32
      %dma_start3A_232 = tpu.memref_slice %arg9[%dma_start3A_230, %dma_start3A_231] : memref<256x128xf32, #tpu.memory_space<vmem>> -> memref<128x128xf32, #tpu.memory_space<vmem>>
      %dma_start3A_233 = arith.constant 0 : i32
      %dma_start3A_234 = tpu.memref_slice %arg8[%mul3A_190, %dma_start3A_233] : memref<40x128xi32, #tpu.memory_space<vmem>> -> memref<1x128xi32, #tpu.memory_space<vmem>>
      %dma_start3A_235 = tpu.memref_squeeze %dma_start3A_234 : memref<1x128xi32, #tpu.memory_space<vmem>> -> memref<128xi32, #tpu.memory_space<vmem>>
      %dma_start3A_236 = arith.constant 0 : i32
      %dma_start3A_237 = arith.constant 0 : i32
      %dma_start3A_238 = tpu.memref_slice %arg10[%dma_start3A_236, %dma_start3A_237] : memref<10240x128xf32, #tpu.memory_space<vmem_shared>> -> memref<10240x128xf32, #tpu.memory_space<vmem_shared>>
      tpu.enqueue_indirect_dma source(%dma_start3A_232 : memref<128x128xf32, #tpu.memory_space<vmem>>) target(%dma_start3A_238 : memref<10240x128xf32, #tpu.memory_space<vmem_shared>>) offsets(%dma_start3A_235 : memref<128xi32, #tpu.memory_space<vmem>>) semaphore(%arg15 : memref<!tpu.dma_semaphore, #tpu.memory_space<semaphore_mem>>) {add = true}
      %add3A_239 = arith.constant 1 : i32
      %add3A_240 = arith.addi %mul3A_190, %add3A_239 : i32
      %dma_start3A_241 = arith.constant 128 : i32
      %dma_start3A_242 = arith.constant 0 : i32
      %dma_start3A_243 = tpu.memref_slice %arg9[%dma_start3A_241, %dma_start3A_242] : memref<256x128xf32, #tpu.memory_space<vmem>> -> memref<128x128xf32, #tpu.memory_space<vmem>>
      %dma_start3A_244 = arith.constant 0 : i32
      %dma_start3A_245 = tpu.memref_slice %arg7[%add3A_240, %dma_start3A_244] : memref<40x128xi32, #tpu.memory_space<vmem>> -> memref<1x128xi32, #tpu.memory_space<vmem>>
      %dma_start3A_246 = tpu.memref_squeeze %dma_start3A_245 : memref<1x128xi32, #tpu.memory_space<vmem>> -> memref<128xi32, #tpu.memory_space<vmem>>
      %dma_start3A_247 = arith.constant 0 : i32
      %dma_start3A_248 = arith.constant 0 : i32
      %dma_start3A_249 = tpu.memref_slice %arg2[%dma_start3A_247, %dma_start3A_248] : memref<10240x128xf32, #tpu.memory_space<hbm>> -> memref<10240x128xf32, #tpu.memory_space<hbm>>
      tpu.enqueue_indirect_dma source(%dma_start3A_249 : memref<10240x128xf32, #tpu.memory_space<hbm>>) target(%dma_start3A_243 : memref<128x128xf32, #tpu.memory_space<vmem>>) offsets(%dma_start3A_246 : memref<128xi32, #tpu.memory_space<vmem>>) semaphore(%arg12 : memref<!tpu.dma_semaphore, #tpu.memory_space<semaphore_mem>>)
      %dma_wait3A_250 = arith.constant 0 : i32
      %dma_wait3A_251 = arith.constant 128 : i32
      %dma_wait3A_252 = arith.constant 0 : i32
      %dma_wait3A_253 = tpu.memref_slice %arg9[%dma_wait3A_251, %dma_wait3A_252] : memref<256x128xf32, #tpu.memory_space<vmem>> -> memref<128x128xf32, #tpu.memory_space<vmem>>
      %dma_wait3A_254 = arith.constant 0 : i32
      %dma_wait3A_255 = tpu.memref_slice %arg7[%dma_wait3A_250, %dma_wait3A_254] : memref<40x128xi32, #tpu.memory_space<vmem>> -> memref<1x128xi32, #tpu.memory_space<vmem>>
      %dma_wait3A_256 = tpu.memref_squeeze %dma_wait3A_255 : memref<1x128xi32, #tpu.memory_space<vmem>> -> memref<128xi32, #tpu.memory_space<vmem>>
      %dma_wait3A_257 = arith.constant 0 : i32
      %dma_wait3A_258 = arith.constant 0 : i32
      %dma_wait3A_259 = tpu.memref_slice %arg2[%dma_wait3A_257, %dma_wait3A_258] : memref<10240x128xf32, #tpu.memory_space<hbm>> -> memref<10240x128xf32, #tpu.memory_space<hbm>>
      tpu.wait_indirect_dma semaphore(%arg12 : memref<!tpu.dma_semaphore, #tpu.memory_space<semaphore_mem>>) src(%dma_wait3A_259 : memref<10240x128xf32, #tpu.memory_space<hbm>>) dst(%dma_wait3A_253 : memref<128x128xf32, #tpu.memory_space<vmem>>)
      %add3A_260 = arith.constant 1 : i32
      %add3A_261 = arith.addi %mul3A_190, %add3A_260 : i32
      %dma_start3A_262 = arith.constant 128 : i32
      %dma_start3A_263 = arith.constant 0 : i32
      %dma_start3A_264 = tpu.memref_slice %arg9[%dma_start3A_262, %dma_start3A_263] : memref<256x128xf32, #tpu.memory_space<vmem>> -> memref<128x128xf32, #tpu.memory_space<vmem>>
      %dma_start3A_265 = arith.constant 0 : i32
      %dma_start3A_266 = tpu.memref_slice %arg8[%add3A_261, %dma_start3A_265] : memref<40x128xi32, #tpu.memory_space<vmem>> -> memref<1x128xi32, #tpu.memory_space<vmem>>
      %dma_start3A_267 = tpu.memref_squeeze %dma_start3A_266 : memref<1x128xi32, #tpu.memory_space<vmem>> -> memref<128xi32, #tpu.memory_space<vmem>>
      %dma_start3A_268 = arith.constant 0 : i32
      %dma_start3A_269 = arith.constant 0 : i32
      %dma_start3A_270 = tpu.memref_slice %arg10[%dma_start3A_268, %dma_start3A_269] : memref<10240x128xf32, #tpu.memory_space<vmem_shared>> -> memref<10240x128xf32, #tpu.memory_space<vmem_shared>>
      tpu.enqueue_indirect_dma source(%dma_start3A_264 : memref<128x128xf32, #tpu.memory_space<vmem>>) target(%dma_start3A_270 : memref<10240x128xf32, #tpu.memory_space<vmem_shared>>) offsets(%dma_start3A_267 : memref<128xi32, #tpu.memory_space<vmem>>) semaphore(%arg16 : memref<!tpu.dma_semaphore, #tpu.memory_space<semaphore_mem>>) {add = true}
      %scan3A_271 = arith.constant 0 : i32
      scf.yield %scan3A_271 : i32
    }
    %scan3A_70 = arith.constant 19 : i32
    %dma_wait3A_71 = arith.constant 0 : i32
    %dma_wait3A_72 = arith.constant 0 : i32
    %dma_wait3A_73 = arith.constant 0 : i32
    %dma_wait3A_74 = tpu.memref_slice %arg9[%dma_wait3A_72, %dma_wait3A_73] : memref<256x128xf32, #tpu.memory_space<vmem>> -> memref<128x128xf32, #tpu.memory_space<vmem>>
    %dma_wait3A_75 = arith.constant 0 : i32
    %dma_wait3A_76 = tpu.memref_slice %arg8[%dma_wait3A_71, %dma_wait3A_75] : memref<40x128xi32, #tpu.memory_space<vmem>> -> memref<1x128xi32, #tpu.memory_space<vmem>>
    %dma_wait3A_77 = tpu.memref_squeeze %dma_wait3A_76 : memref<1x128xi32, #tpu.memory_space<vmem>> -> memref<128xi32, #tpu.memory_space<vmem>>
    %dma_wait3A_78 = arith.constant 0 : i32
    %dma_wait3A_79 = arith.constant 0 : i32
    %dma_wait3A_80 = tpu.memref_slice %arg10[%dma_wait3A_78, %dma_wait3A_79] : memref<10240x128xf32, #tpu.memory_space<vmem_shared>> -> memref<10240x128xf32, #tpu.memory_space<vmem_shared>>
    tpu.wait_indirect_dma semaphore(%arg15 : memref<!tpu.dma_semaphore, #tpu.memory_space<semaphore_mem>>) src(%dma_wait3A_74 : memref<128x128xf32, #tpu.memory_space<vmem>>) dst(%dma_wait3A_80 : memref<10240x128xf32, #tpu.memory_space<vmem_shared>>)
    %dma_wait3A_81 = arith.constant 0 : i32
    %dma_wait3A_82 = arith.constant 128 : i32
    %dma_wait3A_83 = arith.constant 0 : i32
    %dma_wait3A_84 = tpu.memref_slice %arg9[%dma_wait3A_82, %dma_wait3A_83] : memref<256x128xf32, #tpu.memory_space<vmem>> -> memref<128x128xf32, #tpu.memory_space<vmem>>
    %dma_wait3A_85 = arith.constant 0 : i32
    %dma_wait3A_86 = tpu.memref_slice %arg8[%dma_wait3A_81, %dma_wait3A_85] : memref<40x128xi32, #tpu.memory_space<vmem>> -> memref<1x128xi32, #tpu.memory_space<vmem>>
    %dma_wait3A_87 = tpu.memref_squeeze %dma_wait3A_86 : memref<1x128xi32, #tpu.memory_space<vmem>> -> memref<128xi32, #tpu.memory_space<vmem>>
    %dma_wait3A_88 = arith.constant 0 : i32
    %dma_wait3A_89 = arith.constant 0 : i32
    %dma_wait3A_90 = tpu.memref_slice %arg10[%dma_wait3A_88, %dma_wait3A_89] : memref<10240x128xf32, #tpu.memory_space<vmem_shared>> -> memref<10240x128xf32, #tpu.memory_space<vmem_shared>>
    tpu.wait_indirect_dma semaphore(%arg16 : memref<!tpu.dma_semaphore, #tpu.memory_space<semaphore_mem>>) src(%dma_wait3A_84 : memref<128x128xf32, #tpu.memory_space<vmem>>) dst(%dma_wait3A_90 : memref<10240x128xf32, #tpu.memory_space<vmem_shared>>)
    %mul3A_91 = arith.constant 80 : i32
    %mul3A_92 = arith.muli %add3A, %mul3A_91 : i32
    %add3A_93 = arith.constant 40 : i32
    %add3A_94 = arith.addi %mul3A_92, %add3A_93 : i32
    "tpu.region"() ({
      %run_scoped3A = tpu.sem_alloc : memref<!tpu.dma_semaphore, #tpu.memory_space<semaphore_mem>>
      %dma_start3A_187 = arith.constant 0 : i32
      %dma_start3A_188 = tpu.memref_slice %arg3[%add3A_94, %dma_start3A_187] : memref<2560x128xi32, #tpu.memory_space<hbm>> -> memref<40x128xi32, #tpu.memory_space<hbm>>
      %dma_start3A_189 = arith.constant 0 : i32
      %dma_start3A_190 = tpu.memref_slice %arg3[%add3A_94, %dma_start3A_189] : memref<2560x128xi32, #tpu.memory_space<hbm>> -> memref<40x128xi32, #tpu.memory_space<hbm>>
      tpu.enqueue_dma source(%dma_start3A_190 : memref<40x128xi32, #tpu.memory_space<hbm>>) target(%arg7 : memref<40x128xi32, #tpu.memory_space<vmem>>) target_semaphore(%run_scoped3A : memref<!tpu.dma_semaphore, #tpu.memory_space<semaphore_mem>>)
      %dma_wait3A_191 = arith.constant 0 : i32
      %dma_wait3A_192 = tpu.memref_slice %arg3[%add3A_94, %dma_wait3A_191] : memref<2560x128xi32, #tpu.memory_space<hbm>> -> memref<40x128xi32, #tpu.memory_space<hbm>>
      %dma_wait3A_193 = arith.constant 0 : i32
      %dma_wait3A_194 = tpu.memref_slice %arg3[%add3A_94, %dma_wait3A_193] : memref<2560x128xi32, #tpu.memory_space<hbm>> -> memref<40x128xi32, #tpu.memory_space<hbm>>
      tpu.wait_dma2 semaphore(%run_scoped3A : memref<!tpu.dma_semaphore, #tpu.memory_space<semaphore_mem>>) src(%dma_wait3A_194 : memref<40x128xi32, #tpu.memory_space<hbm>>) dst(%arg7 : memref<40x128xi32, #tpu.memory_space<vmem>>)
      tpu.yield
    }) : () -> ()
    "tpu.region"() ({
      %run_scoped3A = tpu.sem_alloc : memref<!tpu.dma_semaphore, #tpu.memory_space<semaphore_mem>>
      %dma_start3A_187 = arith.constant 0 : i32
      %dma_start3A_188 = tpu.memref_slice %arg4[%add3A_94, %dma_start3A_187] : memref<2560x128xi32, #tpu.memory_space<hbm>> -> memref<40x128xi32, #tpu.memory_space<hbm>>
      %dma_start3A_189 = arith.constant 0 : i32
      %dma_start3A_190 = tpu.memref_slice %arg4[%add3A_94, %dma_start3A_189] : memref<2560x128xi32, #tpu.memory_space<hbm>> -> memref<40x128xi32, #tpu.memory_space<hbm>>
      tpu.enqueue_dma source(%dma_start3A_190 : memref<40x128xi32, #tpu.memory_space<hbm>>) target(%arg8 : memref<40x128xi32, #tpu.memory_space<vmem>>) target_semaphore(%run_scoped3A : memref<!tpu.dma_semaphore, #tpu.memory_space<semaphore_mem>>)
      %dma_wait3A_191 = arith.constant 0 : i32
      %dma_wait3A_192 = tpu.memref_slice %arg4[%add3A_94, %dma_wait3A_191] : memref<2560x128xi32, #tpu.memory_space<hbm>> -> memref<40x128xi32, #tpu.memory_space<hbm>>
      %dma_wait3A_193 = arith.constant 0 : i32
      %dma_wait3A_194 = tpu.memref_slice %arg4[%add3A_94, %dma_wait3A_193] : memref<2560x128xi32, #tpu.memory_space<hbm>> -> memref<40x128xi32, #tpu.memory_space<hbm>>
      tpu.wait_dma2 semaphore(%run_scoped3A : memref<!tpu.dma_semaphore, #tpu.memory_space<semaphore_mem>>) src(%dma_wait3A_194 : memref<40x128xi32, #tpu.memory_space<hbm>>) dst(%arg8 : memref<40x128xi32, #tpu.memory_space<vmem>>)
      tpu.yield
    }) : () -> ()
    %dma_start3A_95 = arith.constant 0 : i32
    %dma_start3A_96 = arith.constant 0 : i32
    %dma_start3A_97 = arith.constant 0 : i32
    %dma_start3A_98 = tpu.memref_slice %arg9[%dma_start3A_96, %dma_start3A_97] : memref<256x128xf32, #tpu.memory_space<vmem>> -> memref<128x128xf32, #tpu.memory_space<vmem>>
    %dma_start3A_99 = arith.constant 0 : i32
    %dma_start3A_100 = tpu.memref_slice %arg7[%dma_start3A_95, %dma_start3A_99] : memref<40x128xi32, #tpu.memory_space<vmem>> -> memref<1x128xi32, #tpu.memory_space<vmem>>
    %dma_start3A_101 = tpu.memref_squeeze %dma_start3A_100 : memref<1x128xi32, #tpu.memory_space<vmem>> -> memref<128xi32, #tpu.memory_space<vmem>>
    %dma_start3A_102 = arith.constant 0 : i32
    %dma_start3A_103 = arith.constant 0 : i32
    %dma_start3A_104 = tpu.memref_slice %arg2[%dma_start3A_102, %dma_start3A_103] : memref<10240x128xf32, #tpu.memory_space<hbm>> -> memref<10240x128xf32, #tpu.memory_space<hbm>>
    tpu.enqueue_indirect_dma source(%dma_start3A_104 : memref<10240x128xf32, #tpu.memory_space<hbm>>) target(%dma_start3A_98 : memref<128x128xf32, #tpu.memory_space<vmem>>) offsets(%dma_start3A_101 : memref<128xi32, #tpu.memory_space<vmem>>) semaphore(%arg11 : memref<!tpu.dma_semaphore, #tpu.memory_space<semaphore_mem>>)
    %dma_wait3A_105 = arith.constant 0 : i32
    %dma_wait3A_106 = arith.constant 0 : i32
    %dma_wait3A_107 = arith.constant 0 : i32
    %dma_wait3A_108 = tpu.memref_slice %arg9[%dma_wait3A_106, %dma_wait3A_107] : memref<256x128xf32, #tpu.memory_space<vmem>> -> memref<128x128xf32, #tpu.memory_space<vmem>>
    %dma_wait3A_109 = arith.constant 0 : i32
    %dma_wait3A_110 = tpu.memref_slice %arg7[%dma_wait3A_105, %dma_wait3A_109] : memref<40x128xi32, #tpu.memory_space<vmem>> -> memref<1x128xi32, #tpu.memory_space<vmem>>
    %dma_wait3A_111 = tpu.memref_squeeze %dma_wait3A_110 : memref<1x128xi32, #tpu.memory_space<vmem>> -> memref<128xi32, #tpu.memory_space<vmem>>
    %dma_wait3A_112 = arith.constant 0 : i32
    %dma_wait3A_113 = arith.constant 0 : i32
    %dma_wait3A_114 = tpu.memref_slice %arg2[%dma_wait3A_112, %dma_wait3A_113] : memref<10240x128xf32, #tpu.memory_space<hbm>> -> memref<10240x128xf32, #tpu.memory_space<hbm>>
    tpu.wait_indirect_dma semaphore(%arg11 : memref<!tpu.dma_semaphore, #tpu.memory_space<semaphore_mem>>) src(%dma_wait3A_114 : memref<10240x128xf32, #tpu.memory_space<hbm>>) dst(%dma_wait3A_108 : memref<128x128xf32, #tpu.memory_space<vmem>>)
    %dma_start3A_115 = arith.constant 0 : i32
    %dma_start3A_116 = arith.constant 0 : i32
    %dma_start3A_117 = arith.constant 0 : i32
    %dma_start3A_118 = tpu.memref_slice %arg9[%dma_start3A_116, %dma_start3A_117] : memref<256x128xf32, #tpu.memory_space<vmem>> -> memref<128x128xf32, #tpu.memory_space<vmem>>
    %dma_start3A_119 = arith.constant 0 : i32
    %dma_start3A_120 = tpu.memref_slice %arg8[%dma_start3A_115, %dma_start3A_119] : memref<40x128xi32, #tpu.memory_space<vmem>> -> memref<1x128xi32, #tpu.memory_space<vmem>>
    %dma_start3A_121 = tpu.memref_squeeze %dma_start3A_120 : memref<1x128xi32, #tpu.memory_space<vmem>> -> memref<128xi32, #tpu.memory_space<vmem>>
    %dma_start3A_122 = arith.constant 0 : i32
    %dma_start3A_123 = arith.constant 0 : i32
    %dma_start3A_124 = tpu.memref_slice %arg10[%dma_start3A_122, %dma_start3A_123] : memref<10240x128xf32, #tpu.memory_space<vmem_shared>> -> memref<10240x128xf32, #tpu.memory_space<vmem_shared>>
    tpu.enqueue_indirect_dma source(%dma_start3A_118 : memref<128x128xf32, #tpu.memory_space<vmem>>) target(%dma_start3A_124 : memref<10240x128xf32, #tpu.memory_space<vmem_shared>>) offsets(%dma_start3A_121 : memref<128xi32, #tpu.memory_space<vmem>>) semaphore(%arg15 : memref<!tpu.dma_semaphore, #tpu.memory_space<semaphore_mem>>) {add = true}
    %dma_start3A_125 = arith.constant 1 : i32
    %dma_start3A_126 = arith.constant 128 : i32
    %dma_start3A_127 = arith.constant 0 : i32
    %dma_start3A_128 = tpu.memref_slice %arg9[%dma_start3A_126, %dma_start3A_127] : memref<256x128xf32, #tpu.memory_space<vmem>> -> memref<128x128xf32, #tpu.memory_space<vmem>>
    %dma_start3A_129 = arith.constant 0 : i32
    %dma_start3A_130 = tpu.memref_slice %arg7[%dma_start3A_125, %dma_start3A_129] : memref<40x128xi32, #tpu.memory_space<vmem>> -> memref<1x128xi32, #tpu.memory_space<vmem>>
    %dma_start3A_131 = tpu.memref_squeeze %dma_start3A_130 : memref<1x128xi32, #tpu.memory_space<vmem>> -> memref<128xi32, #tpu.memory_space<vmem>>
    %dma_start3A_132 = arith.constant 0 : i32
    %dma_start3A_133 = arith.constant 0 : i32
    %dma_start3A_134 = tpu.memref_slice %arg2[%dma_start3A_132, %dma_start3A_133] : memref<10240x128xf32, #tpu.memory_space<hbm>> -> memref<10240x128xf32, #tpu.memory_space<hbm>>
    tpu.enqueue_indirect_dma source(%dma_start3A_134 : memref<10240x128xf32, #tpu.memory_space<hbm>>) target(%dma_start3A_128 : memref<128x128xf32, #tpu.memory_space<vmem>>) offsets(%dma_start3A_131 : memref<128xi32, #tpu.memory_space<vmem>>) semaphore(%arg12 : memref<!tpu.dma_semaphore, #tpu.memory_space<semaphore_mem>>)
    %dma_wait3A_135 = arith.constant 0 : i32
    %dma_wait3A_136 = arith.constant 128 : i32
    %dma_wait3A_137 = arith.constant 0 : i32
    %dma_wait3A_138 = tpu.memref_slice %arg9[%dma_wait3A_136, %dma_wait3A_137] : memref<256x128xf32, #tpu.memory_space<vmem>> -> memref<128x128xf32, #tpu.memory_space<vmem>>
    %dma_wait3A_139 = arith.constant 0 : i32
    %dma_wait3A_140 = tpu.memref_slice %arg7[%dma_wait3A_135, %dma_wait3A_139] : memref<40x128xi32, #tpu.memory_space<vmem>> -> memref<1x128xi32, #tpu.memory_space<vmem>>
    %dma_wait3A_141 = tpu.memref_squeeze %dma_wait3A_140 : memref<1x128xi32, #tpu.memory_space<vmem>> -> memref<128xi32, #tpu.memory_space<vmem>>
    %dma_wait3A_142 = arith.constant 0 : i32
    %dma_wait3A_143 = arith.constant 0 : i32
    %dma_wait3A_144 = tpu.memref_slice %arg2[%dma_wait3A_142, %dma_wait3A_143] : memref<10240x128xf32, #tpu.memory_space<hbm>> -> memref<10240x128xf32, #tpu.memory_space<hbm>>
    tpu.wait_indirect_dma semaphore(%arg12 : memref<!tpu.dma_semaphore, #tpu.memory_space<semaphore_mem>>) src(%dma_wait3A_144 : memref<10240x128xf32, #tpu.memory_space<hbm>>) dst(%dma_wait3A_138 : memref<128x128xf32, #tpu.memory_space<vmem>>)
    %dma_start3A_145 = arith.constant 1 : i32
    %dma_start3A_146 = arith.constant 128 : i32
    %dma_start3A_147 = arith.constant 0 : i32
    %dma_start3A_148 = tpu.memref_slice %arg9[%dma_start3A_146, %dma_start3A_147] : memref<256x128xf32, #tpu.memory_space<vmem>> -> memref<128x128xf32, #tpu.memory_space<vmem>>
    %dma_start3A_149 = arith.constant 0 : i32
    %dma_start3A_150 = tpu.memref_slice %arg8[%dma_start3A_145, %dma_start3A_149] : memref<40x128xi32, #tpu.memory_space<vmem>> -> memref<1x128xi32, #tpu.memory_space<vmem>>
    %dma_start3A_151 = tpu.memref_squeeze %dma_start3A_150 : memref<1x128xi32, #tpu.memory_space<vmem>> -> memref<128xi32, #tpu.memory_space<vmem>>
    %dma_start3A_152 = arith.constant 0 : i32
    %dma_start3A_153 = arith.constant 0 : i32
    %dma_start3A_154 = tpu.memref_slice %arg10[%dma_start3A_152, %dma_start3A_153] : memref<10240x128xf32, #tpu.memory_space<vmem_shared>> -> memref<10240x128xf32, #tpu.memory_space<vmem_shared>>
    tpu.enqueue_indirect_dma source(%dma_start3A_148 : memref<128x128xf32, #tpu.memory_space<vmem>>) target(%dma_start3A_154 : memref<10240x128xf32, #tpu.memory_space<vmem_shared>>) offsets(%dma_start3A_151 : memref<128xi32, #tpu.memory_space<vmem>>) semaphore(%arg16 : memref<!tpu.dma_semaphore, #tpu.memory_space<semaphore_mem>>) {add = true}
    %scan3A_155 = arith.constant 0 : i32
    %scan3A_156 = arith.constant 1 : i32
    %scan3A_157 = arith.constant 19 : i32
    %scan3A_158 = arith.addi %scan3A_156, %scan3A_157 : i32
    %scan3A_159 = arith.constant 1 : i32
    %scan3A_160 = scf.for %scan3A_187 = %scan3A_156 to %scan3A_158 step %scan3A_159 iter_args(%scan3A_188 = %scan3A_155) -> (i32)  : i32 {
      %mul3A_189 = arith.constant 2 : i32
      %mul3A_190 = arith.muli %mul3A_189, %scan3A_187 : i32
      %dma_wait3A_191 = arith.constant 0 : i32
      %dma_wait3A_192 = arith.constant 0 : i32
      %dma_wait3A_193 = arith.constant 0 : i32
      %dma_wait3A_194 = tpu.memref_slice %arg9[%dma_wait3A_192, %dma_wait3A_193] : memref<256x128xf32, #tpu.memory_space<vmem>> -> memref<128x128xf32, #tpu.memory_space<vmem>>
      %dma_wait3A_195 = arith.constant 0 : i32
      %dma_wait3A_196 = tpu.memref_slice %arg8[%dma_wait3A_191, %dma_wait3A_195] : memref<40x128xi32, #tpu.memory_space<vmem>> -> memref<1x128xi32, #tpu.memory_space<vmem>>
      %dma_wait3A_197 = tpu.memref_squeeze %dma_wait3A_196 : memref<1x128xi32, #tpu.memory_space<vmem>> -> memref<128xi32, #tpu.memory_space<vmem>>
      %dma_wait3A_198 = arith.constant 0 : i32
      %dma_wait3A_199 = arith.constant 0 : i32
      %dma_wait3A_200 = tpu.memref_slice %arg10[%dma_wait3A_198, %dma_wait3A_199] : memref<10240x128xf32, #tpu.memory_space<vmem_shared>> -> memref<10240x128xf32, #tpu.memory_space<vmem_shared>>
      tpu.wait_indirect_dma semaphore(%arg15 : memref<!tpu.dma_semaphore, #tpu.memory_space<semaphore_mem>>) src(%dma_wait3A_194 : memref<128x128xf32, #tpu.memory_space<vmem>>) dst(%dma_wait3A_200 : memref<10240x128xf32, #tpu.memory_space<vmem_shared>>)
      %dma_start3A_201 = arith.constant 0 : i32
      %dma_start3A_202 = arith.constant 0 : i32
      %dma_start3A_203 = tpu.memref_slice %arg9[%dma_start3A_201, %dma_start3A_202] : memref<256x128xf32, #tpu.memory_space<vmem>> -> memref<128x128xf32, #tpu.memory_space<vmem>>
      %dma_start3A_204 = arith.constant 0 : i32
      %dma_start3A_205 = tpu.memref_slice %arg7[%mul3A_190, %dma_start3A_204] : memref<40x128xi32, #tpu.memory_space<vmem>> -> memref<1x128xi32, #tpu.memory_space<vmem>>
      %dma_start3A_206 = tpu.memref_squeeze %dma_start3A_205 : memref<1x128xi32, #tpu.memory_space<vmem>> -> memref<128xi32, #tpu.memory_space<vmem>>
      %dma_start3A_207 = arith.constant 0 : i32
      %dma_start3A_208 = arith.constant 0 : i32
      %dma_start3A_209 = tpu.memref_slice %arg2[%dma_start3A_207, %dma_start3A_208] : memref<10240x128xf32, #tpu.memory_space<hbm>> -> memref<10240x128xf32, #tpu.memory_space<hbm>>
      tpu.enqueue_indirect_dma source(%dma_start3A_209 : memref<10240x128xf32, #tpu.memory_space<hbm>>) target(%dma_start3A_203 : memref<128x128xf32, #tpu.memory_space<vmem>>) offsets(%dma_start3A_206 : memref<128xi32, #tpu.memory_space<vmem>>) semaphore(%arg11 : memref<!tpu.dma_semaphore, #tpu.memory_space<semaphore_mem>>)
      %dma_wait3A_210 = arith.constant 0 : i32
      %dma_wait3A_211 = arith.constant 128 : i32
      %dma_wait3A_212 = arith.constant 0 : i32
      %dma_wait3A_213 = tpu.memref_slice %arg9[%dma_wait3A_211, %dma_wait3A_212] : memref<256x128xf32, #tpu.memory_space<vmem>> -> memref<128x128xf32, #tpu.memory_space<vmem>>
      %dma_wait3A_214 = arith.constant 0 : i32
      %dma_wait3A_215 = tpu.memref_slice %arg8[%dma_wait3A_210, %dma_wait3A_214] : memref<40x128xi32, #tpu.memory_space<vmem>> -> memref<1x128xi32, #tpu.memory_space<vmem>>
      %dma_wait3A_216 = tpu.memref_squeeze %dma_wait3A_215 : memref<1x128xi32, #tpu.memory_space<vmem>> -> memref<128xi32, #tpu.memory_space<vmem>>
      %dma_wait3A_217 = arith.constant 0 : i32
      %dma_wait3A_218 = arith.constant 0 : i32
      %dma_wait3A_219 = tpu.memref_slice %arg10[%dma_wait3A_217, %dma_wait3A_218] : memref<10240x128xf32, #tpu.memory_space<vmem_shared>> -> memref<10240x128xf32, #tpu.memory_space<vmem_shared>>
      tpu.wait_indirect_dma semaphore(%arg16 : memref<!tpu.dma_semaphore, #tpu.memory_space<semaphore_mem>>) src(%dma_wait3A_213 : memref<128x128xf32, #tpu.memory_space<vmem>>) dst(%dma_wait3A_219 : memref<10240x128xf32, #tpu.memory_space<vmem_shared>>)
      %dma_wait3A_220 = arith.constant 0 : i32
      %dma_wait3A_221 = arith.constant 0 : i32
      %dma_wait3A_222 = arith.constant 0 : i32
      %dma_wait3A_223 = tpu.memref_slice %arg9[%dma_wait3A_221, %dma_wait3A_222] : memref<256x128xf32, #tpu.memory_space<vmem>> -> memref<128x128xf32, #tpu.memory_space<vmem>>
      %dma_wait3A_224 = arith.constant 0 : i32
      %dma_wait3A_225 = tpu.memref_slice %arg7[%dma_wait3A_220, %dma_wait3A_224] : memref<40x128xi32, #tpu.memory_space<vmem>> -> memref<1x128xi32, #tpu.memory_space<vmem>>
      %dma_wait3A_226 = tpu.memref_squeeze %dma_wait3A_225 : memref<1x128xi32, #tpu.memory_space<vmem>> -> memref<128xi32, #tpu.memory_space<vmem>>
      %dma_wait3A_227 = arith.constant 0 : i32
      %dma_wait3A_228 = arith.constant 0 : i32
      %dma_wait3A_229 = tpu.memref_slice %arg2[%dma_wait3A_227, %dma_wait3A_228] : memref<10240x128xf32, #tpu.memory_space<hbm>> -> memref<10240x128xf32, #tpu.memory_space<hbm>>
      tpu.wait_indirect_dma semaphore(%arg11 : memref<!tpu.dma_semaphore, #tpu.memory_space<semaphore_mem>>) src(%dma_wait3A_229 : memref<10240x128xf32, #tpu.memory_space<hbm>>) dst(%dma_wait3A_223 : memref<128x128xf32, #tpu.memory_space<vmem>>)
      %dma_start3A_230 = arith.constant 0 : i32
      %dma_start3A_231 = arith.constant 0 : i32
      %dma_start3A_232 = tpu.memref_slice %arg9[%dma_start3A_230, %dma_start3A_231] : memref<256x128xf32, #tpu.memory_space<vmem>> -> memref<128x128xf32, #tpu.memory_space<vmem>>
      %dma_start3A_233 = arith.constant 0 : i32
      %dma_start3A_234 = tpu.memref_slice %arg8[%mul3A_190, %dma_start3A_233] : memref<40x128xi32, #tpu.memory_space<vmem>> -> memref<1x128xi32, #tpu.memory_space<vmem>>
      %dma_start3A_235 = tpu.memref_squeeze %dma_start3A_234 : memref<1x128xi32, #tpu.memory_space<vmem>> -> memref<128xi32, #tpu.memory_space<vmem>>
      %dma_start3A_236 = arith.constant 0 : i32
      %dma_start3A_237 = arith.constant 0 : i32
      %dma_start3A_238 = tpu.memref_slice %arg10[%dma_start3A_236, %dma_start3A_237] : memref<10240x128xf32, #tpu.memory_space<vmem_shared>> -> memref<10240x128xf32, #tpu.memory_space<vmem_shared>>
      tpu.enqueue_indirect_dma source(%dma_start3A_232 : memref<128x128xf32, #tpu.memory_space<vmem>>) target(%dma_start3A_238 : memref<10240x128xf32, #tpu.memory_space<vmem_shared>>) offsets(%dma_start3A_235 : memref<128xi32, #tpu.memory_space<vmem>>) semaphore(%arg15 : memref<!tpu.dma_semaphore, #tpu.memory_space<semaphore_mem>>) {add = true}
      %add3A_239 = arith.constant 1 : i32
      %add3A_240 = arith.addi %mul3A_190, %add3A_239 : i32
      %dma_start3A_241 = arith.constant 128 : i32
      %dma_start3A_242 = arith.constant 0 : i32
      %dma_start3A_243 = tpu.memref_slice %arg9[%dma_start3A_241, %dma_start3A_242] : memref<256x128xf32, #tpu.memory_space<vmem>> -> memref<128x128xf32, #tpu.memory_space<vmem>>
      %dma_start3A_244 = arith.constant 0 : i32
      %dma_start3A_245 = tpu.memref_slice %arg7[%add3A_240, %dma_start3A_244] : memref<40x128xi32, #tpu.memory_space<vmem>> -> memref<1x128xi32, #tpu.memory_space<vmem>>
      %dma_start3A_246 = tpu.memref_squeeze %dma_start3A_245 : memref<1x128xi32, #tpu.memory_space<vmem>> -> memref<128xi32, #tpu.memory_space<vmem>>
      %dma_start3A_247 = arith.constant 0 : i32
      %dma_start3A_248 = arith.constant 0 : i32
      %dma_start3A_249 = tpu.memref_slice %arg2[%dma_start3A_247, %dma_start3A_248] : memref<10240x128xf32, #tpu.memory_space<hbm>> -> memref<10240x128xf32, #tpu.memory_space<hbm>>
      tpu.enqueue_indirect_dma source(%dma_start3A_249 : memref<10240x128xf32, #tpu.memory_space<hbm>>) target(%dma_start3A_243 : memref<128x128xf32, #tpu.memory_space<vmem>>) offsets(%dma_start3A_246 : memref<128xi32, #tpu.memory_space<vmem>>) semaphore(%arg12 : memref<!tpu.dma_semaphore, #tpu.memory_space<semaphore_mem>>)
      %dma_wait3A_250 = arith.constant 0 : i32
      %dma_wait3A_251 = arith.constant 128 : i32
      %dma_wait3A_252 = arith.constant 0 : i32
      %dma_wait3A_253 = tpu.memref_slice %arg9[%dma_wait3A_251, %dma_wait3A_252] : memref<256x128xf32, #tpu.memory_space<vmem>> -> memref<128x128xf32, #tpu.memory_space<vmem>>
      %dma_wait3A_254 = arith.constant 0 : i32
      %dma_wait3A_255 = tpu.memref_slice %arg7[%dma_wait3A_250, %dma_wait3A_254] : memref<40x128xi32, #tpu.memory_space<vmem>> -> memref<1x128xi32, #tpu.memory_space<vmem>>
      %dma_wait3A_256 = tpu.memref_squeeze %dma_wait3A_255 : memref<1x128xi32, #tpu.memory_space<vmem>> -> memref<128xi32, #tpu.memory_space<vmem>>
      %dma_wait3A_257 = arith.constant 0 : i32
      %dma_wait3A_258 = arith.constant 0 : i32
      %dma_wait3A_259 = tpu.memref_slice %arg2[%dma_wait3A_257, %dma_wait3A_258] : memref<10240x128xf32, #tpu.memory_space<hbm>> -> memref<10240x128xf32, #tpu.memory_space<hbm>>
      tpu.wait_indirect_dma semaphore(%arg12 : memref<!tpu.dma_semaphore, #tpu.memory_space<semaphore_mem>>) src(%dma_wait3A_259 : memref<10240x128xf32, #tpu.memory_space<hbm>>) dst(%dma_wait3A_253 : memref<128x128xf32, #tpu.memory_space<vmem>>)
      %add3A_260 = arith.constant 1 : i32
      %add3A_261 = arith.addi %mul3A_190, %add3A_260 : i32
      %dma_start3A_262 = arith.constant 128 : i32
      %dma_start3A_263 = arith.constant 0 : i32
      %dma_start3A_264 = tpu.memref_slice %arg9[%dma_start3A_262, %dma_start3A_263] : memref<256x128xf32, #tpu.memory_space<vmem>> -> memref<128x128xf32, #tpu.memory_space<vmem>>
      %dma_start3A_265 = arith.constant 0 : i32
      %dma_start3A_266 = tpu.memref_slice %arg8[%add3A_261, %dma_start3A_265] : memref<40x128xi32, #tpu.memory_space<vmem>> -> memref<1x128xi32, #tpu.memory_space<vmem>>
      %dma_start3A_267 = tpu.memref_squeeze %dma_start3A_266 : memref<1x128xi32, #tpu.memory_space<vmem>> -> memref<128xi32, #tpu.memory_space<vmem>>
      %dma_start3A_268 = arith.constant 0 : i32
      %dma_start3A_269 = arith.constant 0 : i32
      %dma_start3A_270 = tpu.memref_slice %arg10[%dma_start3A_268, %dma_start3A_269] : memref<10240x128xf32, #tpu.memory_space<vmem_shared>> -> memref<10240x128xf32, #tpu.memory_space<vmem_shared>>
      tpu.enqueue_indirect_dma source(%dma_start3A_264 : memref<128x128xf32, #tpu.memory_space<vmem>>) target(%dma_start3A_270 : memref<10240x128xf32, #tpu.memory_space<vmem_shared>>) offsets(%dma_start3A_267 : memref<128xi32, #tpu.memory_space<vmem>>) semaphore(%arg16 : memref<!tpu.dma_semaphore, #tpu.memory_space<semaphore_mem>>) {add = true}
      %scan3A_271 = arith.constant 0 : i32
      scf.yield %scan3A_271 : i32
    }
    %scan3A_161 = arith.constant 19 : i32
    %dma_wait3A_162 = arith.constant 0 : i32
    %dma_wait3A_163 = arith.constant 0 : i32
    %dma_wait3A_164 = arith.constant 0 : i32
    %dma_wait3A_165 = tpu.memref_slice %arg9[%dma_wait3A_163, %dma_wait3A_164] : memref<256x128xf32, #tpu.memory_space<vmem>> -> memref<128x128xf32, #tpu.memory_space<vmem>>
    %dma_wait3A_166 = arith.constant 0 : i32
    %dma_wait3A_167 = tpu.memref_slice %arg8[%dma_wait3A_162, %dma_wait3A_166] : memref<40x128xi32, #tpu.memory_space<vmem>> -> memref<1x128xi32, #tpu.memory_space<vmem>>
    %dma_wait3A_168 = tpu.memref_squeeze %dma_wait3A_167 : memref<1x128xi32, #tpu.memory_space<vmem>> -> memref<128xi32, #tpu.memory_space<vmem>>
    %dma_wait3A_169 = arith.constant 0 : i32
    %dma_wait3A_170 = arith.constant 0 : i32
    %dma_wait3A_171 = tpu.memref_slice %arg10[%dma_wait3A_169, %dma_wait3A_170] : memref<10240x128xf32, #tpu.memory_space<vmem_shared>> -> memref<10240x128xf32, #tpu.memory_space<vmem_shared>>
    tpu.wait_indirect_dma semaphore(%arg15 : memref<!tpu.dma_semaphore, #tpu.memory_space<semaphore_mem>>) src(%dma_wait3A_165 : memref<128x128xf32, #tpu.memory_space<vmem>>) dst(%dma_wait3A_171 : memref<10240x128xf32, #tpu.memory_space<vmem_shared>>)
    %dma_wait3A_172 = arith.constant 0 : i32
    %dma_wait3A_173 = arith.constant 128 : i32
    %dma_wait3A_174 = arith.constant 0 : i32
    %dma_wait3A_175 = tpu.memref_slice %arg9[%dma_wait3A_173, %dma_wait3A_174] : memref<256x128xf32, #tpu.memory_space<vmem>> -> memref<128x128xf32, #tpu.memory_space<vmem>>
    %dma_wait3A_176 = arith.constant 0 : i32
    %dma_wait3A_177 = tpu.memref_slice %arg8[%dma_wait3A_172, %dma_wait3A_176] : memref<40x128xi32, #tpu.memory_space<vmem>> -> memref<1x128xi32, #tpu.memory_space<vmem>>
    %dma_wait3A_178 = tpu.memref_squeeze %dma_wait3A_177 : memref<1x128xi32, #tpu.memory_space<vmem>> -> memref<128xi32, #tpu.memory_space<vmem>>
    %dma_wait3A_179 = arith.constant 0 : i32
    %dma_wait3A_180 = arith.constant 0 : i32
    %dma_wait3A_181 = tpu.memref_slice %arg10[%dma_wait3A_179, %dma_wait3A_180] : memref<10240x128xf32, #tpu.memory_space<vmem_shared>> -> memref<10240x128xf32, #tpu.memory_space<vmem_shared>>
    tpu.wait_indirect_dma semaphore(%arg16 : memref<!tpu.dma_semaphore, #tpu.memory_space<semaphore_mem>>) src(%dma_wait3A_175 : memref<128x128xf32, #tpu.memory_space<vmem>>) dst(%dma_wait3A_181 : memref<10240x128xf32, #tpu.memory_space<vmem_shared>>)
    %barrier3A_182 = arith.constant 0 : index
    tpu.barrier barrier_id(%barrier3A_182)
    %mul3A_183 = arith.constant 640 : i32
    %mul3A_184 = arith.muli %arg1, %mul3A_183 : i32
    %mul3A_185 = arith.constant 640 : i32
    %mul3A_186 = arith.muli %arg1, %mul3A_185 : i32
    "tpu.region"() ({
      %run_scoped3A = tpu.sem_alloc : memref<!tpu.dma_semaphore, #tpu.memory_space<semaphore_mem>>
      %dma_start3A_187 = arith.constant 0 : i32
      %dma_start3A_188 = tpu.memref_slice %arg6[%arg0, %mul3A_186, %dma_start3A_187] : memref<2x10240x128xf32, #tpu.memory_space<hbm>> -> memref<1x640x128xf32, #tpu.memory_space<hbm>>
      %dma_start3A_189 = tpu.memref_squeeze %dma_start3A_188 : memref<1x640x128xf32, #tpu.memory_space<hbm>> -> memref<640x128xf32, #tpu.memory_space<hbm>>
      %dma_start3A_190 = arith.constant 0 : i32
      %dma_start3A_191 = tpu.memref_slice %arg10[%mul3A_184, %dma_start3A_190] : memref<10240x128xf32, #tpu.memory_space<vmem_shared>> -> memref<640x128xf32, #tpu.memory_space<vmem_shared>>
      tpu.enqueue_dma source(%dma_start3A_191 : memref<640x128xf32, #tpu.memory_space<vmem_shared>>) target(%dma_start3A_189 : memref<640x128xf32, #tpu.memory_space<hbm>>) target_semaphore(%run_scoped3A : memref<!tpu.dma_semaphore, #tpu.memory_space<semaphore_mem>>)
      %dma_wait3A_192 = arith.constant 0 : i32
      %dma_wait3A_193 = tpu.memref_slice %arg6[%arg0, %mul3A_186, %dma_wait3A_192] : memref<2x10240x128xf32, #tpu.memory_space<hbm>> -> memref<1x640x128xf32, #tpu.memory_space<hbm>>
      %dma_wait3A_194 = tpu.memref_squeeze %dma_wait3A_193 : memref<1x640x128xf32, #tpu.memory_space<hbm>> -> memref<640x128xf32, #tpu.memory_space<hbm>>
      %dma_wait3A_195 = arith.constant 0 : i32
      %dma_wait3A_196 = tpu.memref_slice %arg10[%mul3A_184, %dma_wait3A_195] : memref<10240x128xf32, #tpu.memory_space<vmem_shared>> -> memref<640x128xf32, #tpu.memory_space<vmem_shared>>
      tpu.wait_dma2 semaphore(%run_scoped3A : memref<!tpu.dma_semaphore, #tpu.memory_space<semaphore_mem>>) src(%dma_wait3A_196 : memref<640x128xf32, #tpu.memory_space<vmem_shared>>) dst(%dma_wait3A_194 : memref<640x128xf32, #tpu.memory_space<hbm>>)
      tpu.yield
    }) : () -> ()
    return
  }
}

#map = affine_map<(d0, d1) -> (0, 0)>
#map1 = affine_map<(d0, d1) -> (0, 0, 0)>
module attributes {stable_mosaic.version = 14 : i64} {
  func.func @_msg_pass(%arg0: i32, %arg1: i32, %arg2: memref<10240x128xf32, #tpu.memory_space<hbm>>, %arg3: memref<2560x128xi32, #tpu.memory_space<hbm>>, %arg4: memref<2560x128xi32, #tpu.memory_space<hbm>>, %arg5: memref<640x128xf32, #tpu.memory_space<hbm>>, %arg6: memref<2x10240x128xf32, #tpu.memory_space<hbm>>, %arg7: memref<40x128xi32, #tpu.memory_space<vmem>>, %arg8: memref<40x128xi32, #tpu.memory_space<vmem>>, %arg9: memref<256x128xf32, #tpu.memory_space<vmem>>, %arg10: memref<10240x128xf32, #tpu.memory_space<vmem_shared>>, %arg11: memref<!tpu.dma_semaphore, #tpu.memory_space<semaphore_mem>>, %arg12: memref<!tpu.dma_semaphore, #tpu.memory_space<semaphore_mem>>, %arg13: memref<!tpu.dma_semaphore, #tpu.memory_space<semaphore_mem>>, %arg14: memref<!tpu.dma_semaphore, #tpu.memory_space<semaphore_mem>>, %arg15: memref<!tpu.dma_semaphore, #tpu.memory_space<semaphore_mem>>, %arg16: memref<!tpu.dma_semaphore, #tpu.memory_space<semaphore_mem>>) attributes {dimension_semantics = [#tpu.dimension_semantics<core_parallel>, #tpu.dimension_semantics<subcore_parallel>], iteration_bounds = array<i64: 2, 16>, scalar_prefetch = 0 : i64, scratch_operands = 10 : i64, tpu.core_type = #tpu.core_type<sc_vector_subcore>, window_params = [{transform_indices = #map}, {transform_indices = #map}, {transform_indices = #map}, {transform_indices = #map}, {transform_indices = #map1}]} {
    %mul3A = arith.constant 2 : i32
    %mul3A_0 = arith.muli %arg1, %mul3A : i32
    %add3A = arith.addi %mul3A_0, %arg0 : i32
    %mul3A_1 = arith.constant 640 : i32
    %mul3A_2 = arith.muli %arg1, %mul3A_1 : i32
    "tpu.region"() ({
      %run_scoped3A = tpu.sem_alloc : memref<!tpu.dma_semaphore, #tpu.memory_space<semaphore_mem>>
      %dma_start3A_187 = arith.constant 0 : i32
      %dma_start3A_188 = tpu.memref_slice %arg10[%mul3A_2, %dma_start3A_187] : memref<10240x128xf32, #tpu.memory_space<vmem_shared>> -> memref<640x128xf32, #tpu.memory_space<vmem_shared>>
      tpu.enqueue_dma source(%arg5 : memref<640x128xf32, #tpu.memory_space<hbm>>) target(%dma_start3A_188 : memref<640x128xf32, #tpu.memory_space<vmem_shared>>) target_semaphore(%run_scoped3A : memref<!tpu.dma_semaphore, #tpu.memory_space<semaphore_mem>>)
      %dma_wait3A_189 = arith.constant 0 : i32
      %dma_wait3A_190 = tpu.memref_slice %arg10[%mul3A_2, %dma_wait3A_189] : memref<10240x128xf32, #tpu.memory_space<vmem_shared>> -> memref<640x128xf32, #tpu.memory_space<vmem_shared>>
      tpu.wait_dma2 semaphore(%run_scoped3A : memref<!tpu.dma_semaphore, #tpu.memory_space<semaphore_mem>>) src(%arg5 : memref<640x128xf32, #tpu.memory_space<hbm>>) dst(%dma_wait3A_190 : memref<640x128xf32, #tpu.memory_space<vmem_shared>>)
      tpu.yield
    }) : () -> ()
    %barrier3A = arith.constant 0 : index
    tpu.barrier barrier_id(%barrier3A)
    %mul3A_3 = arith.constant 80 : i32
    %mul3A_4 = arith.muli %add3A, %mul3A_3 : i32
    %add3A_5 = arith.constant 0 : i32
    %add3A_6 = arith.addi %mul3A_4, %add3A_5 : i32
    "tpu.region"() ({
      %run_scoped3A = tpu.sem_alloc : memref<!tpu.dma_semaphore, #tpu.memory_space<semaphore_mem>>
      %dma_start3A_187 = arith.constant 0 : i32
      %dma_start3A_188 = tpu.memref_slice %arg3[%add3A_6, %dma_start3A_187] : memref<2560x128xi32, #tpu.memory_space<hbm>> -> memref<40x128xi32, #tpu.memory_space<hbm>>
      %dma_start3A_189 = arith.constant 0 : i32
      %dma_start3A_190 = tpu.memref_slice %arg3[%add3A_6, %dma_start3A_189] : memref<2560x128xi32, #tpu.memory_space<hbm>> -> memref<40x128xi32, #tpu.memory_space<hbm>>
      tpu.enqueue_dma source(%dma_start3A_190 : memref<40x128xi32, #tpu.memory_space<hbm>>) target(%arg7 : memref<40x128xi32, #tpu.memory_space<vmem>>) target_semaphore(%run_scoped3A : memref<!tpu.dma_semaphore, #tpu.memory_space<semaphore_mem>>)
      %dma_wait3A_191 = arith.constant 0 : i32
      %dma_wait3A_192 = tpu.memref_slice %arg3[%add3A_6, %dma_wait3A_191] : memref<2560x128xi32, #tpu.memory_space<hbm>> -> memref<40x128xi32, #tpu.memory_space<hbm>>
      %dma_wait3A_193 = arith.constant 0 : i32
      %dma_wait3A_194 = tpu.memref_slice %arg3[%add3A_6, %dma_wait3A_193] : memref<2560x128xi32, #tpu.memory_space<hbm>> -> memref<40x128xi32, #tpu.memory_space<hbm>>
      tpu.wait_dma2 semaphore(%run_scoped3A : memref<!tpu.dma_semaphore, #tpu.memory_space<semaphore_mem>>) src(%dma_wait3A_194 : memref<40x128xi32, #tpu.memory_space<hbm>>) dst(%arg7 : memref<40x128xi32, #tpu.memory_space<vmem>>)
      tpu.yield
    }) : () -> ()
    "tpu.region"() ({
      %run_scoped3A = tpu.sem_alloc : memref<!tpu.dma_semaphore, #tpu.memory_space<semaphore_mem>>
      %dma_start3A_187 = arith.constant 0 : i32
      %dma_start3A_188 = tpu.memref_slice %arg4[%add3A_6, %dma_start3A_187] : memref<2560x128xi32, #tpu.memory_space<hbm>> -> memref<40x128xi32, #tpu.memory_space<hbm>>
      %dma_start3A_189 = arith.constant 0 : i32
      %dma_start3A_190 = tpu.memref_slice %arg4[%add3A_6, %dma_start3A_189] : memref<2560x128xi32, #tpu.memory_space<hbm>> -> memref<40x128xi32, #tpu.memory_space<hbm>>
      tpu.enqueue_dma source(%dma_start3A_190 : memref<40x128xi32, #tpu.memory_space<hbm>>) target(%arg8 : memref<40x128xi32, #tpu.memory_space<vmem>>) target_semaphore(%run_scoped3A : memref<!tpu.dma_semaphore, #tpu.memory_space<semaphore_mem>>)
      %dma_wait3A_191 = arith.constant 0 : i32
      %dma_wait3A_192 = tpu.memref_slice %arg4[%add3A_6, %dma_wait3A_191] : memref<2560x128xi32, #tpu.memory_space<hbm>> -> memref<40x128xi32, #tpu.memory_space<hbm>>
      %dma_wait3A_193 = arith.constant 0 : i32
      %dma_wait3A_194 = tpu.memref_slice %arg4[%add3A_6, %dma_wait3A_193] : memref<2560x128xi32, #tpu.memory_space<hbm>> -> memref<40x128xi32, #tpu.memory_space<hbm>>
      tpu.wait_dma2 semaphore(%run_scoped3A : memref<!tpu.dma_semaphore, #tpu.memory_space<semaphore_mem>>) src(%dma_wait3A_194 : memref<40x128xi32, #tpu.memory_space<hbm>>) dst(%arg8 : memref<40x128xi32, #tpu.memory_space<vmem>>)
      tpu.yield
    }) : () -> ()
    %dma_start3A = arith.constant 0 : i32
    %dma_start3A_7 = arith.constant 0 : i32
    %dma_start3A_8 = arith.constant 0 : i32
    %dma_start3A_9 = tpu.memref_slice %arg9[%dma_start3A_7, %dma_start3A_8] : memref<256x128xf32, #tpu.memory_space<vmem>> -> memref<128x128xf32, #tpu.memory_space<vmem>>
    %dma_start3A_10 = arith.constant 0 : i32
    %dma_start3A_11 = tpu.memref_slice %arg7[%dma_start3A, %dma_start3A_10] : memref<40x128xi32, #tpu.memory_space<vmem>> -> memref<1x128xi32, #tpu.memory_space<vmem>>
    %dma_start3A_12 = tpu.memref_squeeze %dma_start3A_11 : memref<1x128xi32, #tpu.memory_space<vmem>> -> memref<128xi32, #tpu.memory_space<vmem>>
    %dma_start3A_13 = arith.constant 0 : i32
    %dma_start3A_14 = arith.constant 0 : i32
    %dma_start3A_15 = tpu.memref_slice %arg2[%dma_start3A_13, %dma_start3A_14] : memref<10240x128xf32, #tpu.memory_space<hbm>> -> memref<10240x128xf32, #tpu.memory_space<hbm>>
    tpu.enqueue_indirect_dma source(%dma_start3A_15 : memref<10240x128xf32, #tpu.memory_space<hbm>>) target(%dma_start3A_9 : memref<128x128xf32, #tpu.memory_space<vmem>>) offsets(%dma_start3A_12 : memref<128xi32, #tpu.memory_space<vmem>>) semaphore(%arg11 : memref<!tpu.dma_semaphore, #tpu.memory_space<semaphore_mem>>)
    %dma_wait3A = arith.constant 0 : i32
    %dma_wait3A_16 = arith.constant 0 : i32
    %dma_wait3A_17 = arith.constant 0 : i32
    %dma_wait3A_18 = tpu.memref_slice %arg9[%dma_wait3A_16, %dma_wait3A_17] : memref<256x128xf32, #tpu.memory_space<vmem>> -> memref<128x128xf32, #tpu.memory_space<vmem>>
    %dma_wait3A_19 = arith.constant 0 : i32
    %dma_wait3A_20 = tpu.memref_slice %arg7[%dma_wait3A, %dma_wait3A_19] : memref<40x128xi32, #tpu.memory_space<vmem>> -> memref<1x128xi32, #tpu.memory_space<vmem>>
    %dma_wait3A_21 = tpu.memref_squeeze %dma_wait3A_20 : memref<1x128xi32, #tpu.memory_space<vmem>> -> memref<128xi32, #tpu.memory_space<vmem>>
    %dma_wait3A_22 = arith.constant 0 : i32
    %dma_wait3A_23 = arith.constant 0 : i32
    %dma_wait3A_24 = tpu.memref_slice %arg2[%dma_wait3A_22, %dma_wait3A_23] : memref<10240x128xf32, #tpu.memory_space<hbm>> -> memref<10240x128xf32, #tpu.memory_space<hbm>>
    tpu.wait_indirect_dma semaphore(%arg11 : memref<!tpu.dma_semaphore, #tpu.memory_space<semaphore_mem>>) src(%dma_wait3A_24 : memref<10240x128xf32, #tpu.memory_space<hbm>>) dst(%dma_wait3A_18 : memref<128x128xf32, #tpu.memory_space<vmem>>)
    %dma_start3A_25 = arith.constant 0 : i32
    %dma_start3A_26 = arith.constant 0 : i32
    %dma_start3A_27 = arith.constant 0 : i32
    %dma_start3A_28 = tpu.memref_slice %arg9[%dma_start3A_26, %dma_start3A_27] : memref<256x128xf32, #tpu.memory_space<vmem>> -> memref<128x128xf32, #tpu.memory_space<vmem>>
    %dma_start3A_29 = arith.constant 0 : i32
    %dma_start3A_30 = tpu.memref_slice %arg8[%dma_start3A_25, %dma_start3A_29] : memref<40x128xi32, #tpu.memory_space<vmem>> -> memref<1x128xi32, #tpu.memory_space<vmem>>
    %dma_start3A_31 = tpu.memref_squeeze %dma_start3A_30 : memref<1x128xi32, #tpu.memory_space<vmem>> -> memref<128xi32, #tpu.memory_space<vmem>>
    %dma_start3A_32 = arith.constant 0 : i32
    %dma_start3A_33 = arith.constant 0 : i32
    %dma_start3A_34 = tpu.memref_slice %arg10[%dma_start3A_32, %dma_start3A_33] : memref<10240x128xf32, #tpu.memory_space<vmem_shared>> -> memref<10240x128xf32, #tpu.memory_space<vmem_shared>>
    tpu.enqueue_indirect_dma source(%dma_start3A_28 : memref<128x128xf32, #tpu.memory_space<vmem>>) target(%dma_start3A_34 : memref<10240x128xf32, #tpu.memory_space<vmem_shared>>) offsets(%dma_start3A_31 : memref<128xi32, #tpu.memory_space<vmem>>) semaphore(%arg15 : memref<!tpu.dma_semaphore, #tpu.memory_space<semaphore_mem>>) {add = true}
    %dma_start3A_35 = arith.constant 1 : i32
    %dma_start3A_36 = arith.constant 128 : i32
    %dma_start3A_37 = arith.constant 0 : i32
    %dma_start3A_38 = tpu.memref_slice %arg9[%dma_start3A_36, %dma_start3A_37] : memref<256x128xf32, #tpu.memory_space<vmem>> -> memref<128x128xf32, #tpu.memory_space<vmem>>
    %dma_start3A_39 = arith.constant 0 : i32
    %dma_start3A_40 = tpu.memref_slice %arg7[%dma_start3A_35, %dma_start3A_39] : memref<40x128xi32, #tpu.memory_space<vmem>> -> memref<1x128xi32, #tpu.memory_space<vmem>>
    %dma_start3A_41 = tpu.memref_squeeze %dma_start3A_40 : memref<1x128xi32, #tpu.memory_space<vmem>> -> memref<128xi32, #tpu.memory_space<vmem>>
    %dma_start3A_42 = arith.constant 0 : i32
    %dma_start3A_43 = arith.constant 0 : i32
    %dma_start3A_44 = tpu.memref_slice %arg2[%dma_start3A_42, %dma_start3A_43] : memref<10240x128xf32, #tpu.memory_space<hbm>> -> memref<10240x128xf32, #tpu.memory_space<hbm>>
    tpu.enqueue_indirect_dma source(%dma_start3A_44 : memref<10240x128xf32, #tpu.memory_space<hbm>>) target(%dma_start3A_38 : memref<128x128xf32, #tpu.memory_space<vmem>>) offsets(%dma_start3A_41 : memref<128xi32, #tpu.memory_space<vmem>>) semaphore(%arg12 : memref<!tpu.dma_semaphore, #tpu.memory_space<semaphore_mem>>)
    %dma_wait3A_45 = arith.constant 0 : i32
    %dma_wait3A_46 = arith.constant 128 : i32
    %dma_wait3A_47 = arith.constant 0 : i32
    %dma_wait3A_48 = tpu.memref_slice %arg9[%dma_wait3A_46, %dma_wait3A_47] : memref<256x128xf32, #tpu.memory_space<vmem>> -> memref<128x128xf32, #tpu.memory_space<vmem>>
    %dma_wait3A_49 = arith.constant 0 : i32
    %dma_wait3A_50 = tpu.memref_slice %arg7[%dma_wait3A_45, %dma_wait3A_49] : memref<40x128xi32, #tpu.memory_space<vmem>> -> memref<1x128xi32, #tpu.memory_space<vmem>>
    %dma_wait3A_51 = tpu.memref_squeeze %dma_wait3A_50 : memref<1x128xi32, #tpu.memory_space<vmem>> -> memref<128xi32, #tpu.memory_space<vmem>>
    %dma_wait3A_52 = arith.constant 0 : i32
    %dma_wait3A_53 = arith.constant 0 : i32
    %dma_wait3A_54 = tpu.memref_slice %arg2[%dma_wait3A_52, %dma_wait3A_53] : memref<10240x128xf32, #tpu.memory_space<hbm>> -> memref<10240x128xf32, #tpu.memory_space<hbm>>
    tpu.wait_indirect_dma semaphore(%arg12 : memref<!tpu.dma_semaphore, #tpu.memory_space<semaphore_mem>>) src(%dma_wait3A_54 : memref<10240x128xf32, #tpu.memory_space<hbm>>) dst(%dma_wait3A_48 : memref<128x128xf32, #tpu.memory_space<vmem>>)
    %dma_start3A_55 = arith.constant 1 : i32
    %dma_start3A_56 = arith.constant 128 : i32
    %dma_start3A_57 = arith.constant 0 : i32
    %dma_start3A_58 = tpu.memref_slice %arg9[%dma_start3A_56, %dma_start3A_57] : memref<256x128xf32, #tpu.memory_space<vmem>> -> memref<128x128xf32, #tpu.memory_space<vmem>>
    %dma_start3A_59 = arith.constant 0 : i32
    %dma_start3A_60 = tpu.memref_slice %arg8[%dma_start3A_55, %dma_start3A_59] : memref<40x128xi32, #tpu.memory_space<vmem>> -> memref<1x128xi32, #tpu.memory_space<vmem>>
    %dma_start3A_61 = tpu.memref_squeeze %dma_start3A_60 : memref<1x128xi32, #tpu.memory_space<vmem>> -> memref<128xi32, #tpu.memory_space<vmem>>
    %dma_start3A_62 = arith.constant 0 : i32
    %dma_start3A_63 = arith.constant 0 : i32
    %dma_start3A_64 = tpu.memref_slice %arg10[%dma_start3A_62, %dma_start3A_63] : memref<10240x128xf32, #tpu.memory_space<vmem_shared>> -> memref<10240x128xf32, #tpu.memory_space<vmem_shared>>
    tpu.enqueue_indirect_dma source(%dma_start3A_58 : memref<128x128xf32, #tpu.memory_space<vmem>>) target(%dma_start3A_64 : memref<10240x128xf32, #tpu.memory_space<vmem_shared>>) offsets(%dma_start3A_61 : memref<128xi32, #tpu.memory_space<vmem>>) semaphore(%arg16 : memref<!tpu.dma_semaphore, #tpu.memory_space<semaphore_mem>>) {add = true}
    %scan3A = arith.constant 0 : i32
    %scan3A_65 = arith.constant 1 : i32
    %scan3A_66 = arith.constant 19 : i32
    %scan3A_67 = arith.addi %scan3A_65, %scan3A_66 : i32
    %scan3A_68 = arith.constant 1 : i32
    %scan3A_69 = scf.for %scan3A_187 = %scan3A_65 to %scan3A_67 step %scan3A_68 iter_args(%scan3A_188 = %scan3A) -> (i32)  : i32 {
      %mul3A_189 = arith.constant 2 : i32
      %mul3A_190 = arith.muli %mul3A_189, %scan3A_187 : i32
      %dma_wait3A_191 = arith.constant 0 : i32
      %dma_wait3A_192 = arith.constant 0 : i32
      %dma_wait3A_193 = arith.constant 0 : i32
      %dma_wait3A_194 = tpu.memref_slice %arg9[%dma_wait3A_192, %dma_wait3A_193] : memref<256x128xf32, #tpu.memory_space<vmem>> -> memref<128x128xf32, #tpu.memory_space<vmem>>
      %dma_wait3A_195 = arith.constant 0 : i32
      %dma_wait3A_196 = tpu.memref_slice %arg8[%dma_wait3A_191, %dma_wait3A_195] : memref<40x128xi32, #tpu.memory_space<vmem>> -> memref<1x128xi32, #tpu.memory_space<vmem>>
      %dma_wait3A_197 = tpu.memref_squeeze %dma_wait3A_196 : memref<1x128xi32, #tpu.memory_space<vmem>> -> memref<128xi32, #tpu.memory_space<vmem>>
      %dma_wait3A_198 = arith.constant 0 : i32
      %dma_wait3A_199 = arith.constant 0 : i32
      %dma_wait3A_200 = tpu.memref_slice %arg10[%dma_wait3A_198, %dma_wait3A_199] : memref<10240x128xf32, #tpu.memory_space<vmem_shared>> -> memref<10240x128xf32, #tpu.memory_space<vmem_shared>>
      tpu.wait_indirect_dma semaphore(%arg15 : memref<!tpu.dma_semaphore, #tpu.memory_space<semaphore_mem>>) src(%dma_wait3A_194 : memref<128x128xf32, #tpu.memory_space<vmem>>) dst(%dma_wait3A_200 : memref<10240x128xf32, #tpu.memory_space<vmem_shared>>)
      %dma_start3A_201 = arith.constant 0 : i32
      %dma_start3A_202 = arith.constant 0 : i32
      %dma_start3A_203 = tpu.memref_slice %arg9[%dma_start3A_201, %dma_start3A_202] : memref<256x128xf32, #tpu.memory_space<vmem>> -> memref<128x128xf32, #tpu.memory_space<vmem>>
      %dma_start3A_204 = arith.constant 0 : i32
      %dma_start3A_205 = tpu.memref_slice %arg7[%mul3A_190, %dma_start3A_204] : memref<40x128xi32, #tpu.memory_space<vmem>> -> memref<1x128xi32, #tpu.memory_space<vmem>>
      %dma_start3A_206 = tpu.memref_squeeze %dma_start3A_205 : memref<1x128xi32, #tpu.memory_space<vmem>> -> memref<128xi32, #tpu.memory_space<vmem>>
      %dma_start3A_207 = arith.constant 0 : i32
      %dma_start3A_208 = arith.constant 0 : i32
      %dma_start3A_209 = tpu.memref_slice %arg2[%dma_start3A_207, %dma_start3A_208] : memref<10240x128xf32, #tpu.memory_space<hbm>> -> memref<10240x128xf32, #tpu.memory_space<hbm>>
      tpu.enqueue_indirect_dma source(%dma_start3A_209 : memref<10240x128xf32, #tpu.memory_space<hbm>>) target(%dma_start3A_203 : memref<128x128xf32, #tpu.memory_space<vmem>>) offsets(%dma_start3A_206 : memref<128xi32, #tpu.memory_space<vmem>>) semaphore(%arg11 : memref<!tpu.dma_semaphore, #tpu.memory_space<semaphore_mem>>)
      %dma_wait3A_210 = arith.constant 0 : i32
      %dma_wait3A_211 = arith.constant 128 : i32
      %dma_wait3A_212 = arith.constant 0 : i32
      %dma_wait3A_213 = tpu.memref_slice %arg9[%dma_wait3A_211, %dma_wait3A_212] : memref<256x128xf32, #tpu.memory_space<vmem>> -> memref<128x128xf32, #tpu.memory_space<vmem>>
      %dma_wait3A_214 = arith.constant 0 : i32
      %dma_wait3A_215 = tpu.memref_slice %arg8[%dma_wait3A_210, %dma_wait3A_214] : memref<40x128xi32, #tpu.memory_space<vmem>> -> memref<1x128xi32, #tpu.memory_space<vmem>>
      %dma_wait3A_216 = tpu.memref_squeeze %dma_wait3A_215 : memref<1x128xi32, #tpu.memory_space<vmem>> -> memref<128xi32, #tpu.memory_space<vmem>>
      %dma_wait3A_217 = arith.constant 0 : i32
      %dma_wait3A_218 = arith.constant 0 : i32
      %dma_wait3A_219 = tpu.memref_slice %arg10[%dma_wait3A_217, %dma_wait3A_218] : memref<10240x128xf32, #tpu.memory_space<vmem_shared>> -> memref<10240x128xf32, #tpu.memory_space<vmem_shared>>
      tpu.wait_indirect_dma semaphore(%arg16 : memref<!tpu.dma_semaphore, #tpu.memory_space<semaphore_mem>>) src(%dma_wait3A_213 : memref<128x128xf32, #tpu.memory_space<vmem>>) dst(%dma_wait3A_219 : memref<10240x128xf32, #tpu.memory_space<vmem_shared>>)
      %dma_wait3A_220 = arith.constant 0 : i32
      %dma_wait3A_221 = arith.constant 0 : i32
      %dma_wait3A_222 = arith.constant 0 : i32
      %dma_wait3A_223 = tpu.memref_slice %arg9[%dma_wait3A_221, %dma_wait3A_222] : memref<256x128xf32, #tpu.memory_space<vmem>> -> memref<128x128xf32, #tpu.memory_space<vmem>>
      %dma_wait3A_224 = arith.constant 0 : i32
      %dma_wait3A_225 = tpu.memref_slice %arg7[%dma_wait3A_220, %dma_wait3A_224] : memref<40x128xi32, #tpu.memory_space<vmem>> -> memref<1x128xi32, #tpu.memory_space<vmem>>
      %dma_wait3A_226 = tpu.memref_squeeze %dma_wait3A_225 : memref<1x128xi32, #tpu.memory_space<vmem>> -> memref<128xi32, #tpu.memory_space<vmem>>
      %dma_wait3A_227 = arith.constant 0 : i32
      %dma_wait3A_228 = arith.constant 0 : i32
      %dma_wait3A_229 = tpu.memref_slice %arg2[%dma_wait3A_227, %dma_wait3A_228] : memref<10240x128xf32, #tpu.memory_space<hbm>> -> memref<10240x128xf32, #tpu.memory_space<hbm>>
      tpu.wait_indirect_dma semaphore(%arg11 : memref<!tpu.dma_semaphore, #tpu.memory_space<semaphore_mem>>) src(%dma_wait3A_229 : memref<10240x128xf32, #tpu.memory_space<hbm>>) dst(%dma_wait3A_223 : memref<128x128xf32, #tpu.memory_space<vmem>>)
      %dma_start3A_230 = arith.constant 0 : i32
      %dma_start3A_231 = arith.constant 0 : i32
      %dma_start3A_232 = tpu.memref_slice %arg9[%dma_start3A_230, %dma_start3A_231] : memref<256x128xf32, #tpu.memory_space<vmem>> -> memref<128x128xf32, #tpu.memory_space<vmem>>
      %dma_start3A_233 = arith.constant 0 : i32
      %dma_start3A_234 = tpu.memref_slice %arg8[%mul3A_190, %dma_start3A_233] : memref<40x128xi32, #tpu.memory_space<vmem>> -> memref<1x128xi32, #tpu.memory_space<vmem>>
      %dma_start3A_235 = tpu.memref_squeeze %dma_start3A_234 : memref<1x128xi32, #tpu.memory_space<vmem>> -> memref<128xi32, #tpu.memory_space<vmem>>
      %dma_start3A_236 = arith.constant 0 : i32
      %dma_start3A_237 = arith.constant 0 : i32
      %dma_start3A_238 = tpu.memref_slice %arg10[%dma_start3A_236, %dma_start3A_237] : memref<10240x128xf32, #tpu.memory_space<vmem_shared>> -> memref<10240x128xf32, #tpu.memory_space<vmem_shared>>
      tpu.enqueue_indirect_dma source(%dma_start3A_232 : memref<128x128xf32, #tpu.memory_space<vmem>>) target(%dma_start3A_238 : memref<10240x128xf32, #tpu.memory_space<vmem_shared>>) offsets(%dma_start3A_235 : memref<128xi32, #tpu.memory_space<vmem>>) semaphore(%arg15 : memref<!tpu.dma_semaphore, #tpu.memory_space<semaphore_mem>>) {add = true}
      %add3A_239 = arith.constant 1 : i32
      %add3A_240 = arith.addi %mul3A_190, %add3A_239 : i32
      %dma_start3A_241 = arith.constant 128 : i32
      %dma_start3A_242 = arith.constant 0 : i32
      %dma_start3A_243 = tpu.memref_slice %arg9[%dma_start3A_241, %dma_start3A_242] : memref<256x128xf32, #tpu.memory_space<vmem>> -> memref<128x128xf32, #tpu.memory_space<vmem>>
      %dma_start3A_244 = arith.constant 0 : i32
      %dma_start3A_245 = tpu.memref_slice %arg7[%add3A_240, %dma_start3A_244] : memref<40x128xi32, #tpu.memory_space<vmem>> -> memref<1x128xi32, #tpu.memory_space<vmem>>
      %dma_start3A_246 = tpu.memref_squeeze %dma_start3A_245 : memref<1x128xi32, #tpu.memory_space<vmem>> -> memref<128xi32, #tpu.memory_space<vmem>>
      %dma_start3A_247 = arith.constant 0 : i32
      %dma_start3A_248 = arith.constant 0 : i32
      %dma_start3A_249 = tpu.memref_slice %arg2[%dma_start3A_247, %dma_start3A_248] : memref<10240x128xf32, #tpu.memory_space<hbm>> -> memref<10240x128xf32, #tpu.memory_space<hbm>>
      tpu.enqueue_indirect_dma source(%dma_start3A_249 : memref<10240x128xf32, #tpu.memory_space<hbm>>) target(%dma_start3A_243 : memref<128x128xf32, #tpu.memory_space<vmem>>) offsets(%dma_start3A_246 : memref<128xi32, #tpu.memory_space<vmem>>) semaphore(%arg12 : memref<!tpu.dma_semaphore, #tpu.memory_space<semaphore_mem>>)
      %dma_wait3A_250 = arith.constant 0 : i32
      %dma_wait3A_251 = arith.constant 128 : i32
      %dma_wait3A_252 = arith.constant 0 : i32
      %dma_wait3A_253 = tpu.memref_slice %arg9[%dma_wait3A_251, %dma_wait3A_252] : memref<256x128xf32, #tpu.memory_space<vmem>> -> memref<128x128xf32, #tpu.memory_space<vmem>>
      %dma_wait3A_254 = arith.constant 0 : i32
      %dma_wait3A_255 = tpu.memref_slice %arg7[%dma_wait3A_250, %dma_wait3A_254] : memref<40x128xi32, #tpu.memory_space<vmem>> -> memref<1x128xi32, #tpu.memory_space<vmem>>
      %dma_wait3A_256 = tpu.memref_squeeze %dma_wait3A_255 : memref<1x128xi32, #tpu.memory_space<vmem>> -> memref<128xi32, #tpu.memory_space<vmem>>
      %dma_wait3A_257 = arith.constant 0 : i32
      %dma_wait3A_258 = arith.constant 0 : i32
      %dma_wait3A_259 = tpu.memref_slice %arg2[%dma_wait3A_257, %dma_wait3A_258] : memref<10240x128xf32, #tpu.memory_space<hbm>> -> memref<10240x128xf32, #tpu.memory_space<hbm>>
      tpu.wait_indirect_dma semaphore(%arg12 : memref<!tpu.dma_semaphore, #tpu.memory_space<semaphore_mem>>) src(%dma_wait3A_259 : memref<10240x128xf32, #tpu.memory_space<hbm>>) dst(%dma_wait3A_253 : memref<128x128xf32, #tpu.memory_space<vmem>>)
      %add3A_260 = arith.constant 1 : i32
      %add3A_261 = arith.addi %mul3A_190, %add3A_260 : i32
      %dma_start3A_262 = arith.constant 128 : i32
      %dma_start3A_263 = arith.constant 0 : i32
      %dma_start3A_264 = tpu.memref_slice %arg9[%dma_start3A_262, %dma_start3A_263] : memref<256x128xf32, #tpu.memory_space<vmem>> -> memref<128x128xf32, #tpu.memory_space<vmem>>
      %dma_start3A_265 = arith.constant 0 : i32
      %dma_start3A_266 = tpu.memref_slice %arg8[%add3A_261, %dma_start3A_265] : memref<40x128xi32, #tpu.memory_space<vmem>> -> memref<1x128xi32, #tpu.memory_space<vmem>>
      %dma_start3A_267 = tpu.memref_squeeze %dma_start3A_266 : memref<1x128xi32, #tpu.memory_space<vmem>> -> memref<128xi32, #tpu.memory_space<vmem>>
      %dma_start3A_268 = arith.constant 0 : i32
      %dma_start3A_269 = arith.constant 0 : i32
      %dma_start3A_270 = tpu.memref_slice %arg10[%dma_start3A_268, %dma_start3A_269] : memref<10240x128xf32, #tpu.memory_space<vmem_shared>> -> memref<10240x128xf32, #tpu.memory_space<vmem_shared>>
      tpu.enqueue_indirect_dma source(%dma_start3A_264 : memref<128x128xf32, #tpu.memory_space<vmem>>) target(%dma_start3A_270 : memref<10240x128xf32, #tpu.memory_space<vmem_shared>>) offsets(%dma_start3A_267 : memref<128xi32, #tpu.memory_space<vmem>>) semaphore(%arg16 : memref<!tpu.dma_semaphore, #tpu.memory_space<semaphore_mem>>) {add = true}
      %scan3A_271 = arith.constant 0 : i32
      scf.yield %scan3A_271 : i32
    }
    %scan3A_70 = arith.constant 19 : i32
    %dma_wait3A_71 = arith.constant 0 : i32
    %dma_wait3A_72 = arith.constant 0 : i32
    %dma_wait3A_73 = arith.constant 0 : i32
    %dma_wait3A_74 = tpu.memref_slice %arg9[%dma_wait3A_72, %dma_wait3A_73] : memref<256x128xf32, #tpu.memory_space<vmem>> -> memref<128x128xf32, #tpu.memory_space<vmem>>
    %dma_wait3A_75 = arith.constant 0 : i32
    %dma_wait3A_76 = tpu.memref_slice %arg8[%dma_wait3A_71, %dma_wait3A_75] : memref<40x128xi32, #tpu.memory_space<vmem>> -> memref<1x128xi32, #tpu.memory_space<vmem>>
    %dma_wait3A_77 = tpu.memref_squeeze %dma_wait3A_76 : memref<1x128xi32, #tpu.memory_space<vmem>> -> memref<128xi32, #tpu.memory_space<vmem>>
    %dma_wait3A_78 = arith.constant 0 : i32
    %dma_wait3A_79 = arith.constant 0 : i32
    %dma_wait3A_80 = tpu.memref_slice %arg10[%dma_wait3A_78, %dma_wait3A_79] : memref<10240x128xf32, #tpu.memory_space<vmem_shared>> -> memref<10240x128xf32, #tpu.memory_space<vmem_shared>>
    tpu.wait_indirect_dma semaphore(%arg15 : memref<!tpu.dma_semaphore, #tpu.memory_space<semaphore_mem>>) src(%dma_wait3A_74 : memref<128x128xf32, #tpu.memory_space<vmem>>) dst(%dma_wait3A_80 : memref<10240x128xf32, #tpu.memory_space<vmem_shared>>)
    %dma_wait3A_81 = arith.constant 0 : i32
    %dma_wait3A_82 = arith.constant 128 : i32
    %dma_wait3A_83 = arith.constant 0 : i32
    %dma_wait3A_84 = tpu.memref_slice %arg9[%dma_wait3A_82, %dma_wait3A_83] : memref<256x128xf32, #tpu.memory_space<vmem>> -> memref<128x128xf32, #tpu.memory_space<vmem>>
    %dma_wait3A_85 = arith.constant 0 : i32
    %dma_wait3A_86 = tpu.memref_slice %arg8[%dma_wait3A_81, %dma_wait3A_85] : memref<40x128xi32, #tpu.memory_space<vmem>> -> memref<1x128xi32, #tpu.memory_space<vmem>>
    %dma_wait3A_87 = tpu.memref_squeeze %dma_wait3A_86 : memref<1x128xi32, #tpu.memory_space<vmem>> -> memref<128xi32, #tpu.memory_space<vmem>>
    %dma_wait3A_88 = arith.constant 0 : i32
    %dma_wait3A_89 = arith.constant 0 : i32
    %dma_wait3A_90 = tpu.memref_slice %arg10[%dma_wait3A_88, %dma_wait3A_89] : memref<10240x128xf32, #tpu.memory_space<vmem_shared>> -> memref<10240x128xf32, #tpu.memory_space<vmem_shared>>
    tpu.wait_indirect_dma semaphore(%arg16 : memref<!tpu.dma_semaphore, #tpu.memory_space<semaphore_mem>>) src(%dma_wait3A_84 : memref<128x128xf32, #tpu.memory_space<vmem>>) dst(%dma_wait3A_90 : memref<10240x128xf32, #tpu.memory_space<vmem_shared>>)
    %mul3A_91 = arith.constant 80 : i32
    %mul3A_92 = arith.muli %add3A, %mul3A_91 : i32
    %add3A_93 = arith.constant 40 : i32
    %add3A_94 = arith.addi %mul3A_92, %add3A_93 : i32
    "tpu.region"() ({
      %run_scoped3A = tpu.sem_alloc : memref<!tpu.dma_semaphore, #tpu.memory_space<semaphore_mem>>
      %dma_start3A_187 = arith.constant 0 : i32
      %dma_start3A_188 = tpu.memref_slice %arg3[%add3A_94, %dma_start3A_187] : memref<2560x128xi32, #tpu.memory_space<hbm>> -> memref<40x128xi32, #tpu.memory_space<hbm>>
      %dma_start3A_189 = arith.constant 0 : i32
      %dma_start3A_190 = tpu.memref_slice %arg3[%add3A_94, %dma_start3A_189] : memref<2560x128xi32, #tpu.memory_space<hbm>> -> memref<40x128xi32, #tpu.memory_space<hbm>>
      tpu.enqueue_dma source(%dma_start3A_190 : memref<40x128xi32, #tpu.memory_space<hbm>>) target(%arg7 : memref<40x128xi32, #tpu.memory_space<vmem>>) target_semaphore(%run_scoped3A : memref<!tpu.dma_semaphore, #tpu.memory_space<semaphore_mem>>)
      %dma_wait3A_191 = arith.constant 0 : i32
      %dma_wait3A_192 = tpu.memref_slice %arg3[%add3A_94, %dma_wait3A_191] : memref<2560x128xi32, #tpu.memory_space<hbm>> -> memref<40x128xi32, #tpu.memory_space<hbm>>
      %dma_wait3A_193 = arith.constant 0 : i32
      %dma_wait3A_194 = tpu.memref_slice %arg3[%add3A_94, %dma_wait3A_193] : memref<2560x128xi32, #tpu.memory_space<hbm>> -> memref<40x128xi32, #tpu.memory_space<hbm>>
      tpu.wait_dma2 semaphore(%run_scoped3A : memref<!tpu.dma_semaphore, #tpu.memory_space<semaphore_mem>>) src(%dma_wait3A_194 : memref<40x128xi32, #tpu.memory_space<hbm>>) dst(%arg7 : memref<40x128xi32, #tpu.memory_space<vmem>>)
      tpu.yield
    }) : () -> ()
    "tpu.region"() ({
      %run_scoped3A = tpu.sem_alloc : memref<!tpu.dma_semaphore, #tpu.memory_space<semaphore_mem>>
      %dma_start3A_187 = arith.constant 0 : i32
      %dma_start3A_188 = tpu.memref_slice %arg4[%add3A_94, %dma_start3A_187] : memref<2560x128xi32, #tpu.memory_space<hbm>> -> memref<40x128xi32, #tpu.memory_space<hbm>>
      %dma_start3A_189 = arith.constant 0 : i32
      %dma_start3A_190 = tpu.memref_slice %arg4[%add3A_94, %dma_start3A_189] : memref<2560x128xi32, #tpu.memory_space<hbm>> -> memref<40x128xi32, #tpu.memory_space<hbm>>
      tpu.enqueue_dma source(%dma_start3A_190 : memref<40x128xi32, #tpu.memory_space<hbm>>) target(%arg8 : memref<40x128xi32, #tpu.memory_space<vmem>>) target_semaphore(%run_scoped3A : memref<!tpu.dma_semaphore, #tpu.memory_space<semaphore_mem>>)
      %dma_wait3A_191 = arith.constant 0 : i32
      %dma_wait3A_192 = tpu.memref_slice %arg4[%add3A_94, %dma_wait3A_191] : memref<2560x128xi32, #tpu.memory_space<hbm>> -> memref<40x128xi32, #tpu.memory_space<hbm>>
      %dma_wait3A_193 = arith.constant 0 : i32
      %dma_wait3A_194 = tpu.memref_slice %arg4[%add3A_94, %dma_wait3A_193] : memref<2560x128xi32, #tpu.memory_space<hbm>> -> memref<40x128xi32, #tpu.memory_space<hbm>>
      tpu.wait_dma2 semaphore(%run_scoped3A : memref<!tpu.dma_semaphore, #tpu.memory_space<semaphore_mem>>) src(%dma_wait3A_194 : memref<40x128xi32, #tpu.memory_space<hbm>>) dst(%arg8 : memref<40x128xi32, #tpu.memory_space<vmem>>)
      tpu.yield
    }) : () -> ()
    %dma_start3A_95 = arith.constant 0 : i32
    %dma_start3A_96 = arith.constant 0 : i32
    %dma_start3A_97 = arith.constant 0 : i32
    %dma_start3A_98 = tpu.memref_slice %arg9[%dma_start3A_96, %dma_start3A_97] : memref<256x128xf32, #tpu.memory_space<vmem>> -> memref<128x128xf32, #tpu.memory_space<vmem>>
    %dma_start3A_99 = arith.constant 0 : i32
    %dma_start3A_100 = tpu.memref_slice %arg7[%dma_start3A_95, %dma_start3A_99] : memref<40x128xi32, #tpu.memory_space<vmem>> -> memref<1x128xi32, #tpu.memory_space<vmem>>
    %dma_start3A_101 = tpu.memref_squeeze %dma_start3A_100 : memref<1x128xi32, #tpu.memory_space<vmem>> -> memref<128xi32, #tpu.memory_space<vmem>>
    %dma_start3A_102 = arith.constant 0 : i32
    %dma_start3A_103 = arith.constant 0 : i32
    %dma_start3A_104 = tpu.memref_slice %arg2[%dma_start3A_102, %dma_start3A_103] : memref<10240x128xf32, #tpu.memory_space<hbm>> -> memref<10240x128xf32, #tpu.memory_space<hbm>>
    tpu.enqueue_indirect_dma source(%dma_start3A_104 : memref<10240x128xf32, #tpu.memory_space<hbm>>) target(%dma_start3A_98 : memref<128x128xf32, #tpu.memory_space<vmem>>) offsets(%dma_start3A_101 : memref<128xi32, #tpu.memory_space<vmem>>) semaphore(%arg11 : memref<!tpu.dma_semaphore, #tpu.memory_space<semaphore_mem>>)
    %dma_wait3A_105 = arith.constant 0 : i32
    %dma_wait3A_106 = arith.constant 0 : i32
    %dma_wait3A_107 = arith.constant 0 : i32
    %dma_wait3A_108 = tpu.memref_slice %arg9[%dma_wait3A_106, %dma_wait3A_107] : memref<256x128xf32, #tpu.memory_space<vmem>> -> memref<128x128xf32, #tpu.memory_space<vmem>>
    %dma_wait3A_109 = arith.constant 0 : i32
    %dma_wait3A_110 = tpu.memref_slice %arg7[%dma_wait3A_105, %dma_wait3A_109] : memref<40x128xi32, #tpu.memory_space<vmem>> -> memref<1x128xi32, #tpu.memory_space<vmem>>
    %dma_wait3A_111 = tpu.memref_squeeze %dma_wait3A_110 : memref<1x128xi32, #tpu.memory_space<vmem>> -> memref<128xi32, #tpu.memory_space<vmem>>
    %dma_wait3A_112 = arith.constant 0 : i32
    %dma_wait3A_113 = arith.constant 0 : i32
    %dma_wait3A_114 = tpu.memref_slice %arg2[%dma_wait3A_112, %dma_wait3A_113] : memref<10240x128xf32, #tpu.memory_space<hbm>> -> memref<10240x128xf32, #tpu.memory_space<hbm>>
    tpu.wait_indirect_dma semaphore(%arg11 : memref<!tpu.dma_semaphore, #tpu.memory_space<semaphore_mem>>) src(%dma_wait3A_114 : memref<10240x128xf32, #tpu.memory_space<hbm>>) dst(%dma_wait3A_108 : memref<128x128xf32, #tpu.memory_space<vmem>>)
    %dma_start3A_115 = arith.constant 0 : i32
    %dma_start3A_116 = arith.constant 0 : i32
    %dma_start3A_117 = arith.constant 0 : i32
    %dma_start3A_118 = tpu.memref_slice %arg9[%dma_start3A_116, %dma_start3A_117] : memref<256x128xf32, #tpu.memory_space<vmem>> -> memref<128x128xf32, #tpu.memory_space<vmem>>
    %dma_start3A_119 = arith.constant 0 : i32
    %dma_start3A_120 = tpu.memref_slice %arg8[%dma_start3A_115, %dma_start3A_119] : memref<40x128xi32, #tpu.memory_space<vmem>> -> memref<1x128xi32, #tpu.memory_space<vmem>>
    %dma_start3A_121 = tpu.memref_squeeze %dma_start3A_120 : memref<1x128xi32, #tpu.memory_space<vmem>> -> memref<128xi32, #tpu.memory_space<vmem>>
    %dma_start3A_122 = arith.constant 0 : i32
    %dma_start3A_123 = arith.constant 0 : i32
    %dma_start3A_124 = tpu.memref_slice %arg10[%dma_start3A_122, %dma_start3A_123] : memref<10240x128xf32, #tpu.memory_space<vmem_shared>> -> memref<10240x128xf32, #tpu.memory_space<vmem_shared>>
    tpu.enqueue_indirect_dma source(%dma_start3A_118 : memref<128x128xf32, #tpu.memory_space<vmem>>) target(%dma_start3A_124 : memref<10240x128xf32, #tpu.memory_space<vmem_shared>>) offsets(%dma_start3A_121 : memref<128xi32, #tpu.memory_space<vmem>>) semaphore(%arg15 : memref<!tpu.dma_semaphore, #tpu.memory_space<semaphore_mem>>) {add = true}
    %dma_start3A_125 = arith.constant 1 : i32
    %dma_start3A_126 = arith.constant 128 : i32
    %dma_start3A_127 = arith.constant 0 : i32
    %dma_start3A_128 = tpu.memref_slice %arg9[%dma_start3A_126, %dma_start3A_127] : memref<256x128xf32, #tpu.memory_space<vmem>> -> memref<128x128xf32, #tpu.memory_space<vmem>>
    %dma_start3A_129 = arith.constant 0 : i32
    %dma_start3A_130 = tpu.memref_slice %arg7[%dma_start3A_125, %dma_start3A_129] : memref<40x128xi32, #tpu.memory_space<vmem>> -> memref<1x128xi32, #tpu.memory_space<vmem>>
    %dma_start3A_131 = tpu.memref_squeeze %dma_start3A_130 : memref<1x128xi32, #tpu.memory_space<vmem>> -> memref<128xi32, #tpu.memory_space<vmem>>
    %dma_start3A_132 = arith.constant 0 : i32
    %dma_start3A_133 = arith.constant 0 : i32
    %dma_start3A_134 = tpu.memref_slice %arg2[%dma_start3A_132, %dma_start3A_133] : memref<10240x128xf32, #tpu.memory_space<hbm>> -> memref<10240x128xf32, #tpu.memory_space<hbm>>
    tpu.enqueue_indirect_dma source(%dma_start3A_134 : memref<10240x128xf32, #tpu.memory_space<hbm>>) target(%dma_start3A_128 : memref<128x128xf32, #tpu.memory_space<vmem>>) offsets(%dma_start3A_131 : memref<128xi32, #tpu.memory_space<vmem>>) semaphore(%arg12 : memref<!tpu.dma_semaphore, #tpu.memory_space<semaphore_mem>>)
    %dma_wait3A_135 = arith.constant 0 : i32
    %dma_wait3A_136 = arith.constant 128 : i32
    %dma_wait3A_137 = arith.constant 0 : i32
    %dma_wait3A_138 = tpu.memref_slice %arg9[%dma_wait3A_136, %dma_wait3A_137] : memref<256x128xf32, #tpu.memory_space<vmem>> -> memref<128x128xf32, #tpu.memory_space<vmem>>
    %dma_wait3A_139 = arith.constant 0 : i32
    %dma_wait3A_140 = tpu.memref_slice %arg7[%dma_wait3A_135, %dma_wait3A_139] : memref<40x128xi32, #tpu.memory_space<vmem>> -> memref<1x128xi32, #tpu.memory_space<vmem>>
    %dma_wait3A_141 = tpu.memref_squeeze %dma_wait3A_140 : memref<1x128xi32, #tpu.memory_space<vmem>> -> memref<128xi32, #tpu.memory_space<vmem>>
    %dma_wait3A_142 = arith.constant 0 : i32
    %dma_wait3A_143 = arith.constant 0 : i32
    %dma_wait3A_144 = tpu.memref_slice %arg2[%dma_wait3A_142, %dma_wait3A_143] : memref<10240x128xf32, #tpu.memory_space<hbm>> -> memref<10240x128xf32, #tpu.memory_space<hbm>>
    tpu.wait_indirect_dma semaphore(%arg12 : memref<!tpu.dma_semaphore, #tpu.memory_space<semaphore_mem>>) src(%dma_wait3A_144 : memref<10240x128xf32, #tpu.memory_space<hbm>>) dst(%dma_wait3A_138 : memref<128x128xf32, #tpu.memory_space<vmem>>)
    %dma_start3A_145 = arith.constant 1 : i32
    %dma_start3A_146 = arith.constant 128 : i32
    %dma_start3A_147 = arith.constant 0 : i32
    %dma_start3A_148 = tpu.memref_slice %arg9[%dma_start3A_146, %dma_start3A_147] : memref<256x128xf32, #tpu.memory_space<vmem>> -> memref<128x128xf32, #tpu.memory_space<vmem>>
    %dma_start3A_149 = arith.constant 0 : i32
    %dma_start3A_150 = tpu.memref_slice %arg8[%dma_start3A_145, %dma_start3A_149] : memref<40x128xi32, #tpu.memory_space<vmem>> -> memref<1x128xi32, #tpu.memory_space<vmem>>
    %dma_start3A_151 = tpu.memref_squeeze %dma_start3A_150 : memref<1x128xi32, #tpu.memory_space<vmem>> -> memref<128xi32, #tpu.memory_space<vmem>>
    %dma_start3A_152 = arith.constant 0 : i32
    %dma_start3A_153 = arith.constant 0 : i32
    %dma_start3A_154 = tpu.memref_slice %arg10[%dma_start3A_152, %dma_start3A_153] : memref<10240x128xf32, #tpu.memory_space<vmem_shared>> -> memref<10240x128xf32, #tpu.memory_space<vmem_shared>>
    tpu.enqueue_indirect_dma source(%dma_start3A_148 : memref<128x128xf32, #tpu.memory_space<vmem>>) target(%dma_start3A_154 : memref<10240x128xf32, #tpu.memory_space<vmem_shared>>) offsets(%dma_start3A_151 : memref<128xi32, #tpu.memory_space<vmem>>) semaphore(%arg16 : memref<!tpu.dma_semaphore, #tpu.memory_space<semaphore_mem>>) {add = true}
    %scan3A_155 = arith.constant 0 : i32
    %scan3A_156 = arith.constant 1 : i32
    %scan3A_157 = arith.constant 19 : i32
    %scan3A_158 = arith.addi %scan3A_156, %scan3A_157 : i32
    %scan3A_159 = arith.constant 1 : i32
    %scan3A_160 = scf.for %scan3A_187 = %scan3A_156 to %scan3A_158 step %scan3A_159 iter_args(%scan3A_188 = %scan3A_155) -> (i32)  : i32 {
      %mul3A_189 = arith.constant 2 : i32
      %mul3A_190 = arith.muli %mul3A_189, %scan3A_187 : i32
      %dma_wait3A_191 = arith.constant 0 : i32
      %dma_wait3A_192 = arith.constant 0 : i32
      %dma_wait3A_193 = arith.constant 0 : i32
      %dma_wait3A_194 = tpu.memref_slice %arg9[%dma_wait3A_192, %dma_wait3A_193] : memref<256x128xf32, #tpu.memory_space<vmem>> -> memref<128x128xf32, #tpu.memory_space<vmem>>
      %dma_wait3A_195 = arith.constant 0 : i32
      %dma_wait3A_196 = tpu.memref_slice %arg8[%dma_wait3A_191, %dma_wait3A_195] : memref<40x128xi32, #tpu.memory_space<vmem>> -> memref<1x128xi32, #tpu.memory_space<vmem>>
      %dma_wait3A_197 = tpu.memref_squeeze %dma_wait3A_196 : memref<1x128xi32, #tpu.memory_space<vmem>> -> memref<128xi32, #tpu.memory_space<vmem>>
      %dma_wait3A_198 = arith.constant 0 : i32
      %dma_wait3A_199 = arith.constant 0 : i32
      %dma_wait3A_200 = tpu.memref_slice %arg10[%dma_wait3A_198, %dma_wait3A_199] : memref<10240x128xf32, #tpu.memory_space<vmem_shared>> -> memref<10240x128xf32, #tpu.memory_space<vmem_shared>>
      tpu.wait_indirect_dma semaphore(%arg15 : memref<!tpu.dma_semaphore, #tpu.memory_space<semaphore_mem>>) src(%dma_wait3A_194 : memref<128x128xf32, #tpu.memory_space<vmem>>) dst(%dma_wait3A_200 : memref<10240x128xf32, #tpu.memory_space<vmem_shared>>)
      %dma_start3A_201 = arith.constant 0 : i32
      %dma_start3A_202 = arith.constant 0 : i32
      %dma_start3A_203 = tpu.memref_slice %arg9[%dma_start3A_201, %dma_start3A_202] : memref<256x128xf32, #tpu.memory_space<vmem>> -> memref<128x128xf32, #tpu.memory_space<vmem>>
      %dma_start3A_204 = arith.constant 0 : i32
      %dma_start3A_205 = tpu.memref_slice %arg7[%mul3A_190, %dma_start3A_204] : memref<40x128xi32, #tpu.memory_space<vmem>> -> memref<1x128xi32, #tpu.memory_space<vmem>>
      %dma_start3A_206 = tpu.memref_squeeze %dma_start3A_205 : memref<1x128xi32, #tpu.memory_space<vmem>> -> memref<128xi32, #tpu.memory_space<vmem>>
      %dma_start3A_207 = arith.constant 0 : i32
      %dma_start3A_208 = arith.constant 0 : i32
      %dma_start3A_209 = tpu.memref_slice %arg2[%dma_start3A_207, %dma_start3A_208] : memref<10240x128xf32, #tpu.memory_space<hbm>> -> memref<10240x128xf32, #tpu.memory_space<hbm>>
      tpu.enqueue_indirect_dma source(%dma_start3A_209 : memref<10240x128xf32, #tpu.memory_space<hbm>>) target(%dma_start3A_203 : memref<128x128xf32, #tpu.memory_space<vmem>>) offsets(%dma_start3A_206 : memref<128xi32, #tpu.memory_space<vmem>>) semaphore(%arg11 : memref<!tpu.dma_semaphore, #tpu.memory_space<semaphore_mem>>)
      %dma_wait3A_210 = arith.constant 0 : i32
      %dma_wait3A_211 = arith.constant 128 : i32
      %dma_wait3A_212 = arith.constant 0 : i32
      %dma_wait3A_213 = tpu.memref_slice %arg9[%dma_wait3A_211, %dma_wait3A_212] : memref<256x128xf32, #tpu.memory_space<vmem>> -> memref<128x128xf32, #tpu.memory_space<vmem>>
      %dma_wait3A_214 = arith.constant 0 : i32
      %dma_wait3A_215 = tpu.memref_slice %arg8[%dma_wait3A_210, %dma_wait3A_214] : memref<40x128xi32, #tpu.memory_space<vmem>> -> memref<1x128xi32, #tpu.memory_space<vmem>>
      %dma_wait3A_216 = tpu.memref_squeeze %dma_wait3A_215 : memref<1x128xi32, #tpu.memory_space<vmem>> -> memref<128xi32, #tpu.memory_space<vmem>>
      %dma_wait3A_217 = arith.constant 0 : i32
      %dma_wait3A_218 = arith.constant 0 : i32
      %dma_wait3A_219 = tpu.memref_slice %arg10[%dma_wait3A_217, %dma_wait3A_218] : memref<10240x128xf32, #tpu.memory_space<vmem_shared>> -> memref<10240x128xf32, #tpu.memory_space<vmem_shared>>
      tpu.wait_indirect_dma semaphore(%arg16 : memref<!tpu.dma_semaphore, #tpu.memory_space<semaphore_mem>>) src(%dma_wait3A_213 : memref<128x128xf32, #tpu.memory_space<vmem>>) dst(%dma_wait3A_219 : memref<10240x128xf32, #tpu.memory_space<vmem_shared>>)
      %dma_wait3A_220 = arith.constant 0 : i32
      %dma_wait3A_221 = arith.constant 0 : i32
      %dma_wait3A_222 = arith.constant 0 : i32
      %dma_wait3A_223 = tpu.memref_slice %arg9[%dma_wait3A_221, %dma_wait3A_222] : memref<256x128xf32, #tpu.memory_space<vmem>> -> memref<128x128xf32, #tpu.memory_space<vmem>>
      %dma_wait3A_224 = arith.constant 0 : i32
      %dma_wait3A_225 = tpu.memref_slice %arg7[%dma_wait3A_220, %dma_wait3A_224] : memref<40x128xi32, #tpu.memory_space<vmem>> -> memref<1x128xi32, #tpu.memory_space<vmem>>
      %dma_wait3A_226 = tpu.memref_squeeze %dma_wait3A_225 : memref<1x128xi32, #tpu.memory_space<vmem>> -> memref<128xi32, #tpu.memory_space<vmem>>
      %dma_wait3A_227 = arith.constant 0 : i32
      %dma_wait3A_228 = arith.constant 0 : i32
      %dma_wait3A_229 = tpu.memref_slice %arg2[%dma_wait3A_227, %dma_wait3A_228] : memref<10240x128xf32, #tpu.memory_space<hbm>> -> memref<10240x128xf32, #tpu.memory_space<hbm>>
      tpu.wait_indirect_dma semaphore(%arg11 : memref<!tpu.dma_semaphore, #tpu.memory_space<semaphore_mem>>) src(%dma_wait3A_229 : memref<10240x128xf32, #tpu.memory_space<hbm>>) dst(%dma_wait3A_223 : memref<128x128xf32, #tpu.memory_space<vmem>>)
      %dma_start3A_230 = arith.constant 0 : i32
      %dma_start3A_231 = arith.constant 0 : i32
      %dma_start3A_232 = tpu.memref_slice %arg9[%dma_start3A_230, %dma_start3A_231] : memref<256x128xf32, #tpu.memory_space<vmem>> -> memref<128x128xf32, #tpu.memory_space<vmem>>
      %dma_start3A_233 = arith.constant 0 : i32
      %dma_start3A_234 = tpu.memref_slice %arg8[%mul3A_190, %dma_start3A_233] : memref<40x128xi32, #tpu.memory_space<vmem>> -> memref<1x128xi32, #tpu.memory_space<vmem>>
      %dma_start3A_235 = tpu.memref_squeeze %dma_start3A_234 : memref<1x128xi32, #tpu.memory_space<vmem>> -> memref<128xi32, #tpu.memory_space<vmem>>
      %dma_start3A_236 = arith.constant 0 : i32
      %dma_start3A_237 = arith.constant 0 : i32
      %dma_start3A_238 = tpu.memref_slice %arg10[%dma_start3A_236, %dma_start3A_237] : memref<10240x128xf32, #tpu.memory_space<vmem_shared>> -> memref<10240x128xf32, #tpu.memory_space<vmem_shared>>
      tpu.enqueue_indirect_dma source(%dma_start3A_232 : memref<128x128xf32, #tpu.memory_space<vmem>>) target(%dma_start3A_238 : memref<10240x128xf32, #tpu.memory_space<vmem_shared>>) offsets(%dma_start3A_235 : memref<128xi32, #tpu.memory_space<vmem>>) semaphore(%arg15 : memref<!tpu.dma_semaphore, #tpu.memory_space<semaphore_mem>>) {add = true}
      %add3A_239 = arith.constant 1 : i32
      %add3A_240 = arith.addi %mul3A_190, %add3A_239 : i32
      %dma_start3A_241 = arith.constant 128 : i32
      %dma_start3A_242 = arith.constant 0 : i32
      %dma_start3A_243 = tpu.memref_slice %arg9[%dma_start3A_241, %dma_start3A_242] : memref<256x128xf32, #tpu.memory_space<vmem>> -> memref<128x128xf32, #tpu.memory_space<vmem>>
      %dma_start3A_244 = arith.constant 0 : i32
      %dma_start3A_245 = tpu.memref_slice %arg7[%add3A_240, %dma_start3A_244] : memref<40x128xi32, #tpu.memory_space<vmem>> -> memref<1x128xi32, #tpu.memory_space<vmem>>
      %dma_start3A_246 = tpu.memref_squeeze %dma_start3A_245 : memref<1x128xi32, #tpu.memory_space<vmem>> -> memref<128xi32, #tpu.memory_space<vmem>>
      %dma_start3A_247 = arith.constant 0 : i32
      %dma_start3A_248 = arith.constant 0 : i32
      %dma_start3A_249 = tpu.memref_slice %arg2[%dma_start3A_247, %dma_start3A_248] : memref<10240x128xf32, #tpu.memory_space<hbm>> -> memref<10240x128xf32, #tpu.memory_space<hbm>>
      tpu.enqueue_indirect_dma source(%dma_start3A_249 : memref<10240x128xf32, #tpu.memory_space<hbm>>) target(%dma_start3A_243 : memref<128x128xf32, #tpu.memory_space<vmem>>) offsets(%dma_start3A_246 : memref<128xi32, #tpu.memory_space<vmem>>) semaphore(%arg12 : memref<!tpu.dma_semaphore, #tpu.memory_space<semaphore_mem>>)
      %dma_wait3A_250 = arith.constant 0 : i32
      %dma_wait3A_251 = arith.constant 128 : i32
      %dma_wait3A_252 = arith.constant 0 : i32
      %dma_wait3A_253 = tpu.memref_slice %arg9[%dma_wait3A_251, %dma_wait3A_252] : memref<256x128xf32, #tpu.memory_space<vmem>> -> memref<128x128xf32, #tpu.memory_space<vmem>>
      %dma_wait3A_254 = arith.constant 0 : i32
      %dma_wait3A_255 = tpu.memref_slice %arg7[%dma_wait3A_250, %dma_wait3A_254] : memref<40x128xi32, #tpu.memory_space<vmem>> -> memref<1x128xi32, #tpu.memory_space<vmem>>
      %dma_wait3A_256 = tpu.memref_squeeze %dma_wait3A_255 : memref<1x128xi32, #tpu.memory_space<vmem>> -> memref<128xi32, #tpu.memory_space<vmem>>
      %dma_wait3A_257 = arith.constant 0 : i32
      %dma_wait3A_258 = arith.constant 0 : i32
      %dma_wait3A_259 = tpu.memref_slice %arg2[%dma_wait3A_257, %dma_wait3A_258] : memref<10240x128xf32, #tpu.memory_space<hbm>> -> memref<10240x128xf32, #tpu.memory_space<hbm>>
      tpu.wait_indirect_dma semaphore(%arg12 : memref<!tpu.dma_semaphore, #tpu.memory_space<semaphore_mem>>) src(%dma_wait3A_259 : memref<10240x128xf32, #tpu.memory_space<hbm>>) dst(%dma_wait3A_253 : memref<128x128xf32, #tpu.memory_space<vmem>>)
      %add3A_260 = arith.constant 1 : i32
      %add3A_261 = arith.addi %mul3A_190, %add3A_260 : i32
      %dma_start3A_262 = arith.constant 128 : i32
      %dma_start3A_263 = arith.constant 0 : i32
      %dma_start3A_264 = tpu.memref_slice %arg9[%dma_start3A_262, %dma_start3A_263] : memref<256x128xf32, #tpu.memory_space<vmem>> -> memref<128x128xf32, #tpu.memory_space<vmem>>
      %dma_start3A_265 = arith.constant 0 : i32
      %dma_start3A_266 = tpu.memref_slice %arg8[%add3A_261, %dma_start3A_265] : memref<40x128xi32, #tpu.memory_space<vmem>> -> memref<1x128xi32, #tpu.memory_space<vmem>>
      %dma_start3A_267 = tpu.memref_squeeze %dma_start3A_266 : memref<1x128xi32, #tpu.memory_space<vmem>> -> memref<128xi32, #tpu.memory_space<vmem>>
      %dma_start3A_268 = arith.constant 0 : i32
      %dma_start3A_269 = arith.constant 0 : i32
      %dma_start3A_270 = tpu.memref_slice %arg10[%dma_start3A_268, %dma_start3A_269] : memref<10240x128xf32, #tpu.memory_space<vmem_shared>> -> memref<10240x128xf32, #tpu.memory_space<vmem_shared>>
      tpu.enqueue_indirect_dma source(%dma_start3A_264 : memref<128x128xf32, #tpu.memory_space<vmem>>) target(%dma_start3A_270 : memref<10240x128xf32, #tpu.memory_space<vmem_shared>>) offsets(%dma_start3A_267 : memref<128xi32, #tpu.memory_space<vmem>>) semaphore(%arg16 : memref<!tpu.dma_semaphore, #tpu.memory_space<semaphore_mem>>) {add = true}
      %scan3A_271 = arith.constant 0 : i32
      scf.yield %scan3A_271 : i32
    }
    %scan3A_161 = arith.constant 19 : i32
    %dma_wait3A_162 = arith.constant 0 : i32
    %dma_wait3A_163 = arith.constant 0 : i32
    %dma_wait3A_164 = arith.constant 0 : i32
    %dma_wait3A_165 = tpu.memref_slice %arg9[%dma_wait3A_163, %dma_wait3A_164] : memref<256x128xf32, #tpu.memory_space<vmem>> -> memref<128x128xf32, #tpu.memory_space<vmem>>
    %dma_wait3A_166 = arith.constant 0 : i32
    %dma_wait3A_167 = tpu.memref_slice %arg8[%dma_wait3A_162, %dma_wait3A_166] : memref<40x128xi32, #tpu.memory_space<vmem>> -> memref<1x128xi32, #tpu.memory_space<vmem>>
    %dma_wait3A_168 = tpu.memref_squeeze %dma_wait3A_167 : memref<1x128xi32, #tpu.memory_space<vmem>> -> memref<128xi32, #tpu.memory_space<vmem>>
    %dma_wait3A_169 = arith.constant 0 : i32
    %dma_wait3A_170 = arith.constant 0 : i32
    %dma_wait3A_171 = tpu.memref_slice %arg10[%dma_wait3A_169, %dma_wait3A_170] : memref<10240x128xf32, #tpu.memory_space<vmem_shared>> -> memref<10240x128xf32, #tpu.memory_space<vmem_shared>>
    tpu.wait_indirect_dma semaphore(%arg15 : memref<!tpu.dma_semaphore, #tpu.memory_space<semaphore_mem>>) src(%dma_wait3A_165 : memref<128x128xf32, #tpu.memory_space<vmem>>) dst(%dma_wait3A_171 : memref<10240x128xf32, #tpu.memory_space<vmem_shared>>)
    %dma_wait3A_172 = arith.constant 0 : i32
    %dma_wait3A_173 = arith.constant 128 : i32
    %dma_wait3A_174 = arith.constant 0 : i32
    %dma_wait3A_175 = tpu.memref_slice %arg9[%dma_wait3A_173, %dma_wait3A_174] : memref<256x128xf32, #tpu.memory_space<vmem>> -> memref<128x128xf32, #tpu.memory_space<vmem>>
    %dma_wait3A_176 = arith.constant 0 : i32
    %dma_wait3A_177 = tpu.memref_slice %arg8[%dma_wait3A_172, %dma_wait3A_176] : memref<40x128xi32, #tpu.memory_space<vmem>> -> memref<1x128xi32, #tpu.memory_space<vmem>>
    %dma_wait3A_178 = tpu.memref_squeeze %dma_wait3A_177 : memref<1x128xi32, #tpu.memory_space<vmem>> -> memref<128xi32, #tpu.memory_space<vmem>>
    %dma_wait3A_179 = arith.constant 0 : i32
    %dma_wait3A_180 = arith.constant 0 : i32
    %dma_wait3A_181 = tpu.memref_slice %arg10[%dma_wait3A_179, %dma_wait3A_180] : memref<10240x128xf32, #tpu.memory_space<vmem_shared>> -> memref<10240x128xf32, #tpu.memory_space<vmem_shared>>
    tpu.wait_indirect_dma semaphore(%arg16 : memref<!tpu.dma_semaphore, #tpu.memory_space<semaphore_mem>>) src(%dma_wait3A_175 : memref<128x128xf32, #tpu.memory_space<vmem>>) dst(%dma_wait3A_181 : memref<10240x128xf32, #tpu.memory_space<vmem_shared>>)
    %barrier3A_182 = arith.constant 0 : index
    tpu.barrier barrier_id(%barrier3A_182)
    %mul3A_183 = arith.constant 640 : i32
    %mul3A_184 = arith.muli %arg1, %mul3A_183 : i32
    %mul3A_185 = arith.constant 640 : i32
    %mul3A_186 = arith.muli %arg1, %mul3A_185 : i32
    "tpu.region"() ({
      %run_scoped3A = tpu.sem_alloc : memref<!tpu.dma_semaphore, #tpu.memory_space<semaphore_mem>>
      %dma_start3A_187 = arith.constant 0 : i32
      %dma_start3A_188 = tpu.memref_slice %arg6[%arg0, %mul3A_186, %dma_start3A_187] : memref<2x10240x128xf32, #tpu.memory_space<hbm>> -> memref<1x640x128xf32, #tpu.memory_space<hbm>>
      %dma_start3A_189 = tpu.memref_squeeze %dma_start3A_188 : memref<1x640x128xf32, #tpu.memory_space<hbm>> -> memref<640x128xf32, #tpu.memory_space<hbm>>
      %dma_start3A_190 = arith.constant 0 : i32
      %dma_start3A_191 = tpu.memref_slice %arg10[%mul3A_184, %dma_start3A_190] : memref<10240x128xf32, #tpu.memory_space<vmem_shared>> -> memref<640x128xf32, #tpu.memory_space<vmem_shared>>
      tpu.enqueue_dma source(%dma_start3A_191 : memref<640x128xf32, #tpu.memory_space<vmem_shared>>) target(%dma_start3A_189 : memref<640x128xf32, #tpu.memory_space<hbm>>) target_semaphore(%run_scoped3A : memref<!tpu.dma_semaphore, #tpu.memory_space<semaphore_mem>>)
      %dma_wait3A_192 = arith.constant 0 : i32
      %dma_wait3A_193 = tpu.memref_slice %arg6[%arg0, %mul3A_186, %dma_wait3A_192] : memref<2x10240x128xf32, #tpu.memory_space<hbm>> -> memref<1x640x128xf32, #tpu.memory_space<hbm>>
      %dma_wait3A_194 = tpu.memref_squeeze %dma_wait3A_193 : memref<1x640x128xf32, #tpu.memory_space<hbm>> -> memref<640x128xf32, #tpu.memory_space<hbm>>
      %dma_wait3A_195 = arith.constant 0 : i32
      %dma_wait3A_196 = tpu.memref_slice %arg10[%mul3A_184, %dma_wait3A_195] : memref<10240x128xf32, #tpu.memory_space<vmem_shared>> -> memref<640x128xf32, #tpu.memory_space<vmem_shared>>
      tpu.wait_dma2 semaphore(%run_scoped3A : memref<!tpu.dma_semaphore, #tpu.memory_space<semaphore_mem>>) src(%dma_wait3A_196 : memref<640x128xf32, #tpu.memory_space<vmem_shared>>) dst(%dma_wait3A_194 : memref<640x128xf32, #tpu.memory_space<hbm>>)
      tpu.yield
    }) : () -> ()
    return
  }
}

module attributes {stable_mosaic.version = 14 : i64} {
  func.func @_mm_body(%arg0: i32, %arg1: memref<256x128xf32, #tpu.memory_space<vmem>>, %arg2: memref<128x128xf32, #tpu.memory_space<vmem>>, %arg3: memref<256x128xf32, #tpu.memory_space<vmem>>) attributes {dimension_semantics = [#tpu.dimension_semantics<arbitrary>], iteration_bounds = array<i64: 40>, scalar_prefetch = 0 : i64, scratch_operands = 0 : i64, tpu.core_type = #tpu.core_type<tc>, window_params = [{transform_indices = @transform_0, window_bounds = array<i64: 256, 128>}, {pipeline_mode = #tpu.pipeline_mode<synchronous>, transform_indices = @transform_1, window_bounds = array<i64: 128, 128>}, {transform_indices = @transform_2, window_bounds = array<i64: 256, 128>}]} {
    %get3A = arith.constant 0 : index
    %get3A_0 = arith.constant 0 : index
    %get3A_1 = vector.load %arg1[%get3A, %get3A_0] : memref<256x128xf32, #tpu.memory_space<vmem>>, vector<256x128xf32>
    %get3A_2 = arith.constant 0 : index
    %get3A_3 = arith.constant 0 : index
    %get3A_4 = vector.load %arg2[%get3A_2, %get3A_3] : memref<128x128xf32, #tpu.memory_space<vmem>>, vector<128x128xf32>
    %dot_general3A = arith.constant dense<0.000000e+00> : vector<256x128xf32>
    %dot_general3A_5 = tpu.matmul %get3A_1, %get3A_4, %dot_general3A {dimension_numbers = #tpu.dot_dimension_numbers<[1], [0], [0], [1], [0, 0, 1, 1], [], []>, transpose_lhs_hint = false} : vector<256x128xf32>, vector<128x128xf32>, vector<256x128xf32> -> vector<256x128xf32>
    %swap3A = arith.constant 0 : index
    %swap3A_6 = arith.constant 0 : index
    %swap3A_7 = vector.load %arg3[%swap3A, %swap3A_6] : memref<256x128xf32, #tpu.memory_space<vmem>>, vector<256x128xf32>
    tpu.vector_store %arg3[%swap3A, %swap3A_6], %dot_general3A_5 {strides = array<i32>} : memref<256x128xf32, #tpu.memory_space<vmem>>, vector<256x128xf32>,
    return
  }
  func.func @transform_0(%arg0: i32) -> (i32, i32) {
    %c0_i32 = arith.constant 0 : i32
    %c0_i32_0 = arith.constant 0 : i32
    return %arg0, %c0_i32 : i32, i32
  }
  func.func @transform_1(%arg0: i32) -> (i32, i32) {
    %c0_i32 = arith.constant 0 : i32
    %c0_i32_0 = arith.constant 0 : i32
    %c0_i32_1 = arith.constant 0 : i32
    return %c0_i32, %c0_i32_0 : i32, i32
  }
  func.func @transform_2(%arg0: i32) -> (i32, i32) {
    %c0_i32 = arith.constant 0 : i32
    %c0_i32_0 = arith.constant 0 : i32
    return %arg0, %c0_i32 : i32, i32
  }
}

module attributes {stable_mosaic.version = 14 : i64} {
  func.func @_dinv_y_body(%arg0: i32, %arg1: memref<256x128xf32, #tpu.memory_space<vmem>>, %arg2: memref<256x128xf32, #tpu.memory_space<vmem>>, %arg3: memref<256x128xf32, #tpu.memory_space<vmem>>, %arg4: memref<256x128xf32, #tpu.memory_space<vmem>>, %arg5: memref<256x128xf32, #tpu.memory_space<vmem>>) attributes {dimension_semantics = [#tpu.dimension_semantics<arbitrary>], iteration_bounds = array<i64: 40>, scalar_prefetch = 0 : i64, scratch_operands = 0 : i64, tpu.core_type = #tpu.core_type<tc>, window_params = [{transform_indices = @transform_0, window_bounds = array<i64: 256, 128>}, {transform_indices = @transform_1, window_bounds = array<i64: 256, 128>}, {transform_indices = @transform_2, window_bounds = array<i64: 256, 128>}, {transform_indices = @transform_3, window_bounds = array<i64: 256, 128>}, {transform_indices = @transform_4, window_bounds = array<i64: 256, 128>}]} {
    %get3A = arith.constant 0 : index
    %get3A_0 = arith.constant 0 : index
    %get3A_1 = vector.load %arg1[%get3A, %get3A_0] : memref<256x128xf32, #tpu.memory_space<vmem>>, vector<256x1xf32>
    %get3A_2 = arith.constant 0 : index
    %get3A_3 = arith.constant 0 : index
    %get3A_4 = vector.load %arg2[%get3A_2, %get3A_3] : memref<256x128xf32, #tpu.memory_space<vmem>>, vector<256x1xf32>
    %add3A = arith.addf %get3A_1, %get3A_4 : vector<256x1xf32>
    %add3A_5 = arith.constant 1.000000e+00 : f32
    %add3A_6 = vector.broadcast %add3A_5 : f32 to vector<256x1xf32>
    %add3A_7 = arith.addf %add3A, %add3A_6 : vector<256x1xf32>
    %rsqrt3A = math.rsqrt %add3A_7 : vector<256x1xf32>
    %mul3A = arith.constant 256 : i32
    %mul3A_8 = arith.muli %arg0, %mul3A : i32
    %iota3A = tpu.iota {dimensions = array<i32: 0>} : vector<256x1xi32>
    %add3A_9 = vector.broadcast %mul3A_8 : i32 to vector<256x1xi32>
    %add3A_10 = arith.addi %add3A_9, %iota3A : vector<256x1xi32>
    %lt3A = arith.constant 10000 : i32
    %lt3A_11 = vector.broadcast %lt3A : i32 to vector<256x1xi32>
    %lt3A_12 = arith.cmpi slt, %add3A_10, %lt3A_11 : vector<256x1xi32>
    %jit3A = arith.constant 0.000000e+00 : f32
    %broadcast_in_dim3A = vector.broadcast %jit3A : f32 to vector<256x1xf32>
    %select_n3A = arith.select %lt3A_12, %rsqrt3A, %broadcast_in_dim3A : vector<256x1xi1>, vector<256x1xf32>
    %broadcast_in_dim3A_13 = vector.shape_cast %select_n3A : vector<256x1xf32> to vector<256x1xf32>
    %broadcast_in_dim3A_14 = vector.broadcast %broadcast_in_dim3A_13 : vector<256x1xf32> to vector<256x128xf32>
    %swap3A = arith.constant 0 : index
    %swap3A_15 = arith.constant 0 : index
    %swap3A_16 = vector.load %arg4[%swap3A, %swap3A_15] : memref<256x128xf32, #tpu.memory_space<vmem>>, vector<256x128xf32>
    tpu.vector_store %arg4[%swap3A, %swap3A_15], %broadcast_in_dim3A_14 {strides = array<i32>} : memref<256x128xf32, #tpu.memory_space<vmem>>, vector<256x128xf32>,
    %get3A_17 = arith.constant 0 : index
    %get3A_18 = arith.constant 0 : index
    %get3A_19 = vector.load %arg3[%get3A_17, %get3A_18] : memref<256x128xf32, #tpu.memory_space<vmem>>, vector<256x128xf32>
    %mul3A_20 = arith.mulf %broadcast_in_dim3A_14, %get3A_19 : vector<256x128xf32>
    %swap3A_21 = arith.constant 0 : index
    %swap3A_22 = arith.constant 0 : index
    %swap3A_23 = vector.load %arg5[%swap3A_21, %swap3A_22] : memref<256x128xf32, #tpu.memory_space<vmem>>, vector<256x128xf32>
    tpu.vector_store %arg5[%swap3A_21, %swap3A_22], %mul3A_20 {strides = array<i32>} : memref<256x128xf32, #tpu.memory_space<vmem>>, vector<256x128xf32>,
    return
  }
  func.func @transform_0(%arg0: i32) -> (i32, i32) {
    %c0_i32 = arith.constant 0 : i32
    %c0_i32_0 = arith.constant 0 : i32
    return %arg0, %c0_i32 : i32, i32
  }
  func.func @transform_1(%arg0: i32) -> (i32, i32) {
    %c0_i32 = arith.constant 0 : i32
    %c0_i32_0 = arith.constant 0 : i32
    return %arg0, %c0_i32 : i32, i32
  }
  func.func @transform_2(%arg0: i32) -> (i32, i32) {
    %c0_i32 = arith.constant 0 : i32
    %c0_i32_0 = arith.constant 0 : i32
    return %arg0, %c0_i32 : i32, i32
  }
  func.func @transform_3(%arg0: i32) -> (i32, i32) {
    %c0_i32 = arith.constant 0 : i32
    %c0_i32_0 = arith.constant 0 : i32
    return %arg0, %c0_i32 : i32, i32
  }
  func.func @transform_4(%arg0: i32) -> (i32, i32) {
    %c0_i32 = arith.constant 0 : i32
    %c0_i32_0 = arith.constant 0 : i32
    return %arg0, %c0_i32 : i32, i32
  }
}

module attributes {stable_mosaic.version = 14 : i64} {
  func.func @_fuse_body(%arg0: i32, %arg1: memref<256x128xf32, #tpu.memory_space<vmem>>, %arg2: memref<256x128xf32, #tpu.memory_space<vmem>>, %arg3: memref<256x128xf32, #tpu.memory_space<vmem>>, %arg4: memref<256x128xf32, #tpu.memory_space<vmem>>, %arg5: memref<1x128xf32, #tpu.memory_space<vmem>>, %arg6: memref<128x128xf32, #tpu.memory_space<vmem>>, %arg7: memref<256x128xf32, #tpu.memory_space<vmem>>) attributes {dimension_semantics = [#tpu.dimension_semantics<arbitrary>], iteration_bounds = array<i64: 40>, scalar_prefetch = 0 : i64, scratch_operands = 0 : i64, tpu.core_type = #tpu.core_type<tc>, window_params = [{transform_indices = @transform_0, window_bounds = array<i64: 256, 128>}, {transform_indices = @transform_1, window_bounds = array<i64: 256, 128>}, {transform_indices = @transform_2, window_bounds = array<i64: 256, 128>}, {transform_indices = @transform_3, window_bounds = array<i64: 256, 128>}, {pipeline_mode = #tpu.pipeline_mode<synchronous>, transform_indices = @transform_4, window_bounds = array<i64: 1, 128>}, {pipeline_mode = #tpu.pipeline_mode<synchronous>, transform_indices = @transform_5, window_bounds = array<i64: 128, 128>}, {transform_indices = @transform_6, window_bounds = array<i64: 256, 128>}]} {
    %get3A = arith.constant 0 : index
    %get3A_0 = arith.constant 0 : index
    %get3A_1 = vector.load %arg4[%get3A, %get3A_0] : memref<256x128xf32, #tpu.memory_space<vmem>>, vector<256x128xf32>
    %get3A_2 = arith.constant 0 : index
    %get3A_3 = arith.constant 0 : index
    %get3A_4 = vector.load %arg1[%get3A_2, %get3A_3] : memref<256x128xf32, #tpu.memory_space<vmem>>, vector<256x128xf32>
    %get3A_5 = arith.constant 0 : index
    %get3A_6 = arith.constant 0 : index
    %get3A_7 = vector.load %arg2[%get3A_5, %get3A_6] : memref<256x128xf32, #tpu.memory_space<vmem>>, vector<256x128xf32>
    %add3A = arith.addf %get3A_4, %get3A_7 : vector<256x128xf32>
    %get3A_8 = arith.constant 0 : index
    %get3A_9 = arith.constant 0 : index
    %get3A_10 = vector.load %arg3[%get3A_8, %get3A_9] : memref<256x128xf32, #tpu.memory_space<vmem>>, vector<256x128xf32>
    %add3A_11 = arith.addf %add3A, %get3A_10 : vector<256x128xf32>
    %mul3A = arith.mulf %get3A_1, %add3A_11 : vector<256x128xf32>
    %get3A_12 = arith.constant 0 : index
    %get3A_13 = arith.constant 0 : index
    %get3A_14 = vector.load %arg5[%get3A_12, %get3A_13] : memref<1x128xf32, #tpu.memory_space<vmem>>, vector<1x128xf32>
    %add3A_15 = vector.broadcast %get3A_14 : vector<1x128xf32> to vector<256x128xf32>
    %add3A_16 = arith.addf %mul3A, %add3A_15 : vector<256x128xf32>
    %max3A = arith.constant 0.000000e+00 : f32
    %max3A_17 = vector.broadcast %max3A : f32 to vector<256x128xf32>
    %max3A_18 = arith.maximumf %add3A_16, %max3A_17 : vector<256x128xf32>
    %get3A_19 = arith.constant 0 : index
    %get3A_20 = arith.constant 0 : index
    %get3A_21 = vector.load %arg6[%get3A_19, %get3A_20] : memref<128x128xf32, #tpu.memory_space<vmem>>, vector<128x128xf32>
    %dot_general3A = arith.constant dense<0.000000e+00> : vector<256x128xf32>
    %dot_general3A_22 = tpu.matmul %max3A_18, %get3A_21, %dot_general3A {dimension_numbers = #tpu.dot_dimension_numbers<[1], [0], [0], [1], [0, 0, 1, 1], [], []>, transpose_lhs_hint = false} : vector<256x128xf32>, vector<128x128xf32>, vector<256x128xf32> -> vector<256x128xf32>
    %get3A_23 = arith.constant 0 : index
    %get3A_24 = arith.constant 0 : index
    %get3A_25 = vector.load %arg4[%get3A_23, %get3A_24] : memref<256x128xf32, #tpu.memory_space<vmem>>, vector<256x128xf32>
    %mul3A_26 = arith.mulf %get3A_25, %dot_general3A_22 : vector<256x128xf32>
    %swap3A = arith.constant 0 : index
    %swap3A_27 = arith.constant 0 : index
    %swap3A_28 = vector.load %arg7[%swap3A, %swap3A_27] : memref<256x128xf32, #tpu.memory_space<vmem>>, vector<256x128xf32>
    tpu.vector_store %arg7[%swap3A, %swap3A_27], %mul3A_26 {strides = array<i32>} : memref<256x128xf32, #tpu.memory_space<vmem>>, vector<256x128xf32>,
    return
  }
  func.func @transform_0(%arg0: i32) -> (i32, i32) {
    %c0_i32 = arith.constant 0 : i32
    %c0_i32_0 = arith.constant 0 : i32
    return %arg0, %c0_i32 : i32, i32
  }
  func.func @transform_1(%arg0: i32) -> (i32, i32) {
    %c0_i32 = arith.constant 0 : i32
    %c0_i32_0 = arith.constant 0 : i32
    return %arg0, %c0_i32 : i32, i32
  }
  func.func @transform_2(%arg0: i32) -> (i32, i32) {
    %c0_i32 = arith.constant 0 : i32
    %c0_i32_0 = arith.constant 0 : i32
    return %arg0, %c0_i32 : i32, i32
  }
  func.func @transform_3(%arg0: i32) -> (i32, i32) {
    %c0_i32 = arith.constant 0 : i32
    %c0_i32_0 = arith.constant 0 : i32
    return %arg0, %c0_i32 : i32, i32
  }
  func.func @transform_4(%arg0: i32) -> (i32, i32) {
    %c0_i32 = arith.constant 0 : i32
    %c0_i32_0 = arith.constant 0 : i32
    %c0_i32_1 = arith.constant 0 : i32
    return %c0_i32, %c0_i32_0 : i32, i32
  }
  func.func @transform_5(%arg0: i32) -> (i32, i32) {
    %c0_i32 = arith.constant 0 : i32
    %c0_i32_0 = arith.constant 0 : i32
    %c0_i32_1 = arith.constant 0 : i32
    return %c0_i32, %c0_i32_0 : i32, i32
  }
  func.func @transform_6(%arg0: i32) -> (i32, i32) {
    %c0_i32 = arith.constant 0 : i32
    %c0_i32_0 = arith.constant 0 : i32
    return %arg0, %c0_i32 : i32, i32
  }
}

module attributes {stable_mosaic.version = 14 : i64} {
  func.func @_epi_body(%arg0: i32, %arg1: memref<256x128xf32, #tpu.memory_space<vmem>>, %arg2: memref<256x128xf32, #tpu.memory_space<vmem>>, %arg3: memref<256x128xf32, #tpu.memory_space<vmem>>, %arg4: memref<256x128xf32, #tpu.memory_space<vmem>>, %arg5: memref<1x128xf32, #tpu.memory_space<vmem>>, %arg6: memref<256x128xf32, #tpu.memory_space<vmem>>) attributes {dimension_semantics = [#tpu.dimension_semantics<arbitrary>], iteration_bounds = array<i64: 40>, scalar_prefetch = 0 : i64, scratch_operands = 0 : i64, tpu.core_type = #tpu.core_type<tc>, window_params = [{transform_indices = @transform_0, window_bounds = array<i64: 256, 128>}, {transform_indices = @transform_1, window_bounds = array<i64: 256, 128>}, {transform_indices = @transform_2, window_bounds = array<i64: 256, 128>}, {transform_indices = @transform_3, window_bounds = array<i64: 256, 128>}, {pipeline_mode = #tpu.pipeline_mode<synchronous>, transform_indices = @transform_4, window_bounds = array<i64: 1, 128>}, {transform_indices = @transform_5, window_bounds = array<i64: 256, 128>}]} {
    %get3A = arith.constant 0 : index
    %get3A_0 = arith.constant 0 : index
    %get3A_1 = vector.load %arg4[%get3A, %get3A_0] : memref<256x128xf32, #tpu.memory_space<vmem>>, vector<256x128xf32>
    %get3A_2 = arith.constant 0 : index
    %get3A_3 = arith.constant 0 : index
    %get3A_4 = vector.load %arg1[%get3A_2, %get3A_3] : memref<256x128xf32, #tpu.memory_space<vmem>>, vector<256x128xf32>
    %get3A_5 = arith.constant 0 : index
    %get3A_6 = arith.constant 0 : index
    %get3A_7 = vector.load %arg2[%get3A_5, %get3A_6] : memref<256x128xf32, #tpu.memory_space<vmem>>, vector<256x128xf32>
    %add3A = arith.addf %get3A_4, %get3A_7 : vector<256x128xf32>
    %get3A_8 = arith.constant 0 : index
    %get3A_9 = arith.constant 0 : index
    %get3A_10 = vector.load %arg3[%get3A_8, %get3A_9] : memref<256x128xf32, #tpu.memory_space<vmem>>, vector<256x128xf32>
    %add3A_11 = arith.addf %add3A, %get3A_10 : vector<256x128xf32>
    %mul3A = arith.mulf %get3A_1, %add3A_11 : vector<256x128xf32>
    %get3A_12 = arith.constant 0 : index
    %get3A_13 = arith.constant 0 : index
    %get3A_14 = vector.load %arg5[%get3A_12, %get3A_13] : memref<1x128xf32, #tpu.memory_space<vmem>>, vector<1x128xf32>
    %add3A_15 = vector.broadcast %get3A_14 : vector<1x128xf32> to vector<256x128xf32>
    %add3A_16 = arith.addf %mul3A, %add3A_15 : vector<256x128xf32>
    %swap3A = arith.constant 0 : index
    %swap3A_17 = arith.constant 0 : index
    %swap3A_18 = vector.load %arg6[%swap3A, %swap3A_17] : memref<256x128xf32, #tpu.memory_space<vmem>>, vector<256x128xf32>
    tpu.vector_store %arg6[%swap3A, %swap3A_17], %add3A_16 {strides = array<i32>} : memref<256x128xf32, #tpu.memory_space<vmem>>, vector<256x128xf32>,
    return
  }
  func.func @transform_0(%arg0: i32) -> (i32, i32) {
    %c0_i32 = arith.constant 0 : i32
    %c0_i32_0 = arith.constant 0 : i32
    return %arg0, %c0_i32 : i32, i32
  }
  func.func @transform_1(%arg0: i32) -> (i32, i32) {
    %c0_i32 = arith.constant 0 : i32
    %c0_i32_0 = arith.constant 0 : i32
    return %arg0, %c0_i32 : i32, i32
  }
  func.func @transform_2(%arg0: i32) -> (i32, i32) {
    %c0_i32 = arith.constant 0 : i32
    %c0_i32_0 = arith.constant 0 : i32
    return %arg0, %c0_i32 : i32, i32
  }
  func.func @transform_3(%arg0: i32) -> (i32, i32) {
    %c0_i32 = arith.constant 0 : i32
    %c0_i32_0 = arith.constant 0 : i32
    return %arg0, %c0_i32 : i32, i32
  }
  func.func @transform_4(%arg0: i32) -> (i32, i32) {
    %c0_i32 = arith.constant 0 : i32
    %c0_i32_0 = arith.constant 0 : i32
    %c0_i32_1 = arith.constant 0 : i32
    return %c0_i32, %c0_i32_0 : i32, i32
  }
  func.func @transform_5(%arg0: i32) -> (i32, i32) {
    %c0_i32 = arith.constant 0 : i32
    %c0_i32_0 = arith.constant 0 : i32
    return %arg0, %c0_i32 : i32, i32
  }
}

</mosaic_0001>

<sc_bundles>
// kernel: kernel.11.cloned.1.call-start
scs
__scs_entry_jumppad:
0x0: {  	(pc) =	sbr.rel $0x88, $3  }
0x1: {  	(tag) =	ssettag $0x0;
	lr =	simm.s32 $0x1  }
0x2: {  	[smem:$0x3F99] =	sst lr;
	_ =	strace $0xD0000000  }
0x3: {  	_ = 	snop  }
0x4: {  	_ = 	snop  }
0x5: {  	_ = 	snop  }
0x6: {  	_ = 	snop  }
0x7: {  	_ = 	snop  }
__scs_overlays_trampoline_lowered:
0x8: {  	[smem:$0x3FA8] =	sst s0  }
0x9: {  	[smem:$0x3FA9] =	sst s1  }
0xa: {  	[smem:$0x3FAA] =	sst s2  }
0xb: {  	[smem:$0x3FAB] =	sst s3  }
0xc: {  	[smem:$0x3FAC] =	sst s4  }
0xd: {  	[smem:$0x3FAD] =	sst s5  }
0xe: {  	[smem:$0x3FAE] =	sst s6  }
0xf: {  	[smem:$0x3FAF] =	sst s7  }
0x10: {  	[smem:$0x3FB0] =	sst s8  }
0x11: {  	[smem:$0x3FB1] =	sst s9;
	s0 =	simm.s32 @!p0 $0x0  }
0x12: {  	s1 =	sld [smem:$0x3F97];
	s0 =	simm.s32 @p0 $0x1  }
0x13: {  	[smem:$0x3FB2] =	sst s0;
	s0 =	simm.s32 @!p1 $0x0  }
0x14: {  	s2 =	sld [smem:$0x3F96];
	s0 =	simm.s32 @p1 $0x1  }
0x15: {  	[smem:$0x3FB3] =	sst s0;
	s0 =	simm.s32 @!p2 $0x0  }
0x16: {  	s3 =	sld [smem:$0x3FDB];
	s0 =	simm.s32 @p2 $0x1  }
0x17: {  	s4 =	simm.s32 $0x1BF5;
	[smem:$0x3FB5] =	sst s0  }
0x18: {  	s0 =	sld [smem:$0x3F98];
	_ =	swait.ge [sflag:s4], $0x0  }
0x19: {  	s7 =	sld [smem:$0x3F99]  }
0x1a: {  	s8 =	sadd.s32 $0xFFFFE003, lr  }
0x1b: {  	s9 =	sadd.s32 $0xFFFFFEF7, lr;
	s5 =	simm.s32 $0xFFFFFFFF;
	p2 =	slt.u32 s8, $0xFFFFF086  }
0x1c: {  	p1 =	slt.u32 s9, $0xF7A;
	s5 =	simm.s32 @!p2 $0x0  }
0x1d: {  	s5 =	simm.s32 @p1 $0x1;
	p0 =	seq.s32 s7, s2  }
0x1e: {  	s7 =	smul.u32 @!p0 $0xF7A, s2;
	p2 =	seq.s32 @!p0 s5, $0x0  }
0x1f: {  	s9 =	smul.u32 $0xF7A, s1;
	s8 =	simm.s32 @!p0 $0x1BF5;
	p2 =	por !p2, p0  }
0x20: {  	[sflag:s8] =	ssyncset.s32 @!p0 $0xFFFFF086;
	s6 =	sadd.s32 @!p0 s3, s7;
	s7 =	simm.s32 @!p0 $0x108  }
0x21: {  	s3 =	sadd.s32 s3, s9;
	s6 =	sadd.s32 @!p0 $0x88, s6;
	s7 =	simm.s32 @p2 $0x1082  }
0x22: {  	[simem:s7], [sflag:s8] =	dma.local @!p0 [hbm:s6], $0xF7A  }
0x23: {  	s9 =	sor.u32 $0xD0000000, s2;
	s6 =	simm.s32 $0x108;
	_ =	swait.ge @!p0 [sflag:s8], $0x0  }
0x24: {  	s3 =	sadd.s32 $0x88, s3;
	s6 =	simm.s32 @!p1 $0x1082;
	[sflag:s4] =	ssyncset.s32 $0xFFFFF086  }
0x25: {  	[simem:s6], [sflag:s4] =	dma.local [hbm:s3], $0xF7A  }
0x26: {  	[smem:$0x3F99] =	sst s1;
	(tag) =	ssettag s2;
	_ =	strace s9  }
0x27: {  	s1 =	sld [smem:$0x3FA9]  }
0x28: {  	s2 =	sld [smem:$0x3FAA]  }
0x29: {  	s4 =	sld [smem:$0x3FAC]  }
0x2a: {  	p0 =	seq.s32 s5, $0x0;
	s5 =	sld [smem:$0x3FAD]  }
0x2b: {  	s6 =	sld [smem:$0x3FAE]  }
0x2c: {  	s7 =	sld [smem:$0x3FAF]  }
0x2d: {  	s3 =	simm.s32 $0x108;
	s8 =	sld [smem:$0x3FB0]  }
0x2e: {  	s3 =	simm.s32 @!p0 $0x1082;
	s9 =	sld [smem:$0x3FB1]  }
0x2f: {  	lr =	sadd.s32 s0, s3;
	s0 =	sld [smem:$0x3FA8]  }
0x30: {  	s3 =	sld [smem:$0x3FAB]  }
0x31: {  	[smem:$0x3FB4] =	sst s10  }
0x32: {  	s10 =	sld [smem:$0x3FB2];
	_ =	sdelay $0x3  }
0x33: {  	p0 =	seq.s32 s10, $0x1;
	s10 =	sld [smem:$0x3FB4];
	_ =	sdelay $0x3  }
0x34: {  	[smem:$0x3FB4] =	sst s10  }
0x35: {  	s10 =	sld [smem:$0x3FB3];
	_ =	sdelay $0x3  }
0x36: {  	p1 =	seq.s32 s10, $0x1;
	s10 =	sld [smem:$0x3FB4];
	_ =	sdelay $0x3  }
0x37: {  	[smem:$0x3FB4] =	sst s10  }
0x38: {  	s10 =	sld [smem:$0x3FB5]  }
0x39: {  	_ = 	snop;
	(pc) =	sbr.ind lr, $3  }
0x3a: {  	_ = 	snop  }
0x3b: {  	_ = 	snop  }
0x3c: {  	p2 =	seq.s32 s10, $0x1;
	s10 =	sld [smem:$0x3FB4]  }
0x3d: {  	_ =	shalt  }
0x3e: {  	_ =	shalt  }
0x3f: {  	_ =	shalt  }
0x40: {  	_ =	shalt  }
0x41: {  	_ =	shalt  }
0x42: {  	_ =	shalt  }
0x43: {  	_ =	shalt  }
0x44: {  	_ =	shalt  }
0x45: {  	_ =	shalt  }
0x46: {  	_ =	shalt  }
0x47: {  	_ =	shalt  }
0x48: {  	_ =	shalt  }
0x49: {  	_ =	shalt  }
0x4a: {  	_ =	shalt  }
0x4b: {  	_ =	shalt  }
0x4c: {  	_ =	shalt  }
0x4d: {  	_ =	shalt  }
0x4e: {  	_ =	shalt  }
0x4f: {  	_ =	shalt  }
0x50: {  	_ =	shalt  }
0x51: {  	_ =	shalt  }
0x52: {  	_ =	shalt  }
0x53: {  	_ =	shalt  }
0x54: {  	_ =	shalt  }
0x55: {  	_ =	shalt  }
0x56: {  	_ =	shalt  }
0x57: {  	_ =	shalt  }
0x58: {  	_ =	shalt  }
0x59: {  	_ =	shalt  }
0x5a: {  	_ =	shalt  }
0x5b: {  	_ =	shalt  }
0x5c: {  	_ =	shalt  }
0x5d: {  	_ =	shalt  }
0x5e: {  	_ =	shalt  }
0x5f: {  	_ =	shalt  }
0x60: {  	_ =	shalt  }
0x61: {  	_ =	shalt  }
0x62: {  	_ =	shalt  }
0x63: {  	_ =	shalt  }
0x64: {  	_ =	shalt  }
0x65: {  	_ =	shalt  }
0x66: {  	_ =	shalt  }
0x67: {  	_ =	shalt  }
0x68: {  	_ =	shalt  }
0x69: {  	_ =	shalt  }
0x6a: {  	_ =	shalt  }
0x6b: {  	_ =	shalt  }
0x6c: {  	_ =	shalt  }
0x6d: {  	_ =	shalt  }
0x6e: {  	_ =	shalt  }
0x6f: {  	_ =	shalt  }
0x70: {  	_ =	shalt  }
0x71: {  	_ =	shalt  }
0x72: {  	_ =	shalt  }
0x73: {  	_ =	shalt  }
0x74: {  	_ =	shalt  }
0x75: {  	_ =	shalt  }
0x76: {  	_ =	shalt  }
0x77: {  	_ =	shalt  }
0x78: {  	_ =	shalt  }
0x79: {  	_ =	shalt  }
0x7a: {  	_ =	shalt  }
0x7b: {  	_ =	shalt  }
0x7c: {  	_ =	shalt  }
0x7d: {  	_ =	shalt  }
0x7e: {  	_ =	shalt  }
0x7f: {  	_ =	shalt  }
0x80: {  	_ =	shalt  }
0x81: {  	_ =	shalt  }
0x82: {  	_ =	shalt  }
0x83: {  	_ =	shalt  }
0x84: {  	_ =	shalt  }
0x85: {  	_ =	shalt  }
0x86: {  	_ =	shalt  }
0x87: {  	_ =	shalt  }
.Lfunc_end0:
.L_simem_size_0:
called_computation_lowered:
.L_overlay_start_0:
0x88: {  	s2 =	sld [smem:$0x3FD9]  }
0x89: {  	s3 =	sld [smem:$0x3FFE];
	_ =	sdelay $0x1  }
0x8a: {  	s1 =	srdreg.scid  }
0x8b: {  	s0 =	sand.u32 $0x1, s1  }
0x8c: {  	s16 =	sshll.u32 s0, $0xA;
	s2 =	sadd.s32 s3, s2  }
0x8d: {  	s2 =	sadd.s32 s2, s16  }
0x8e: {  	[smem:$0x3FC0] =	sst s2  }
0x8f: {  	_ = 	snop  }
0x90: {  	(tm) =	ssettm $0x1  }
0x91: {  	s17 =	sld [smem:$0x3FFB];
	_ =	sdelay $0x3  }
0x92: {  	_ =	strace s17  }
0x93: {  	s2 =	sld [smem:$0x3FFC];
	_ =	sdelay $0x3  }
0x94: {  	_ =	strace s2  }
0x95: {  	s2 =	sld [smem:$0x3FFD];
	_ =	sdelay $0x3  }
0x96: {  	_ =	strace s2  }
0x97: {  	_ =	strace $0x8FFFFFFF  }
0x98: {  	s18 =	sld [smem:$0x3FDB];
	_ =	sdelay $0x1  }
0x99: {  	s19 =	simm.s32 $_scs_section_size  }
0x9a: {  	s4 =	simm.s32 $_size__tile_overlayer_lowered;
	s5 =	simm.s32 $_tile_overlayer_lowered  }
0x9b: {  	s22 =	simm.s32 $0x1BFF;
	s21 =	sshll.u32 s5, $0x1;
	s2 =	sadd.s32 s19, s18  }
0x9c: {  	s6 =	simm.s32 $0x0;
	s20 =	sshll.u32 s4, $0x1;
	s4 =	sadd.s32 s21, s2  }
0x9d: {  	[timem:s6], [sflag:s22] =	dma.local [hbm:s4], s20  }
0x9e: {  	_ =	swait.ge [sflag:s22], s20  }
0x9f: {  	s3 =	ssub.s32 $0x0, s20;
	[sflag:s22] =	ssyncset.done $0x0  }
0xa0: {  	[sflag:s22] =	ssyncadd.s32 s3;
	_ =	sdelay $0x1  }
0xa1: {  	s23 =	simm.s32 $0x1B8B  }
0xa2: {  	_ =	swait.ge [sflag:s23], $0x1  }
0xa3: {  	[sflag:s23] =	ssyncset.done $0x0  }
0xa4: {  	s25 =	simm.s32 $0x1B8E;
	s24 =	sld [smem:$0x3FFE];
	[sflag:s23] =	ssyncadd.s32 $0xFFFFFFFF  }
0xa5: {  	s26 =	simm.s32 $execute0_lowered;
	[smem:$0x3FD2] =	sst s25  }
0xa6: {  	s4 =	sshll.u32 s26, $0x1;
	_ =	strace $0x80000046;
	[dreg:$0x1] =	wrdreg $0xFFFFFFFF  }
0xa7: {  	s28 =	simm.s32 $_size_execute0_lowered;
	s2 =	sadd.s32 s2, s4;
	[dreg:$0x0] =	wrdreg $0x0  }
0xa8: {  	s4 =	sshll.u32 s28, $0x1;
	[dreg:$0x2] =	wrdreg s2  }
0xa9: {  	[dreg:$0x3] =	wrdreg s4  }
0xaa: {  	[dreg:$0x4] =	wrdreg $0xC0  }
0xab: {  	_ =	task [dreg:s6], $0x5FFFF  }
0xac: {  	[dreg:$0x1] =	wrdreg $0xFFFFFFFF  }
0xad: {  	[dreg:$0x0] =	wrdreg $0x60  }
0xae: {  	[dreg:$0x2] =	wrdreg s24  }
0xaf: {  	[dreg:$0x3] =	wrdreg $0x68000  }
0xb0: {  	[dreg:$0x4] =	wrdreg $0x9  }
0xb1: {  	_ =	task.clear_ibuf [dreg:s6], $0x5FFFF;
	_ =	strace $0x90000046  }
0xb2: {  	s29 =	simm.s32 $0x9;
	_ =	strace $0x80000048  }
0xb3: {  	_ =	swait.ge [sflag:s29], $0x1  }
0xb4: {  	[sflag:s29] =	ssyncadd.s32 $0xFFFFFFFF  }
0xb5: {  	_ =	strace $0x90000048  }
0xb6: {  	_ =	sfence  }
0xb7: {  	s30 =	sld [smem:$0x0];
	_ =	sdelay $0x2  }
0xb8: {  	s31 =	sshll.u32 s1, $0xD;
	s1 =	sshrl.u32 s1, $0x2  }
0xb9: {  	s3 =	sand.u32 $0x4000, s31;
	s1 =	sadd.s32 s1, s30  }
0xba: {  	s0 =	sor.u32 s3, s0;
	s1 =	sshll.u32 s1, $0x11  }
0xbb: {  	s0 =	sor.u32 s1, s0  }
0xbc: {  	s0 =	sadd.s32 $0x8F2B, s0  }
0xbd: {  	[sflag:s0] =	ssyncadd.remote.s32 $0x1  }
0xbe: {  	_ =	sfence.sel $0xFFFF  }
0xbf: {  	[dreg:$0x0] =	wrdreg $0xFFFFFFFF;
	(pc) =	sbr.abs _section_cstart, $3  }
0xc0: {  	[dreg:$0x1] =	wrdreg $0xFFFFFFFF  }
0xc1: {  	_ =	task.clear_ibuf [dreg:s6], $0x2FFFF;
	_ =	strace $0x9FFFFFFF  }
0xc2: {  	(tm) =	ssettm $0x7FFFFFFF  }
0xc3: {  	_ =	shalt  }
tec
execute0_lowered:
.L_overlay_start_1:
0x0: {  	(tag) =	ssettag $0x1  }
0x1: {  	s1 =	srdreg.scid;
	s7 =	rddreg [dreg:$0x0]  }
0x2: {  	s0 =	stileid.u32;
	s2 =	rddreg [dreg:$0x1]  }
0x3: {  	s3 =	simm.s32 $0x0;
	s13 =	simm.s32 $0x80;
	s14 =	simm.s32 $0x1  }
0x4: {  	s15 =	simm.s32 $0x0;
	s6 =	sand.u32 $0x1, s1;
	s8 =	smul.u32 $0x14000, s0  }
0x5: {  	s30 =	sshll.u32 s0, $0x1;
	[smem:$0x7FF] =	sst s3;
	s10 =	smul.u32 $0x50000, s0  }
0x6: {  	s11 =	sshll.u32 s0, $0x6;
	s1 =	sor.u32 s6, s30;
	s5 =	smul.u32 $0x140000, s6  }
0x7: {  	s6 =	ssub.s32 $0x2, s6;
	s4 =	smul.u32 $0x500, s1;
	s1 =	rddreg [dreg:$0x2]  }
0x8: {  	_ =	strace $0x80000047;
	s31 =	sshrl.u32 s6, $0x1;
	s10 =	sshrl.u32 s10, $0x2  }
0x9: {  	s5 =	sadd.s32 s8, s5;
	s12 =	ssub.s32 s6, s31;
	s10 =	sadd.s32 s10, s2  }
0xa: {  	s6 =	sor.u32 $0x1C02, s11;
	s11 =	simm.s32 $0x2;
	s9 =	sadd.s32 s4, s7  }
0xb: {  	s4 =	sadd.s32 $0xEC00, s7;
	s8 =	sshrl.u32 s5, $0x3;
	s5 =	sadd.s32 $0xE400, s7  }
0xc: {  	s10 =	sshrl.u32 s10, $0x3;
	s8 =	sadd.s32 s8, s7;
	s7 =	sadd.s32 $0x4400, s9  }
0xd: {  	s9 =	smax.u32 s12, $0x1;
	s12 =	simm.s32 $0x2800;
	s8 =	sadd.s32 $0x11400, s8  }
.LBB2_1:
0xe: {  	[spmem:s10], [sflag:s6] =	dma.local [hbm:s4], $0x2800  }
0xf: {  	_ =	swait.ge [sflag:s11], $0x2800  }
0x10: {  	[sflag:s11] =	ssyncset.done $0x0  }
0x11: {  	[sflag:s11] =	ssyncadd.s32 $0xFFFFD800  }
0x12: {  	[tilespmem:s12], [sflag:$0x2] =	stream.linear.gather [hbm4b:s5+s3], $0x4000, $0x38;
	[tilespmem:$0x1A800] =	vst v63  }
0x13: {  	_ =	swait.ge [sflag:s11], $0x4000  }
0x14: {  	[sflag:s11] =	ssyncset.done $0x0  }
0x15: {  	[sflag:s11] =	ssyncadd.s32 $0xFFFFC000  }
0x16: {  	[tilespmem:s3], [sflag:$0x2] =	stream.linear.gather [hbm4b:s7+s3], $0x2800, $0x38;
	[tilespmem:$0x1A800] =	vst v63  }
0x17: {  	_ =	swait.ge [sflag:s11], $0x2800  }
0x18: {  	[sflag:s11] =	ssyncset.done $0x0  }
0x19: {  	[sflag:s11] =	ssyncadd.s32 $0xFFFFD800  }
0x1a: {  	s16 =	simm.s32 $0x0;
	[bflag:$0x0] =	sbarrier.arrive $0xFFFF  }
0x1b: {  	[spmem:s2] =	stream.indirect.scatter.add.f32 [tilespmem:s12], [sflag:$0x1], $0x80, s16, s13, $0xb8;
	[tilespmem:$0x1A800] =	vst v63  }
0x1c: {  	s24 =	simm.s32 $0x80  }
0x1d: {  	[spmem:s2] =	stream.indirect.scatter.add.f32 [tilespmem:s12], [sflag:$0x1], $0x80, s24, s13, $0xb8;
	[tilespmem:$0x1A800] =	vst v63  }
0x1e: {  	s25 =	simm.s32 $0x100  }
0x1f: {  	[spmem:s2] =	stream.indirect.scatter.add.f32 [tilespmem:s12], [sflag:$0x1], $0x80, s25, s13, $0xb8;
	[tilespmem:$0x1A800] =	vst v63  }
0x20: {  	s26 =	simm.s32 $0x180  }
0x21: {  	[spmem:s2] =	stream.indirect.scatter.add.f32 [tilespmem:s12], [sflag:$0x1], $0x80, s26, s13, $0xb8;
	[tilespmem:$0x1A800] =	vst v63  }
0x22: {  	s28 =	simm.s32 $0x200  }
0x23: {  	[spmem:s2] =	stream.indirect.scatter.add.f32 [tilespmem:s12], [sflag:$0x1], $0x80, s28, s13, $0xb8;
	[tilespmem:$0x1A800] =	vst v63  }
0x24: {  	s29 =	simm.s32 $0x280  }
0x25: {  	[spmem:s2] =	stream.indirect.scatter.add.f32 [tilespmem:s12], [sflag:$0x1], $0x80, s29, s13, $0xb8;
	[tilespmem:$0x1A800] =	vst v63  }
0x26: {  	s30 =	simm.s32 $0x300  }
0x27: {  	[spmem:s2] =	stream.indirect.scatter.add.f32 [tilespmem:s12], [sflag:$0x1], $0x80, s30, s13, $0xb8;
	[tilespmem:$0x1A800] =	vst v63  }
0x28: {  	s31 =	simm.s32 $0x380  }
0x29: {  	[spmem:s2] =	stream.indirect.scatter.add.f32 [tilespmem:s12], [sflag:$0x1], $0x80, s31, s13, $0xb8;
	[tilespmem:$0x1A800] =	vst v63  }
0x2a: {  	_ =	swait.ge [sflag:s14], $0x4000  }
0x2b: {  	[sflag:s14] =	ssyncset.done $0x0  }
0x2c: {  	[sflag:s14] =	ssyncadd.s32 $0xFFFFC000  }
0x2d: {  	_ =	swait.ge [sflag:s14], $0x4000  }
0x2e: {  	[sflag:s14] =	ssyncset.done $0x0  }
0x2f: {  	[sflag:s14] =	ssyncadd.s32 $0xFFFFC000  }
0x30: {  	_ =	swait.ge [sflag:s14], $0x4000  }
0x31: {  	[sflag:s14] =	ssyncset.done $0x0  }
0x32: {  	[sflag:s14] =	ssyncadd.s32 $0xFFFFC000  }
0x33: {  	_ =	swait.ge [sflag:s14], $0x4000  }
0x34: {  	[sflag:s14] =	ssyncset.done $0x0  }
0x35: {  	[sflag:s14] =	ssyncadd.s32 $0xFFFFC000  }
0x36: {  	_ =	swait.ge [sflag:s14], $0x4000  }
0x37: {  	[sflag:s14] =	ssyncset.done $0x0  }
0x38: {  	[sflag:s14] =	ssyncadd.s32 $0xFFFFC000  }
0x39: {  	_ =	swait.ge [sflag:s14], $0x4000  }
0x3a: {  	[sflag:s14] =	ssyncset.done $0x0  }
0x3b: {  	[sflag:s14] =	ssyncadd.s32 $0xFFFFC000  }
0x3c: {  	_ =	swait.ge [sflag:s14], $0x4000  }
0x3d: {  	[sflag:s14] =	ssyncset.done $0x0  }
0x3e: {  	[sflag:s14] =	ssyncadd.s32 $0xFFFFC000  }
0x3f: {  	_ =	swait.ge [sflag:s14], $0x4000  }
0x40: {  	s18 =	simm.s32 $0x2000;
	s16 =	simm.s32 $0x1000;
	[sflag:s14] =	ssyncset.done $0x0  }
.LBB2_2:
0x41: {  	s19 =	sshra.s32 s16, $0x2  }
0x42: {  	[sflag:s14] =	ssyncadd.s32 $0xFFFFC000;
	s16 =	smov.u32 s18;
	s17 =	sadd.s32 $0x1000, s18  }
0x43: {  	[spmem:s2] =	stream.indirect.scatter.add.f32 [tilespmem:s12], [sflag:$0x1], $0x80, s19, s13, $0xb8;
	[tilespmem:$0x1A800] =	vst v63  }
0x44: {  	p0 =	sne.s32 s18, $0x9000;
	s18 =	sadd.s32 $0x80, s19  }
0x45: {  	[spmem:s2] =	stream.indirect.scatter.add.f32 [tilespmem:s12], [sflag:$0x1], $0x80, s18, s13, $0xb8;
	[tilespmem:$0x1A800] =	vst v63  }
0x46: {  	s18 =	sadd.s32 $0x100, s19  }
0x47: {  	[spmem:s2] =	stream.indirect.scatter.add.f32 [tilespmem:s12], [sflag:$0x1], $0x80, s18, s13, $0xb8;
	[tilespmem:$0x1A800] =	vst v63  }
0x48: {  	s18 =	sadd.s32 $0x180, s19  }
0x49: {  	[spmem:s2] =	stream.indirect.scatter.add.f32 [tilespmem:s12], [sflag:$0x1], $0x80, s18, s13, $0xb8;
	[tilespmem:$0x1A800] =	vst v63  }
0x4a: {  	s18 =	sadd.s32 $0x200, s19  }
0x4b: {  	[spmem:s2] =	stream.indirect.scatter.add.f32 [tilespmem:s12], [sflag:$0x1], $0x80, s18, s13, $0xb8;
	[tilespmem:$0x1A800] =	vst v63  }
0x4c: {  	s18 =	sadd.s32 $0x280, s19  }
0x4d: {  	[spmem:s2] =	stream.indirect.scatter.add.f32 [tilespmem:s12], [sflag:$0x1], $0x80, s18, s13, $0xb8;
	[tilespmem:$0x1A800] =	vst v63  }
0x4e: {  	s18 =	sadd.s32 $0x300, s19  }
0x4f: {  	[spmem:s2] =	stream.indirect.scatter.add.f32 [tilespmem:s12], [sflag:$0x1], $0x80, s18, s13, $0xb8;
	[tilespmem:$0x1A800] =	vst v63  }
0x50: {  	s18 =	sadd.s32 $0x380, s19  }
0x51: {  	[spmem:s2] =	stream.indirect.scatter.add.f32 [tilespmem:s12], [sflag:$0x1], $0x80, s18, s13, $0xb8;
	[tilespmem:$0x1A800] =	vst v63  }
0x52: {  	_ =	swait.ge [sflag:s14], $0x4000  }
0x53: {  	[sflag:s14] =	ssyncset.done $0x0  }
0x54: {  	[sflag:s14] =	ssyncadd.s32 $0xFFFFC000  }
0x55: {  	_ =	swait.ge [sflag:s14], $0x4000  }
0x56: {  	[sflag:s14] =	ssyncset.done $0x0  }
0x57: {  	[sflag:s14] =	ssyncadd.s32 $0xFFFFC000  }
0x58: {  	_ =	swait.ge [sflag:s14], $0x4000  }
0x59: {  	[sflag:s14] =	ssyncset.done $0x0  }
0x5a: {  	[sflag:s14] =	ssyncadd.s32 $0xFFFFC000  }
0x5b: {  	_ =	swait.ge [sflag:s14], $0x4000  }
0x5c: {  	[sflag:s14] =	ssyncset.done $0x0  }
0x5d: {  	[sflag:s14] =	ssyncadd.s32 $0xFFFFC000  }
0x5e: {  	_ =	swait.ge [sflag:s14], $0x4000  }
0x5f: {  	[sflag:s14] =	ssyncset.done $0x0  }
0x60: {  	[sflag:s14] =	ssyncadd.s32 $0xFFFFC000  }
0x61: {  	_ =	swait.ge [sflag:s14], $0x4000  }
0x62: {  	[sflag:s14] =	ssyncset.done $0x0  }
0x63: {  	[sflag:s14] =	ssyncadd.s32 $0xFFFFC000  }
.Ltmp0:
0x64: {  	_ =	swait.ge [sflag:s14], $0x4000;
	(pc) =	sbr.rel @p0 .LBB2_2-.Ltmp0, $4  }
0x65: {  	[sflag:s14] =	ssyncset.done $0x0  }
0x66: {  	[sflag:s14] =	ssyncadd.s32 $0xFFFFC000  }
0x67: {  	_ =	swait.ge [sflag:s14], $0x4000  }
0x68: {  	s18 =	smov.u32 s17;
	[sflag:s14] =	ssyncset.done $0x0  }
0x69: {  	s16 =	sshra.s32 s16, $0x2;
	[sflag:s14] =	ssyncadd.s32 $0xFFFFC000  }
0x6a: {  	[spmem:s2] =	stream.indirect.scatter.add.f32 [tilespmem:s12], [sflag:$0x1], $0x80, s16, s13, $0xb8;
	[tilespmem:$0x1A800] =	vst v63  }
0x6b: {  	s17 =	sadd.s32 $0x80, s16  }
0x6c: {  	[spmem:s2] =	stream.indirect.scatter.add.f32 [tilespmem:s12], [sflag:$0x1], $0x80, s17, s13, $0xb8;
	[tilespmem:$0x1A800] =	vst v63  }
0x6d: {  	s26 =	sadd.s32 $0x100, s16  }
0x6e: {  	[spmem:s2] =	stream.indirect.scatter.add.f32 [tilespmem:s12], [sflag:$0x1], $0x80, s26, s13, $0xb8;
	[tilespmem:$0x1A800] =	vst v63  }
0x6f: {  	s28 =	sadd.s32 $0x180, s16  }
0x70: {  	[spmem:s2] =	stream.indirect.scatter.add.f32 [tilespmem:s12], [sflag:$0x1], $0x80, s28, s13, $0xb8;
	[tilespmem:$0x1A800] =	vst v63  }
0x71: {  	s29 =	sadd.s32 $0x200, s16  }
0x72: {  	[spmem:s2] =	stream.indirect.scatter.add.f32 [tilespmem:s12], [sflag:$0x1], $0x80, s29, s13, $0xb8;
	[tilespmem:$0x1A800] =	vst v63  }
0x73: {  	s30 =	sadd.s32 $0x280, s16  }
0x74: {  	[spmem:s2] =	stream.indirect.scatter.add.f32 [tilespmem:s12], [sflag:$0x1], $0x80, s30, s13, $0xb8;
	[tilespmem:$0x1A800] =	vst v63  }
0x75: {  	s31 =	sadd.s32 $0x300, s16  }
0x76: {  	[spmem:s2] =	stream.indirect.scatter.add.f32 [tilespmem:s12], [sflag:$0x1], $0x80, s31, s13, $0xb8;
	[tilespmem:$0x1A800] =	vst v63  }
0x77: {  	s16 =	sadd.s32 $0x380, s16  }
0x78: {  	[spmem:s2] =	stream.indirect.scatter.add.f32 [tilespmem:s12], [sflag:$0x1], $0x80, s16, s13, $0xb8;
	[tilespmem:$0x1A800] =	vst v63  }
0x79: {  	_ =	swait.ge [sflag:s14], $0x4000  }
0x7a: {  	[sflag:s14] =	ssyncset.done $0x0  }
0x7b: {  	[sflag:s14] =	ssyncadd.s32 $0xFFFFC000  }
0x7c: {  	_ =	swait.ge [sflag:s14], $0x4000  }
0x7d: {  	[sflag:s14] =	ssyncset.done $0x0  }
0x7e: {  	[sflag:s14] =	ssyncadd.s32 $0xFFFFC000  }
0x7f: {  	_ =	swait.ge [sflag:s14], $0x4000  }
0x80: {  	[sflag:s14] =	ssyncset.done $0x0  }
0x81: {  	[sflag:s14] =	ssyncadd.s32 $0xFFFFC000  }
0x82: {  	_ =	swait.ge [sflag:s14], $0x4000  }
0x83: {  	[sflag:s14] =	ssyncset.done $0x0  }
0x84: {  	[sflag:s14] =	ssyncadd.s32 $0xFFFFC000  }
0x85: {  	_ =	swait.ge [sflag:s14], $0x4000  }
0x86: {  	[sflag:s14] =	ssyncset.done $0x0  }
0x87: {  	[sflag:s14] =	ssyncadd.s32 $0xFFFFC000  }
0x88: {  	_ =	swait.ge [sflag:s14], $0x4000  }
0x89: {  	[sflag:s14] =	ssyncset.done $0x0  }
0x8a: {  	[sflag:s14] =	ssyncadd.s32 $0xFFFFC000  }
0x8b: {  	_ =	swait.ge [sflag:s14], $0x4000  }
0x8c: {  	[sflag:s14] =	ssyncset.done $0x0  }
0x8d: {  	[sflag:s14] =	ssyncadd.s32 $0xFFFFC000  }
0x8e: {  	_ =	swait.ge [sflag:s14], $0x4000  }
0x8f: {  	s15 =	sadd.s32 $0x1, s15;
	[sflag:s14] =	ssyncset.done $0x0  }
0x90: {  	p0 =	sne.s32 s15, s9;
	[sflag:s14] =	ssyncadd.s32 $0xFFFFC000  }
.Ltmp1:
0x91: {  	[bflag:$0x0] =	sbarrier.arrive $0xFFFF;
	(pc) =	sbr.rel @p0 .LBB2_1-.Ltmp1, $4  }
0x92: {  	[hbm:s8], [sflag:s6] =	dma.local [spmem:s10], $0x2800  }
0x93: {  	_ =	swait.ge [sflag:s11], $0x2800  }
0x94: {  	[sflag:s11] =	ssyncset.done $0x0  }
0x95: {  	[sflag:s11] =	ssyncadd.s32 $0xFFFFD800  }
0x96: {  	_ =	sfence.sel $0x180000  }
0x97: {  	[bflag:$0x0] =	sbarrier.arrive $0xFFFF  }
0x98: {  	p0 =	sne.s32 s0, $0x0;
	_ =	strace $0x90000047  }
0x99: {  	s0 =	sadd.s32 @!p0 $0x100000, s1;
	[bflag:$0x2] =	sbarrier.arrive $0xFFFF  }
0x9a: {  	[sflag:s0] =	ssyncadd.tile.s32 @!p0 $0x1;
	_ =	shalt  }
.Lfunc_end2:
_tile_overlayer_lowered:
.L_overlay_start_2:
0x9b: {  	(tag) =	ssettag $0x2  }
0x9c: {  	s0 =	rddreg [dreg:$0x0];
	s2 =	stileid.u32  }
0x9d: {  	s1 =	rddreg [dreg:$0x1];
	p0 =	sne.s32 s2, $0x0  }
0x9e: {  	s3 =	rddreg [dreg:$0x2];
	[bflag:$0x3] =	sbarrier.arrive $0xFFFF;
	s2 =	simm.s32 @!p0 $0x1C02  }
0x9f: {  	[timem:s3], [sflag:s2] =	dma.local @!p0 [hbm:s0], s1  }
0xa0: {  	s0 =	simm.s32 @!p0 $0x2  }
0xa1: {  	_ =	swait.ge @!p0 [sflag:s0], s1  }
0xa2: {  	s1 =	ssub.s32 @!p0 $0x0, s1;
	[sflag:s0] =	ssyncset.done @!p0 $0x0  }
0xa3: {  	[sflag:s0] =	ssyncadd.s32 @!p0 s1  }
0xa4: {  	[bflag:$0x3] =	sbarrier.arrive $0xFFFF  }
0xa5: {  	_ =	shalt  }

// kernel: kernel.14.cloned.1.call-start
scs
__scs_entry_jumppad:
0x0: {  	(pc) =	sbr.rel $0x88, $3  }
0x1: {  	(tag) =	ssettag $0x0;
	lr =	simm.s32 $0x1  }
0x2: {  	[smem:$0x3F99] =	sst lr;
	_ =	strace $0xD0000000  }
0x3: {  	_ = 	snop  }
0x4: {  	_ = 	snop  }
0x5: {  	_ = 	snop  }
0x6: {  	_ = 	snop  }
0x7: {  	_ = 	snop  }
__scs_overlays_trampoline_lowered:
0x8: {  	[smem:$0x3FA8] =	sst s0  }
0x9: {  	[smem:$0x3FA9] =	sst s1  }
0xa: {  	[smem:$0x3FAA] =	sst s2  }
0xb: {  	[smem:$0x3FAB] =	sst s3  }
0xc: {  	[smem:$0x3FAC] =	sst s4  }
0xd: {  	[smem:$0x3FAD] =	sst s5  }
0xe: {  	[smem:$0x3FAE] =	sst s6  }
0xf: {  	[smem:$0x3FAF] =	sst s7  }
0x10: {  	[smem:$0x3FB0] =	sst s8  }
0x11: {  	[smem:$0x3FB1] =	sst s9;
	s0 =	simm.s32 @!p0 $0x0  }
0x12: {  	s1 =	sld [smem:$0x3F97];
	s0 =	simm.s32 @p0 $0x1  }
0x13: {  	[smem:$0x3FB2] =	sst s0;
	s0 =	simm.s32 @!p1 $0x0  }
0x14: {  	s2 =	sld [smem:$0x3F96];
	s0 =	simm.s32 @p1 $0x1  }
0x15: {  	[smem:$0x3FB3] =	sst s0;
	s0 =	simm.s32 @!p2 $0x0  }
0x16: {  	s3 =	sld [smem:$0x3FDB];
	s0 =	simm.s32 @p2 $0x1  }
0x17: {  	s4 =	simm.s32 $0x1BF5;
	[smem:$0x3FB5] =	sst s0  }
0x18: {  	s0 =	sld [smem:$0x3F98];
	_ =	swait.ge [sflag:s4], $0x0  }
0x19: {  	s7 =	sld [smem:$0x3F99]  }
0x1a: {  	s8 =	sadd.s32 $0xFFFFE003, lr  }
0x1b: {  	s9 =	sadd.s32 $0xFFFFFEF7, lr;
	s5 =	simm.s32 $0xFFFFFFFF;
	p2 =	slt.u32 s8, $0xFFFFF086  }
0x1c: {  	p1 =	slt.u32 s9, $0xF7A;
	s5 =	simm.s32 @!p2 $0x0  }
0x1d: {  	s5 =	simm.s32 @p1 $0x1;
	p0 =	seq.s32 s7, s2  }
0x1e: {  	s7 =	smul.u32 @!p0 $0xF7A, s2;
	p2 =	seq.s32 @!p0 s5, $0x0  }
0x1f: {  	s9 =	smul.u32 $0xF7A, s1;
	s8 =	simm.s32 @!p0 $0x1BF5;
	p2 =	por !p2, p0  }
0x20: {  	[sflag:s8] =	ssyncset.s32 @!p0 $0xFFFFF086;
	s6 =	sadd.s32 @!p0 s3, s7;
	s7 =	simm.s32 @!p0 $0x108  }
0x21: {  	s3 =	sadd.s32 s3, s9;
	s6 =	sadd.s32 @!p0 $0x88, s6;
	s7 =	simm.s32 @p2 $0x1082  }
0x22: {  	[simem:s7], [sflag:s8] =	dma.local @!p0 [hbm:s6], $0xF7A  }
0x23: {  	s9 =	sor.u32 $0xD0000000, s2;
	s6 =	simm.s32 $0x108;
	_ =	swait.ge @!p0 [sflag:s8], $0x0  }
0x24: {  	s3 =	sadd.s32 $0x88, s3;
	s6 =	simm.s32 @!p1 $0x1082;
	[sflag:s4] =	ssyncset.s32 $0xFFFFF086  }
0x25: {  	[simem:s6], [sflag:s4] =	dma.local [hbm:s3], $0xF7A  }
0x26: {  	[smem:$0x3F99] =	sst s1;
	(tag) =	ssettag s2;
	_ =	strace s9  }
0x27: {  	s1 =	sld [smem:$0x3FA9]  }
0x28: {  	s2 =	sld [smem:$0x3FAA]  }
0x29: {  	s4 =	sld [smem:$0x3FAC]  }
0x2a: {  	p0 =	seq.s32 s5, $0x0;
	s5 =	sld [smem:$0x3FAD]  }
0x2b: {  	s6 =	sld [smem:$0x3FAE]  }
0x2c: {  	s7 =	sld [smem:$0x3FAF]  }
0x2d: {  	s3 =	simm.s32 $0x108;
	s8 =	sld [smem:$0x3FB0]  }
0x2e: {  	s3 =	simm.s32 @!p0 $0x1082;
	s9 =	sld [smem:$0x3FB1]  }
0x2f: {  	lr =	sadd.s32 s0, s3;
	s0 =	sld [smem:$0x3FA8]  }
0x30: {  	s3 =	sld [smem:$0x3FAB]  }
0x31: {  	[smem:$0x3FB4] =	sst s10  }
0x32: {  	s10 =	sld [smem:$0x3FB2];
	_ =	sdelay $0x3  }
0x33: {  	p0 =	seq.s32 s10, $0x1;
	s10 =	sld [smem:$0x3FB4];
	_ =	sdelay $0x3  }
0x34: {  	[smem:$0x3FB4] =	sst s10  }
0x35: {  	s10 =	sld [smem:$0x3FB3];
	_ =	sdelay $0x3  }
0x36: {  	p1 =	seq.s32 s10, $0x1;
	s10 =	sld [smem:$0x3FB4];
	_ =	sdelay $0x3  }
0x37: {  	[smem:$0x3FB4] =	sst s10  }
0x38: {  	s10 =	sld [smem:$0x3FB5]  }
0x39: {  	_ = 	snop;
	(pc) =	sbr.ind lr, $3  }
0x3a: {  	_ = 	snop  }
0x3b: {  	_ = 	snop  }
0x3c: {  	p2 =	seq.s32 s10, $0x1;
	s10 =	sld [smem:$0x3FB4]  }
0x3d: {  	_ =	shalt  }
0x3e: {  	_ =	shalt  }
0x3f: {  	_ =	shalt  }
0x40: {  	_ =	shalt  }
0x41: {  	_ =	shalt  }
0x42: {  	_ =	shalt  }
0x43: {  	_ =	shalt  }
0x44: {  	_ =	shalt  }
0x45: {  	_ =	shalt  }
0x46: {  	_ =	shalt  }
0x47: {  	_ =	shalt  }
0x48: {  	_ =	shalt  }
0x49: {  	_ =	shalt  }
0x4a: {  	_ =	shalt  }
0x4b: {  	_ =	shalt  }
0x4c: {  	_ =	shalt  }
0x4d: {  	_ =	shalt  }
0x4e: {  	_ =	shalt  }
0x4f: {  	_ =	shalt  }
0x50: {  	_ =	shalt  }
0x51: {  	_ =	shalt  }
0x52: {  	_ =	shalt  }
0x53: {  	_ =	shalt  }
0x54: {  	_ =	shalt  }
0x55: {  	_ =	shalt  }
0x56: {  	_ =	shalt  }
0x57: {  	_ =	shalt  }
0x58: {  	_ =	shalt  }
0x59: {  	_ =	shalt  }
0x5a: {  	_ =	shalt  }
0x5b: {  	_ =	shalt  }
0x5c: {  	_ =	shalt  }
0x5d: {  	_ =	shalt  }
0x5e: {  	_ =	shalt  }
0x5f: {  	_ =	shalt  }
0x60: {  	_ =	shalt  }
0x61: {  	_ =	shalt  }
0x62: {  	_ =	shalt  }
0x63: {  	_ =	shalt  }
0x64: {  	_ =	shalt  }
0x65: {  	_ =	shalt  }
0x66: {  	_ =	shalt  }
0x67: {  	_ =	shalt  }
0x68: {  	_ =	shalt  }
0x69: {  	_ =	shalt  }
0x6a: {  	_ =	shalt  }
0x6b: {  	_ =	shalt  }
0x6c: {  	_ =	shalt  }
0x6d: {  	_ =	shalt  }
0x6e: {  	_ =	shalt  }
0x6f: {  	_ =	shalt  }
0x70: {  	_ =	shalt  }
0x71: {  	_ =	shalt  }
0x72: {  	_ =	shalt  }
0x73: {  	_ =	shalt  }
0x74: {  	_ =	shalt  }
0x75: {  	_ =	shalt  }
0x76: {  	_ =	shalt  }
0x77: {  	_ =	shalt  }
0x78: {  	_ =	shalt  }
0x79: {  	_ =	shalt  }
0x7a: {  	_ =	shalt  }
0x7b: {  	_ =	shalt  }
0x7c: {  	_ =	shalt  }
0x7d: {  	_ =	shalt  }
0x7e: {  	_ =	shalt  }
0x7f: {  	_ =	shalt  }
0x80: {  	_ =	shalt  }
0x81: {  	_ =	shalt  }
0x82: {  	_ =	shalt  }
0x83: {  	_ =	shalt  }
0x84: {  	_ =	shalt  }
0x85: {  	_ =	shalt  }
0x86: {  	_ =	shalt  }
0x87: {  	_ =	shalt  }
.Lfunc_end0:
.L_simem_size_0:
called_computation.1_lowered:
.L_overlay_start_0:
0x88: {  	s2 =	sld [smem:$0x3FD9]  }
0x89: {  	s3 =	sld [smem:$0x3FFE];
	_ =	sdelay $0x1  }
0x8a: {  	s1 =	srdreg.scid  }
0x8b: {  	s0 =	sand.u32 $0x1, s1  }
0x8c: {  	s17 =	sshll.u32 s0, $0xA;
	s2 =	sadd.s32 s3, s2  }
0x8d: {  	s2 =	sadd.s32 s2, s17  }
0x8e: {  	[smem:$0x3FC0] =	sst s2  }
0x8f: {  	_ = 	snop  }
0x90: {  	s2 =	sld [smem:$0x3FD0];
	(tm) =	ssettm $0x1  }
0x91: {  	s18 =	sld [smem:$0x3FFB];
	_ =	sdelay $0x3  }
0x92: {  	_ =	strace s18  }
0x93: {  	s3 =	sld [smem:$0x3FFC];
	_ =	sdelay $0x3  }
0x94: {  	_ =	strace s3  }
0x95: {  	s3 =	sld [smem:$0x3FFD];
	_ =	sdelay $0x3  }
0x96: {  	_ =	strace s3  }
0x97: {  	_ =	strace $0x8FFFFFFF  }
0x98: {  	s19 =	sld [smem:$0x3FDB];
	_ =	sdelay $0x1  }
0x99: {  	s4 =	simm.s32 $_scs_section_size  }
0x9a: {  	s5 =	simm.s32 $_size__tile_overlayer_lowered;
	s6 =	simm.s32 $_tile_overlayer_lowered  }
0x9b: {  	s22 =	simm.s32 $0x1BFF;
	s21 =	sshll.u32 s6, $0x1;
	s3 =	sadd.s32 s4, s19  }
0x9c: {  	s7 =	simm.s32 $0x0;
	s20 =	sshll.u32 s5, $0x1;
	s5 =	sadd.s32 s21, s3  }
0x9d: {  	[timem:s7], [sflag:s22] =	dma.local [hbm:s5], s20  }
0x9e: {  	_ =	swait.ge [sflag:s22], s20  }
0x9f: {  	s4 =	ssub.s32 $0x0, s20;
	[sflag:s22] =	ssyncset.done $0x0  }
0xa0: {  	[sflag:s22] =	ssyncadd.s32 s4;
	_ =	sdelay $0x1  }
0xa1: {  	s23 =	simm.s32 $0x1B8B  }
0xa2: {  	_ =	swait.ge [sflag:s23], $0x1  }
0xa3: {  	[sflag:s23] =	ssyncset.done $0x0  }
0xa4: {  	s25 =	simm.s32 $0x1B8E;
	s24 =	sld [smem:$0x3FFE];
	[sflag:s23] =	ssyncadd.s32 $0xFFFFFFFF  }
0xa5: {  	s26 =	simm.s32 $execute0_lowered;
	[smem:$0x3FD2] =	sst s25  }
0xa6: {  	s5 =	sshll.u32 s26, $0x1;
	_ =	strace $0x80000049;
	[dreg:$0x1] =	wrdreg $0xFFFFFFFF  }
0xa7: {  	s28 =	simm.s32 $_size_execute0_lowered;
	s3 =	sadd.s32 s3, s5;
	[dreg:$0x0] =	wrdreg $0x0  }
0xa8: {  	s5 =	sshll.u32 s28, $0x1;
	[dreg:$0x2] =	wrdreg s3  }
0xa9: {  	[dreg:$0x3] =	wrdreg s5  }
0xaa: {  	[dreg:$0x4] =	wrdreg $0xC0  }
0xab: {  	_ =	task [dreg:s7], $0x5FFFF  }
0xac: {  	[dreg:$0x1] =	wrdreg $0xFFFFFFFF  }
0xad: {  	[dreg:$0x0] =	wrdreg $0x60  }
0xae: {  	[dreg:$0x2] =	wrdreg s24  }
0xaf: {  	[dreg:$0x3] =	wrdreg s2  }
0xb0: {  	[dreg:$0x4] =	wrdreg $0xA8000  }
0xb1: {  	[dreg:$0x5] =	wrdreg $0x9  }
0xb2: {  	_ =	task.clear_ibuf [dreg:s7], $0x6FFFF;
	_ =	strace $0x90000049  }
0xb3: {  	s29 =	simm.s32 $0x9;
	_ =	strace $0x8000004B  }
0xb4: {  	_ =	swait.ge [sflag:s29], $0x1  }
0xb5: {  	[sflag:s29] =	ssyncadd.s32 $0xFFFFFFFF  }
0xb6: {  	_ =	strace $0x9000004B  }
0xb7: {  	_ =	sfence  }
0xb8: {  	s30 =	sld [smem:$0x0];
	_ =	sdelay $0x2  }
0xb9: {  	s31 =	sshll.u32 s1, $0xD;
	s1 =	sshrl.u32 s1, $0x2  }
0xba: {  	s3 =	sand.u32 $0x4000, s31;
	s1 =	sadd.s32 s1, s30  }
0xbb: {  	s0 =	sor.u32 s3, s0;
	s1 =	sshll.u32 s1, $0x11  }
0xbc: {  	s0 =	sor.u32 s1, s0  }
0xbd: {  	s0 =	sadd.s32 $0x8F2B, s0  }
0xbe: {  	[sflag:s0] =	ssyncadd.remote.s32 $0x1  }
0xbf: {  	_ =	sfence.sel $0xFFFF  }
0xc0: {  	[dreg:$0x0] =	wrdreg $0xFFFFFFFF;
	(pc) =	sbr.abs _section_cstart, $3  }
0xc1: {  	[dreg:$0x1] =	wrdreg $0xFFFFFFFF  }
0xc2: {  	_ =	task.clear_ibuf [dreg:s7], $0x2FFFF;
	_ =	strace $0x9FFFFFFF  }
0xc3: {  	(tm) =	ssettm $0x7FFFFFFF  }
tec
execute0_lowered:
.L_overlay_start_1:
0x0: {  	(tag) =	ssettag $0x1  }
0x1: {  	s6 =	rddreg [dreg:$0x0]  }
0x2: {  	s9 =	rddreg [dreg:$0x1]  }
0x3: {  	s1 =	rddreg [dreg:$0x2]  }
0x4: {  	s2 =	srdreg.scid;
	s0 =	rddreg [dreg:$0x3]  }
0x5: {  	s3 =	simm.s32 $0x0;
	s16 =	simm.s32 $0x80;
	s17 =	simm.s32 $0x2800  }
0x6: {  	s18 =	simm.s32 $0x1;
	s19 =	simm.s32 $0x6800;
	s20 =	simm.s32 $0x2  }
0x7: {  	s21 =	simm.s32 $0x1480;
	s22 =	simm.s32 $0x3;
	s23 =	simm.s32 $0x4  }
0x8: {  	s7 =	sand.u32 $0x1, s2;
	s2 =	stileid.u32;
	[smem:$0x7FF] =	sst s3  }
0x9: {  	s4 =	sadd.s32 $0x11400, s6;
	s11 =	sadd.s32 $0x4400, s6;
	s8 =	smul.u32 $0x140000, s7  }
0xa: {  	s5 =	sadd.s32 $0xEC00, s6;
	s10 =	smul.u32 $0x14000, s2;
	_ =	strace $0x8000004A  }
0xb: {  	s24 =	sshll.u32 s2, $0x1;
	s12 =	ssub.s32 $0x2, s7;
	s25 =	smul.u32 $0x50000, s2  }
0xc: {  	s28 =	sshll.u32 s2, $0x6;
	s7 =	sor.u32 s7, s24;
	s13 =	sshrl.u32 s12, $0x1  }
0xd: {  	s24 =	simm.s32 $0x0;
	s8 =	sadd.s32 s10, s8;
	s14 =	smul.u32 $0x2800, s7  }
0xe: {  	s12 =	ssub.s32 s12, s13;
	s26 =	sshrl.u32 s25, $0x2;
	s29 =	smul.u32 $0x500, s7  }
0xf: {  	s8 =	sshrl.u32 s8, $0x3;
	s31 =	sadd.s32 s26, s1;
	s12 =	smax.u32 s12, $0x1  }
0x10: {  	s15 =	sadd.s32 s8, s6;
	s30 =	sshrl.u32 s14, $0x3;
	s6 =	sor.u32 $0x1C05, s28  }
0x11: {  	s7 =	sadd.s32 s9, s29;
	s8 =	sadd.s32 s11, s29;
	s14 =	sadd.s32 $0x280, s30  }
0x12: {  	s13 =	sshrl.u32 s31, $0x3;
	s9 =	sadd.s32 s9, s14;
	s10 =	sadd.s32 s11, s14  }
0x13: {  	s11 =	sadd.s32 $0x61400, s15;
	s14 =	simm.s32 $0x5;
	s15 =	simm.s32 $0x1400  }
.LBB2_1:
0x14: {  	[spmem:s13], [sflag:s6] =	dma.local [hbm:s5], $0x2800  }
0x15: {  	_ =	swait.ge [sflag:s14], $0x2800  }
0x16: {  	[sflag:s14] =	ssyncset.done $0x0  }
0x17: {  	[sflag:s14] =	ssyncadd.s32 $0xFFFFD800  }
0x18: {  	[bflag:$0x0] =	sbarrier.arrive $0xFFFF  }
0x19: {  	[tilespmem:s3], [sflag:$0x5] =	stream.linear.gather [hbm4b:s7+s3], $0x1400, $0x38;
	[tilespmem:$0x1E800] =	vst v63  }
0x1a: {  	_ =	swait.ge [sflag:s14], $0x1400  }
0x1b: {  	[sflag:s14] =	ssyncset.done $0x0  }
0x1c: {  	[sflag:s14] =	ssyncadd.s32 $0xFFFFEC00  }
0x1d: {  	[tilespmem:s15], [sflag:$0x5] =	stream.linear.gather [hbm4b:s8+s3], $0x1400, $0x38;
	[tilespmem:$0x1E800] =	vst v63  }
0x1e: {  	_ =	swait.ge [sflag:s14], $0x1400  }
0x1f: {  	[sflag:s14] =	ssyncset.done $0x0  }
0x20: {  	[sflag:s14] =	ssyncadd.s32 $0xFFFFEC00  }
0x21: {  	[tilespmem:s17], [sflag:$0x1] =	stream.indirect.gather [hbm4b:s4+s16], $0x80, s3, s16, $0xb8;
	[tilespmem:$0x1E800] =	vst v63  }
0x22: {  	_ =	swait.ge [sflag:s18], $0x4000  }
0x23: {  	[sflag:s18] =	ssyncset.done $0x0  }
0x24: {  	[sflag:s18] =	ssyncadd.s32 $0xFFFFC000  }
0x25: {  	[spmem:s1] =	stream.indirect.scatter.add.f32 [tilespmem:s17], [sflag:$0x3], $0x80, s15, s16, $0xb8;
	[tilespmem:$0x1E800] =	vst v63  }
0x26: {  	_ = 	snop  }
0x27: {  	[tilespmem:s19], [sflag:$0x2] =	stream.indirect.gather [hbm4b:s4+s16], $0x80, s16, s16, $0xb8;
	[tilespmem:$0x1E800] =	vst v63  }
0x28: {  	_ =	swait.ge [sflag:s20], $0x4000  }
0x29: {  	[sflag:s20] =	ssyncset.done $0x0  }
0x2a: {  	[sflag:s20] =	ssyncadd.s32 $0xFFFFC000  }
0x2b: {  	[spmem:s1] =	stream.indirect.scatter.add.f32 [tilespmem:s19], [sflag:$0x4], $0x80, s21, s16, $0xb8;
	[tilespmem:$0x1E800] =	vst v63  }
0x2c: {  	_ =	swait.ge [sflag:s22], $0x4000  }
0x2d: {  	[sflag:s22] =	ssyncset.done $0x0  }
0x2e: {  	s25 =	simm.s32 $0x100;
	[sflag:s22] =	ssyncadd.s32 $0xFFFFC000  }
0x2f: {  	[tilespmem:s17], [sflag:$0x1] =	stream.indirect.gather [hbm4b:s4+s16], $0x80, s25, s16, $0xb8;
	[tilespmem:$0x1E800] =	vst v63  }
0x30: {  	_ =	swait.ge [sflag:s23], $0x4000  }
0x31: {  	[sflag:s23] =	ssyncset.done $0x0  }
0x32: {  	[sflag:s23] =	ssyncadd.s32 $0xFFFFC000  }
0x33: {  	_ =	swait.ge [sflag:s18], $0x4000  }
0x34: {  	[sflag:s18] =	ssyncset.done $0x0  }
0x35: {  	s30 =	simm.s32 $0x1500;
	[sflag:s18] =	ssyncadd.s32 $0xFFFFC000  }
0x36: {  	[spmem:s1] =	stream.indirect.scatter.add.f32 [tilespmem:s17], [sflag:$0x3], $0x80, s30, s16, $0xb8;
	[tilespmem:$0x1E800] =	vst v63  }
0x37: {  	s31 =	simm.s32 $0x180  }
0x38: {  	[tilespmem:s19], [sflag:$0x2] =	stream.indirect.gather [hbm4b:s4+s16], $0x80, s31, s16, $0xb8;
	[tilespmem:$0x1E800] =	vst v63  }
0x39: {  	_ =	swait.ge [sflag:s20], $0x4000  }
0x3a: {  	[sflag:s20] =	ssyncset.done $0x0  }
0x3b: {  	s26 =	simm.s32 $0x1580;
	s25 =	simm.s32 $0xFFFFB800;
	[sflag:s20] =	ssyncadd.s32 $0xFFFFC000  }
.LBB2_2:
0x3c: {  	[spmem:s1] =	stream.indirect.scatter.add.f32 [tilespmem:s19], [sflag:$0x4], $0x80, s26, s16, $0xb8;
	[tilespmem:$0x1E800] =	vst v63  }
0x3d: {  	s26 =	smov.u32 s25  }
0x3e: {  	p0 =	sne.s32 s25, $0xFFFFFC00;
	s25 =	sadd.s32 $0x400, s25;
	_ =	swait.ge [sflag:s22], $0x4000  }
0x3f: {  	s26 =	sshra.s32 s26, $0x2;
	[sflag:s22] =	ssyncset.done $0x0  }
0x40: {  	s28 =	sadd.s32 $0x1400, s26;
	[sflag:s22] =	ssyncadd.s32 $0xFFFFC000  }
0x41: {  	[tilespmem:s17], [sflag:$0x1] =	stream.indirect.gather [hbm4b:s4+s16], $0x80, s28, s16, $0xb8;
	[tilespmem:$0x1E800] =	vst v63  }
0x42: {  	_ =	swait.ge [sflag:s23], $0x4000  }
0x43: {  	[sflag:s23] =	ssyncset.done $0x0  }
0x44: {  	[sflag:s23] =	ssyncadd.s32 $0xFFFFC000  }
0x45: {  	_ =	swait.ge [sflag:s18], $0x4000  }
0x46: {  	[sflag:s18] =	ssyncset.done $0x0  }
0x47: {  	s28 =	sadd.s32 $0x2800, s26;
	[sflag:s18] =	ssyncadd.s32 $0xFFFFC000  }
0x48: {  	[spmem:s1] =	stream.indirect.scatter.add.f32 [tilespmem:s17], [sflag:$0x3], $0x80, s28, s16, $0xb8;
	[tilespmem:$0x1E800] =	vst v63  }
.Ltmp0:
0x49: {  	s28 =	sadd.s32 $0x1480, s26;
	(pc) =	sbr.rel @p0 .LBB2_2-.Ltmp0, $4  }
0x4a: {  	[tilespmem:s19], [sflag:$0x2] =	stream.indirect.gather [hbm4b:s4+s16], $0x80, s28, s16, $0xb8;
	[tilespmem:$0x1E800] =	vst v63  }
0x4b: {  	_ =	swait.ge [sflag:s20], $0x4000  }
0x4c: {  	[sflag:s20] =	ssyncset.done $0x0  }
0x4d: {  	s26 =	sadd.s32 $0x2880, s26;
	[sflag:s20] =	ssyncadd.s32 $0xFFFFC000  }
0x4e: {  	[spmem:s1] =	stream.indirect.scatter.add.f32 [tilespmem:s19], [sflag:$0x4], $0x80, s26, s16, $0xb8;
	[tilespmem:$0x1E800] =	vst v63  }
0x4f: {  	_ =	swait.ge [sflag:s22], $0x4000  }
0x50: {  	[sflag:s22] =	ssyncset.done $0x0  }
0x51: {  	[sflag:s22] =	ssyncadd.s32 $0xFFFFC000  }
0x52: {  	_ =	swait.ge [sflag:s23], $0x4000  }
0x53: {  	[sflag:s23] =	ssyncset.done $0x0  }
0x54: {  	[sflag:s23] =	ssyncadd.s32 $0xFFFFC000  }
0x55: {  	[tilespmem:s3], [sflag:$0x5] =	stream.linear.gather [hbm4b:s9+s3], $0x1400, $0x38;
	[tilespmem:$0x1E800] =	vst v63  }
0x56: {  	_ =	swait.ge [sflag:s14], $0x1400  }
0x57: {  	[sflag:s14] =	ssyncset.done $0x0  }
0x58: {  	[sflag:s14] =	ssyncadd.s32 $0xFFFFEC00  }
0x59: {  	[tilespmem:s15], [sflag:$0x5] =	stream.linear.gather [hbm4b:s10+s3], $0x1400, $0x38;
	[tilespmem:$0x1E800] =	vst v63  }
0x5a: {  	_ =	swait.ge [sflag:s14], $0x1400  }
0x5b: {  	[sflag:s14] =	ssyncset.done $0x0  }
0x5c: {  	[sflag:s14] =	ssyncadd.s32 $0xFFFFEC00  }
0x5d: {  	[tilespmem:s17], [sflag:$0x1] =	stream.indirect.gather [hbm4b:s4+s16], $0x80, s3, s16, $0xb8;
	[tilespmem:$0x1E800] =	vst v63  }
0x5e: {  	_ =	swait.ge [sflag:s18], $0x4000  }
0x5f: {  	[sflag:s18] =	ssyncset.done $0x0  }
0x60: {  	[sflag:s18] =	ssyncadd.s32 $0xFFFFC000  }
0x61: {  	[spmem:s1] =	stream.indirect.scatter.add.f32 [tilespmem:s17], [sflag:$0x3], $0x80, s15, s16, $0xb8;
	[tilespmem:$0x1E800] =	vst v63  }
0x62: {  	_ = 	snop  }
0x63: {  	[tilespmem:s19], [sflag:$0x2] =	stream.indirect.gather [hbm4b:s4+s16], $0x80, s16, s16, $0xb8;
	[tilespmem:$0x1E800] =	vst v63  }
0x64: {  	_ =	swait.ge [sflag:s20], $0x4000  }
0x65: {  	[sflag:s20] =	ssyncset.done $0x0  }
0x66: {  	[sflag:s20] =	ssyncadd.s32 $0xFFFFC000  }
0x67: {  	[spmem:s1] =	stream.indirect.scatter.add.f32 [tilespmem:s19], [sflag:$0x4], $0x80, s21, s16, $0xb8;
	[tilespmem:$0x1E800] =	vst v63  }
0x68: {  	_ =	swait.ge [sflag:s22], $0x4000  }
0x69: {  	[sflag:s22] =	ssyncset.done $0x0  }
0x6a: {  	s25 =	simm.s32 $0x100;
	[sflag:s22] =	ssyncadd.s32 $0xFFFFC000  }
0x6b: {  	[tilespmem:s17], [sflag:$0x1] =	stream.indirect.gather [hbm4b:s4+s16], $0x80, s25, s16, $0xb8;
	[tilespmem:$0x1E800] =	vst v63  }
0x6c: {  	_ =	swait.ge [sflag:s23], $0x4000  }
0x6d: {  	[sflag:s23] =	ssyncset.done $0x0  }
0x6e: {  	[sflag:s23] =	ssyncadd.s32 $0xFFFFC000  }
0x6f: {  	_ =	swait.ge [sflag:s18], $0x4000  }
0x70: {  	[sflag:s18] =	ssyncset.done $0x0  }
0x71: {  	s30 =	simm.s32 $0x1500;
	[sflag:s18] =	ssyncadd.s32 $0xFFFFC000  }
0x72: {  	[spmem:s1] =	stream.indirect.scatter.add.f32 [tilespmem:s17], [sflag:$0x3], $0x80, s30, s16, $0xb8;
	[tilespmem:$0x1E800] =	vst v63  }
0x73: {  	s31 =	simm.s32 $0x180  }
0x74: {  	[tilespmem:s19], [sflag:$0x2] =	stream.indirect.gather [hbm4b:s4+s16], $0x80, s31, s16, $0xb8;
	[tilespmem:$0x1E800] =	vst v63  }
0x75: {  	_ =	swait.ge [sflag:s20], $0x4000  }
0x76: {  	[sflag:s20] =	ssyncset.done $0x0  }
0x77: {  	s26 =	simm.s32 $0x1580;
	s25 =	simm.s32 $0xFFFFB800;
	[sflag:s20] =	ssyncadd.s32 $0xFFFFC000  }
.LBB2_4:
0x78: {  	[spmem:s1] =	stream.indirect.scatter.add.f32 [tilespmem:s19], [sflag:$0x4], $0x80, s26, s16, $0xb8;
	[tilespmem:$0x1E800] =	vst v63  }
0x79: {  	s26 =	smov.u32 s25  }
0x7a: {  	p0 =	sne.s32 s25, $0xFFFFFC00;
	s25 =	sadd.s32 $0x400, s25;
	_ =	swait.ge [sflag:s22], $0x4000  }
0x7b: {  	s26 =	sshra.s32 s26, $0x2;
	[sflag:s22] =	ssyncset.done $0x0  }
0x7c: {  	s28 =	sadd.s32 $0x1400, s26;
	[sflag:s22] =	ssyncadd.s32 $0xFFFFC000  }
0x7d: {  	[tilespmem:s17], [sflag:$0x1] =	stream.indirect.gather [hbm4b:s4+s16], $0x80, s28, s16, $0xb8;
	[tilespmem:$0x1E800] =	vst v63  }
0x7e: {  	_ =	swait.ge [sflag:s23], $0x4000  }
0x7f: {  	[sflag:s23] =	ssyncset.done $0x0  }
0x80: {  	[sflag:s23] =	ssyncadd.s32 $0xFFFFC000  }
0x81: {  	_ =	swait.ge [sflag:s18], $0x4000  }
0x82: {  	[sflag:s18] =	ssyncset.done $0x0  }
0x83: {  	s28 =	sadd.s32 $0x2800, s26;
	[sflag:s18] =	ssyncadd.s32 $0xFFFFC000  }
0x84: {  	[spmem:s1] =	stream.indirect.scatter.add.f32 [tilespmem:s17], [sflag:$0x3], $0x80, s28, s16, $0xb8;
	[tilespmem:$0x1E800] =	vst v63  }
.Ltmp1:
0x85: {  	s28 =	sadd.s32 $0x1480, s26;
	(pc) =	sbr.rel @p0 .LBB2_4-.Ltmp1, $4  }
0x86: {  	[tilespmem:s19], [sflag:$0x2] =	stream.indirect.gather [hbm4b:s4+s16], $0x80, s28, s16, $0xb8;
	[tilespmem:$0x1E800] =	vst v63  }
0x87: {  	_ =	swait.ge [sflag:s20], $0x4000  }
0x88: {  	[sflag:s20] =	ssyncset.done $0x0  }
0x89: {  	s26 =	sadd.s32 $0x2880, s26;
	[sflag:s20] =	ssyncadd.s32 $0xFFFFC000  }
0x8a: {  	[spmem:s1] =	stream.indirect.scatter.add.f32 [tilespmem:s19], [sflag:$0x4], $0x80, s26, s16, $0xb8;
	[tilespmem:$0x1E800] =	vst v63  }
0x8b: {  	_ =	swait.ge [sflag:s22], $0x4000  }
0x8c: {  	[sflag:s22] =	ssyncset.done $0x0  }
0x8d: {  	[sflag:s22] =	ssyncadd.s32 $0xFFFFC000  }
0x8e: {  	_ =	swait.ge [sflag:s23], $0x4000  }
0x8f: {  	s24 =	sadd.s32 $0x1, s24;
	[sflag:s23] =	ssyncset.done $0x0  }
0x90: {  	p0 =	sne.s32 s24, s12;
	[sflag:s23] =	ssyncadd.s32 $0xFFFFC000  }
.Ltmp2:
0x91: {  	[bflag:$0x0] =	sbarrier.arrive $0xFFFF;
	(pc) =	sbr.rel @p0 .LBB2_1-.Ltmp2, $4  }
0x92: {  	[hbm:s11], [sflag:s6] =	dma.local [spmem:s13], $0x2800  }
0x93: {  	_ =	swait.ge [sflag:s14], $0x2800  }
0x94: {  	[sflag:s14] =	ssyncset.done $0x0  }
0x95: {  	[sflag:s14] =	ssyncadd.s32 $0xFFFFD800  }
0x96: {  	_ =	sfence.sel $0x180000  }
0x97: {  	[bflag:$0x0] =	sbarrier.arrive $0xFFFF  }
0x98: {  	p0 =	sne.s32 s2, $0x0;
	_ =	strace $0x9000004A  }
0x99: {  	s0 =	sadd.s32 @!p0 $0x100000, s0;
	[bflag:$0x2] =	sbarrier.arrive $0xFFFF  }
0x9a: {  	[sflag:s0] =	ssyncadd.tile.s32 @!p0 $0x1;
	_ =	shalt  }
.Lfunc_end2:
_tile_overlayer_lowered:
.L_overlay_start_2:
0x9b: {  	(tag) =	ssettag $0x2  }
0x9c: {  	s0 =	rddreg [dreg:$0x0];
	s2 =	stileid.u32  }
0x9d: {  	s1 =	rddreg [dreg:$0x1];
	p0 =	sne.s32 s2, $0x0  }
0x9e: {  	s3 =	rddreg [dreg:$0x2];
	[bflag:$0x3] =	sbarrier.arrive $0xFFFF;
	s2 =	simm.s32 @!p0 $0x1C05  }
0x9f: {  	[timem:s3], [sflag:s2] =	dma.local @!p0 [hbm:s0], s1  }
0xa0: {  	s0 =	simm.s32 @!p0 $0x5  }
0xa1: {  	_ =	swait.ge @!p0 [sflag:s0], s1  }
0xa2: {  	s1 =	ssub.s32 @!p0 $0x0, s1;
	[sflag:s0] =	ssyncset.done @!p0 $0x0  }
0xa3: {  	[sflag:s0] =	ssyncadd.s32 @!p0 s1  }
0xa4: {  	[bflag:$0x3] =	sbarrier.arrive $0xFFFF  }
0xa5: {  	_ =	shalt  }

// kernel: kernel.17.cloned.1.call-start
scs
__scs_entry_jumppad:
0x0: {  	(pc) =	sbr.rel $0x88, $3  }
0x1: {  	(tag) =	ssettag $0x0;
	lr =	simm.s32 $0x1  }
0x2: {  	[smem:$0x3F99] =	sst lr;
	_ =	strace $0xD0000000  }
0x3: {  	_ = 	snop  }
0x4: {  	_ = 	snop  }
0x5: {  	_ = 	snop  }
0x6: {  	_ = 	snop  }
0x7: {  	_ = 	snop  }
__scs_overlays_trampoline_lowered:
0x8: {  	[smem:$0x3FA8] =	sst s0  }
0x9: {  	[smem:$0x3FA9] =	sst s1  }
0xa: {  	[smem:$0x3FAA] =	sst s2  }
0xb: {  	[smem:$0x3FAB] =	sst s3  }
0xc: {  	[smem:$0x3FAC] =	sst s4  }
0xd: {  	[smem:$0x3FAD] =	sst s5  }
0xe: {  	[smem:$0x3FAE] =	sst s6  }
0xf: {  	[smem:$0x3FAF] =	sst s7  }
0x10: {  	[smem:$0x3FB0] =	sst s8  }
0x11: {  	[smem:$0x3FB1] =	sst s9;
	s0 =	simm.s32 @!p0 $0x0  }
0x12: {  	s1 =	sld [smem:$0x3F97];
	s0 =	simm.s32 @p0 $0x1  }
0x13: {  	[smem:$0x3FB2] =	sst s0;
	s0 =	simm.s32 @!p1 $0x0  }
0x14: {  	s2 =	sld [smem:$0x3F96];
	s0 =	simm.s32 @p1 $0x1  }
0x15: {  	[smem:$0x3FB3] =	sst s0;
	s0 =	simm.s32 @!p2 $0x0  }
0x16: {  	s3 =	sld [smem:$0x3FDB];
	s0 =	simm.s32 @p2 $0x1  }
0x17: {  	s4 =	simm.s32 $0x1BF5;
	[smem:$0x3FB5] =	sst s0  }
0x18: {  	s0 =	sld [smem:$0x3F98];
	_ =	swait.ge [sflag:s4], $0x0  }
0x19: {  	s7 =	sld [smem:$0x3F99]  }
0x1a: {  	s8 =	sadd.s32 $0xFFFFE003, lr  }
0x1b: {  	s9 =	sadd.s32 $0xFFFFFEF7, lr;
	s5 =	simm.s32 $0xFFFFFFFF;
	p2 =	slt.u32 s8, $0xFFFFF086  }
0x1c: {  	p1 =	slt.u32 s9, $0xF7A;
	s5 =	simm.s32 @!p2 $0x0  }
0x1d: {  	s5 =	simm.s32 @p1 $0x1;
	p0 =	seq.s32 s7, s2  }
0x1e: {  	s7 =	smul.u32 @!p0 $0xF7A, s2;
	p2 =	seq.s32 @!p0 s5, $0x0  }
0x1f: {  	s9 =	smul.u32 $0xF7A, s1;
	s8 =	simm.s32 @!p0 $0x1BF5;
	p2 =	por !p2, p0  }
0x20: {  	[sflag:s8] =	ssyncset.s32 @!p0 $0xFFFFF086;
	s6 =	sadd.s32 @!p0 s3, s7;
	s7 =	simm.s32 @!p0 $0x108  }
0x21: {  	s3 =	sadd.s32 s3, s9;
	s6 =	sadd.s32 @!p0 $0x88, s6;
	s7 =	simm.s32 @p2 $0x1082  }
0x22: {  	[simem:s7], [sflag:s8] =	dma.local @!p0 [hbm:s6], $0xF7A  }
0x23: {  	s9 =	sor.u32 $0xD0000000, s2;
	s6 =	simm.s32 $0x108;
	_ =	swait.ge @!p0 [sflag:s8], $0x0  }
0x24: {  	s3 =	sadd.s32 $0x88, s3;
	s6 =	simm.s32 @!p1 $0x1082;
	[sflag:s4] =	ssyncset.s32 $0xFFFFF086  }
0x25: {  	[simem:s6], [sflag:s4] =	dma.local [hbm:s3], $0xF7A  }
0x26: {  	[smem:$0x3F99] =	sst s1;
	(tag) =	ssettag s2;
	_ =	strace s9  }
0x27: {  	s1 =	sld [smem:$0x3FA9]  }
0x28: {  	s2 =	sld [smem:$0x3FAA]  }
0x29: {  	s4 =	sld [smem:$0x3FAC]  }
0x2a: {  	p0 =	seq.s32 s5, $0x0;
	s5 =	sld [smem:$0x3FAD]  }
0x2b: {  	s6 =	sld [smem:$0x3FAE]  }
0x2c: {  	s7 =	sld [smem:$0x3FAF]  }
0x2d: {  	s3 =	simm.s32 $0x108;
	s8 =	sld [smem:$0x3FB0]  }
0x2e: {  	s3 =	simm.s32 @!p0 $0x1082;
	s9 =	sld [smem:$0x3FB1]  }
0x2f: {  	lr =	sadd.s32 s0, s3;
	s0 =	sld [smem:$0x3FA8]  }
0x30: {  	s3 =	sld [smem:$0x3FAB]  }
0x31: {  	[smem:$0x3FB4] =	sst s10  }
0x32: {  	s10 =	sld [smem:$0x3FB2];
	_ =	sdelay $0x3  }
0x33: {  	p0 =	seq.s32 s10, $0x1;
	s10 =	sld [smem:$0x3FB4];
	_ =	sdelay $0x3  }
0x34: {  	[smem:$0x3FB4] =	sst s10  }
0x35: {  	s10 =	sld [smem:$0x3FB3];
	_ =	sdelay $0x3  }
0x36: {  	p1 =	seq.s32 s10, $0x1;
	s10 =	sld [smem:$0x3FB4];
	_ =	sdelay $0x3  }
0x37: {  	[smem:$0x3FB4] =	sst s10  }
0x38: {  	s10 =	sld [smem:$0x3FB5]  }
0x39: {  	_ = 	snop;
	(pc) =	sbr.ind lr, $3  }
0x3a: {  	_ = 	snop  }
0x3b: {  	_ = 	snop  }
0x3c: {  	p2 =	seq.s32 s10, $0x1;
	s10 =	sld [smem:$0x3FB4]  }
0x3d: {  	_ =	shalt  }
0x3e: {  	_ =	shalt  }
0x3f: {  	_ =	shalt  }
0x40: {  	_ =	shalt  }
0x41: {  	_ =	shalt  }
0x42: {  	_ =	shalt  }
0x43: {  	_ =	shalt  }
0x44: {  	_ =	shalt  }
0x45: {  	_ =	shalt  }
0x46: {  	_ =	shalt  }
0x47: {  	_ =	shalt  }
0x48: {  	_ =	shalt  }
0x49: {  	_ =	shalt  }
0x4a: {  	_ =	shalt  }
0x4b: {  	_ =	shalt  }
0x4c: {  	_ =	shalt  }
0x4d: {  	_ =	shalt  }
0x4e: {  	_ =	shalt  }
0x4f: {  	_ =	shalt  }
0x50: {  	_ =	shalt  }
0x51: {  	_ =	shalt  }
0x52: {  	_ =	shalt  }
0x53: {  	_ =	shalt  }
0x54: {  	_ =	shalt  }
0x55: {  	_ =	shalt  }
0x56: {  	_ =	shalt  }
0x57: {  	_ =	shalt  }
0x58: {  	_ =	shalt  }
0x59: {  	_ =	shalt  }
0x5a: {  	_ =	shalt  }
0x5b: {  	_ =	shalt  }
0x5c: {  	_ =	shalt  }
0x5d: {  	_ =	shalt  }
0x5e: {  	_ =	shalt  }
0x5f: {  	_ =	shalt  }
0x60: {  	_ =	shalt  }
0x61: {  	_ =	shalt  }
0x62: {  	_ =	shalt  }
0x63: {  	_ =	shalt  }
0x64: {  	_ =	shalt  }
0x65: {  	_ =	shalt  }
0x66: {  	_ =	shalt  }
0x67: {  	_ =	shalt  }
0x68: {  	_ =	shalt  }
0x69: {  	_ =	shalt  }
0x6a: {  	_ =	shalt  }
0x6b: {  	_ =	shalt  }
0x6c: {  	_ =	shalt  }
0x6d: {  	_ =	shalt  }
0x6e: {  	_ =	shalt  }
0x6f: {  	_ =	shalt  }
0x70: {  	_ =	shalt  }
0x71: {  	_ =	shalt  }
0x72: {  	_ =	shalt  }
0x73: {  	_ =	shalt  }
0x74: {  	_ =	shalt  }
0x75: {  	_ =	shalt  }
0x76: {  	_ =	shalt  }
0x77: {  	_ =	shalt  }
0x78: {  	_ =	shalt  }
0x79: {  	_ =	shalt  }
0x7a: {  	_ =	shalt  }
0x7b: {  	_ =	shalt  }
0x7c: {  	_ =	shalt  }
0x7d: {  	_ =	shalt  }
0x7e: {  	_ =	shalt  }
0x7f: {  	_ =	shalt  }
0x80: {  	_ =	shalt  }
0x81: {  	_ =	shalt  }
0x82: {  	_ =	shalt  }
0x83: {  	_ =	shalt  }
0x84: {  	_ =	shalt  }
0x85: {  	_ =	shalt  }
0x86: {  	_ =	shalt  }
0x87: {  	_ =	shalt  }
.Lfunc_end0:
.L_simem_size_0:
called_computation.2_lowered:
.L_overlay_start_0:
0x88: {  	s2 =	sld [smem:$0x3FD9]  }
0x89: {  	s3 =	sld [smem:$0x3FFE];
	_ =	sdelay $0x1  }
0x8a: {  	s1 =	srdreg.scid  }
0x8b: {  	s0 =	sand.u32 $0x1, s1  }
0x8c: {  	s17 =	sshll.u32 s0, $0xA;
	s2 =	sadd.s32 s3, s2  }
0x8d: {  	s2 =	sadd.s32 s2, s17  }
0x8e: {  	[smem:$0x3FC0] =	sst s2  }
0x8f: {  	_ = 	snop  }
0x90: {  	s2 =	sld [smem:$0x3FD0];
	(tm) =	ssettm $0x1  }
0x91: {  	s18 =	sld [smem:$0x3FFB];
	_ =	sdelay $0x3  }
0x92: {  	_ =	strace s18  }
0x93: {  	s3 =	sld [smem:$0x3FFC];
	_ =	sdelay $0x3  }
0x94: {  	_ =	strace s3  }
0x95: {  	s3 =	sld [smem:$0x3FFD];
	_ =	sdelay $0x3  }
0x96: {  	_ =	strace s3  }
0x97: {  	_ =	strace $0x8FFFFFFF  }
0x98: {  	s19 =	sld [smem:$0x3FDB];
	_ =	sdelay $0x1  }
0x99: {  	s4 =	simm.s32 $_scs_section_size  }
0x9a: {  	s5 =	simm.s32 $_size__tile_overlayer_lowered;
	s6 =	simm.s32 $_tile_overlayer_lowered  }
0x9b: {  	s22 =	simm.s32 $0x1BFF;
	s21 =	sshll.u32 s6, $0x1;
	s3 =	sadd.s32 s4, s19  }
0x9c: {  	s7 =	simm.s32 $0x0;
	s20 =	sshll.u32 s5, $0x1;
	s5 =	sadd.s32 s21, s3  }
0x9d: {  	[timem:s7], [sflag:s22] =	dma.local [hbm:s5], s20  }
0x9e: {  	_ =	swait.ge [sflag:s22], s20  }
0x9f: {  	s4 =	ssub.s32 $0x0, s20;
	[sflag:s22] =	ssyncset.done $0x0  }
0xa0: {  	[sflag:s22] =	ssyncadd.s32 s4;
	_ =	sdelay $0x1  }
0xa1: {  	s23 =	simm.s32 $0x1B8B  }
0xa2: {  	_ =	swait.ge [sflag:s23], $0x1  }
0xa3: {  	[sflag:s23] =	ssyncset.done $0x0  }
0xa4: {  	s25 =	simm.s32 $0x1B8E;
	s24 =	sld [smem:$0x3FFE];
	[sflag:s23] =	ssyncadd.s32 $0xFFFFFFFF  }
0xa5: {  	s26 =	simm.s32 $execute0_lowered;
	[smem:$0x3FD2] =	sst s25  }
0xa6: {  	s5 =	sshll.u32 s26, $0x1;
	_ =	strace $0x8000004C;
	[dreg:$0x1] =	wrdreg $0xFFFFFFFF  }
0xa7: {  	s28 =	simm.s32 $_size_execute0_lowered;
	s3 =	sadd.s32 s3, s5;
	[dreg:$0x0] =	wrdreg $0x0  }
0xa8: {  	s5 =	sshll.u32 s28, $0x1;
	[dreg:$0x2] =	wrdreg s3  }
0xa9: {  	[dreg:$0x3] =	wrdreg s5  }
0xaa: {  	[dreg:$0x4] =	wrdreg $0xC0  }
0xab: {  	_ =	task [dreg:s7], $0x5FFFF  }
0xac: {  	[dreg:$0x1] =	wrdreg $0xFFFFFFFF  }
0xad: {  	[dreg:$0x0] =	wrdreg $0x60  }
0xae: {  	[dreg:$0x2] =	wrdreg s24  }
0xaf: {  	[dreg:$0x3] =	wrdreg s2  }
0xb0: {  	[dreg:$0x4] =	wrdreg $0xA8000  }
0xb1: {  	[dreg:$0x5] =	wrdreg $0x9  }
0xb2: {  	_ =	task.clear_ibuf [dreg:s7], $0x6FFFF;
	_ =	strace $0x9000004C  }
0xb3: {  	s29 =	simm.s32 $0x9;
	_ =	strace $0x8000004E  }
0xb4: {  	_ =	swait.ge [sflag:s29], $0x1  }
0xb5: {  	[sflag:s29] =	ssyncadd.s32 $0xFFFFFFFF  }
0xb6: {  	_ =	strace $0x9000004E  }
0xb7: {  	_ =	sfence  }
0xb8: {  	s30 =	sld [smem:$0x0];
	_ =	sdelay $0x2  }
0xb9: {  	s31 =	sshll.u32 s1, $0xD;
	s1 =	sshrl.u32 s1, $0x2  }
0xba: {  	s3 =	sand.u32 $0x4000, s31;
	s1 =	sadd.s32 s1, s30  }
0xbb: {  	s0 =	sor.u32 s3, s0;
	s1 =	sshll.u32 s1, $0x11  }
0xbc: {  	s0 =	sor.u32 s1, s0  }
0xbd: {  	s0 =	sadd.s32 $0x8F2B, s0  }
0xbe: {  	[sflag:s0] =	ssyncadd.remote.s32 $0x1  }
0xbf: {  	_ =	sfence.sel $0xFFFF  }
0xc0: {  	[dreg:$0x0] =	wrdreg $0xFFFFFFFF;
	(pc) =	sbr.abs _section_cstart, $3  }
0xc1: {  	[dreg:$0x1] =	wrdreg $0xFFFFFFFF  }
0xc2: {  	_ =	task.clear_ibuf [dreg:s7], $0x2FFFF;
	_ =	strace $0x9FFFFFFF  }
0xc3: {  	(tm) =	ssettm $0x7FFFFFFF  }
tec
execute0_lowered:
.L_overlay_start_1:
0x0: {  	(tag) =	ssettag $0x1  }
0x1: {  	s6 =	rddreg [dreg:$0x0]  }
0x2: {  	s9 =	rddreg [dreg:$0x1]  }
0x3: {  	s1 =	rddreg [dreg:$0x2]  }
0x4: {  	s2 =	srdreg.scid;
	s0 =	rddreg [dreg:$0x3]  }
0x5: {  	s3 =	simm.s32 $0x0;
	s16 =	simm.s32 $0x80;
	s17 =	simm.s32 $0x2800  }
0x6: {  	s18 =	simm.s32 $0x1;
	s19 =	simm.s32 $0x6800;
	s20 =	simm.s32 $0x2  }
0x7: {  	s21 =	simm.s32 $0x1480;
	s22 =	simm.s32 $0x3;
	s23 =	simm.s32 $0x4  }
0x8: {  	s7 =	sand.u32 $0x1, s2;
	s2 =	stileid.u32;
	[smem:$0x7FF] =	sst s3  }
0x9: {  	s4 =	sadd.s32 $0x11400, s6;
	s11 =	sadd.s32 $0x4400, s6;
	s8 =	smul.u32 $0x140000, s7  }
0xa: {  	s5 =	sadd.s32 $0xEC00, s6;
	s10 =	smul.u32 $0x14000, s2;
	_ =	strace $0x8000004D  }
0xb: {  	s24 =	sshll.u32 s2, $0x1;
	s12 =	ssub.s32 $0x2, s7;
	s25 =	smul.u32 $0x50000, s2  }
0xc: {  	s28 =	sshll.u32 s2, $0x6;
	s7 =	sor.u32 s7, s24;
	s13 =	sshrl.u32 s12, $0x1  }
0xd: {  	s24 =	simm.s32 $0x0;
	s8 =	sadd.s32 s10, s8;
	s14 =	smul.u32 $0x2800, s7  }
0xe: {  	s12 =	ssub.s32 s12, s13;
	s26 =	sshrl.u32 s25, $0x2;
	s29 =	smul.u32 $0x500, s7  }
0xf: {  	s8 =	sshrl.u32 s8, $0x3;
	s31 =	sadd.s32 s26, s1;
	s12 =	smax.u32 s12, $0x1  }
0x10: {  	s15 =	sadd.s32 s8, s6;
	s30 =	sshrl.u32 s14, $0x3;
	s6 =	sor.u32 $0x1C05, s28  }
0x11: {  	s7 =	sadd.s32 s9, s29;
	s8 =	sadd.s32 s11, s29;
	s14 =	sadd.s32 $0x280, s30  }
0x12: {  	s13 =	sshrl.u32 s31, $0x3;
	s9 =	sadd.s32 s9, s14;
	s10 =	sadd.s32 s11, s14  }
0x13: {  	s11 =	sadd.s32 $0x61400, s15;
	s14 =	simm.s32 $0x5;
	s15 =	simm.s32 $0x1400  }
.LBB2_1:
0x14: {  	[spmem:s13], [sflag:s6] =	dma.local [hbm:s5], $0x2800  }
0x15: {  	_ =	swait.ge [sflag:s14], $0x2800  }
0x16: {  	[sflag:s14] =	ssyncset.done $0x0  }
0x17: {  	[sflag:s14] =	ssyncadd.s32 $0xFFFFD800  }
0x18: {  	[bflag:$0x0] =	sbarrier.arrive $0xFFFF  }
0x19: {  	[tilespmem:s3], [sflag:$0x5] =	stream.linear.gather [hbm4b:s7+s3], $0x1400, $0x38;
	[tilespmem:$0x1E800] =	vst v63  }
0x1a: {  	_ =	swait.ge [sflag:s14], $0x1400  }
0x1b: {  	[sflag:s14] =	ssyncset.done $0x0  }
0x1c: {  	[sflag:s14] =	ssyncadd.s32 $0xFFFFEC00  }
0x1d: {  	[tilespmem:s15], [sflag:$0x5] =	stream.linear.gather [hbm4b:s8+s3], $0x1400, $0x38;
	[tilespmem:$0x1E800] =	vst v63  }
0x1e: {  	_ =	swait.ge [sflag:s14], $0x1400  }
0x1f: {  	[sflag:s14] =	ssyncset.done $0x0  }
0x20: {  	[sflag:s14] =	ssyncadd.s32 $0xFFFFEC00  }
0x21: {  	[tilespmem:s17], [sflag:$0x1] =	stream.indirect.gather [hbm4b:s4+s16], $0x80, s3, s16, $0xb8;
	[tilespmem:$0x1E800] =	vst v63  }
0x22: {  	_ =	swait.ge [sflag:s18], $0x4000  }
0x23: {  	[sflag:s18] =	ssyncset.done $0x0  }
0x24: {  	[sflag:s18] =	ssyncadd.s32 $0xFFFFC000  }
0x25: {  	[spmem:s1] =	stream.indirect.scatter.add.f32 [tilespmem:s17], [sflag:$0x3], $0x80, s15, s16, $0xb8;
	[tilespmem:$0x1E800] =	vst v63  }
0x26: {  	_ = 	snop  }
0x27: {  	[tilespmem:s19], [sflag:$0x2] =	stream.indirect.gather [hbm4b:s4+s16], $0x80, s16, s16, $0xb8;
	[tilespmem:$0x1E800] =	vst v63  }
0x28: {  	_ =	swait.ge [sflag:s20], $0x4000  }
0x29: {  	[sflag:s20] =	ssyncset.done $0x0  }
0x2a: {  	[sflag:s20] =	ssyncadd.s32 $0xFFFFC000  }
0x2b: {  	[spmem:s1] =	stream.indirect.scatter.add.f32 [tilespmem:s19], [sflag:$0x4], $0x80, s21, s16, $0xb8;
	[tilespmem:$0x1E800] =	vst v63  }
0x2c: {  	_ =	swait.ge [sflag:s22], $0x4000  }
0x2d: {  	[sflag:s22] =	ssyncset.done $0x0  }
0x2e: {  	s25 =	simm.s32 $0x100;
	[sflag:s22] =	ssyncadd.s32 $0xFFFFC000  }
0x2f: {  	[tilespmem:s17], [sflag:$0x1] =	stream.indirect.gather [hbm4b:s4+s16], $0x80, s25, s16, $0xb8;
	[tilespmem:$0x1E800] =	vst v63  }
0x30: {  	_ =	swait.ge [sflag:s23], $0x4000  }
0x31: {  	[sflag:s23] =	ssyncset.done $0x0  }
0x32: {  	[sflag:s23] =	ssyncadd.s32 $0xFFFFC000  }
0x33: {  	_ =	swait.ge [sflag:s18], $0x4000  }
0x34: {  	[sflag:s18] =	ssyncset.done $0x0  }
0x35: {  	s30 =	simm.s32 $0x1500;
	[sflag:s18] =	ssyncadd.s32 $0xFFFFC000  }
0x36: {  	[spmem:s1] =	stream.indirect.scatter.add.f32 [tilespmem:s17], [sflag:$0x3], $0x80, s30, s16, $0xb8;
	[tilespmem:$0x1E800] =	vst v63  }
0x37: {  	s31 =	simm.s32 $0x180  }
0x38: {  	[tilespmem:s19], [sflag:$0x2] =	stream.indirect.gather [hbm4b:s4+s16], $0x80, s31, s16, $0xb8;
	[tilespmem:$0x1E800] =	vst v63  }
0x39: {  	_ =	swait.ge [sflag:s20], $0x4000  }
0x3a: {  	[sflag:s20] =	ssyncset.done $0x0  }
0x3b: {  	s26 =	simm.s32 $0x1580;
	s25 =	simm.s32 $0xFFFFB800;
	[sflag:s20] =	ssyncadd.s32 $0xFFFFC000  }
.LBB2_2:
0x3c: {  	[spmem:s1] =	stream.indirect.scatter.add.f32 [tilespmem:s19], [sflag:$0x4], $0x80, s26, s16, $0xb8;
	[tilespmem:$0x1E800] =	vst v63  }
0x3d: {  	s26 =	smov.u32 s25  }
0x3e: {  	p0 =	sne.s32 s25, $0xFFFFFC00;
	s25 =	sadd.s32 $0x400, s25;
	_ =	swait.ge [sflag:s22], $0x4000  }
0x3f: {  	s26 =	sshra.s32 s26, $0x2;
	[sflag:s22] =	ssyncset.done $0x0  }
0x40: {  	s28 =	sadd.s32 $0x1400, s26;
	[sflag:s22] =	ssyncadd.s32 $0xFFFFC000  }
0x41: {  	[tilespmem:s17], [sflag:$0x1] =	stream.indirect.gather [hbm4b:s4+s16], $0x80, s28, s16, $0xb8;
	[tilespmem:$0x1E800] =	vst v63  }
0x42: {  	_ =	swait.ge [sflag:s23], $0x4000  }
0x43: {  	[sflag:s23] =	ssyncset.done $0x0  }
0x44: {  	[sflag:s23] =	ssyncadd.s32 $0xFFFFC000  }
0x45: {  	_ =	swait.ge [sflag:s18], $0x4000  }
0x46: {  	[sflag:s18] =	ssyncset.done $0x0  }
0x47: {  	s28 =	sadd.s32 $0x2800, s26;
	[sflag:s18] =	ssyncadd.s32 $0xFFFFC000  }
0x48: {  	[spmem:s1] =	stream.indirect.scatter.add.f32 [tilespmem:s17], [sflag:$0x3], $0x80, s28, s16, $0xb8;
	[tilespmem:$0x1E800] =	vst v63  }
.Ltmp0:
0x49: {  	s28 =	sadd.s32 $0x1480, s26;
	(pc) =	sbr.rel @p0 .LBB2_2-.Ltmp0, $4  }
0x4a: {  	[tilespmem:s19], [sflag:$0x2] =	stream.indirect.gather [hbm4b:s4+s16], $0x80, s28, s16, $0xb8;
	[tilespmem:$0x1E800] =	vst v63  }
0x4b: {  	_ =	swait.ge [sflag:s20], $0x4000  }
0x4c: {  	[sflag:s20] =	ssyncset.done $0x0  }
0x4d: {  	s26 =	sadd.s32 $0x2880, s26;
	[sflag:s20] =	ssyncadd.s32 $0xFFFFC000  }
0x4e: {  	[spmem:s1] =	stream.indirect.scatter.add.f32 [tilespmem:s19], [sflag:$0x4], $0x80, s26, s16, $0xb8;
	[tilespmem:$0x1E800] =	vst v63  }
0x4f: {  	_ =	swait.ge [sflag:s22], $0x4000  }
0x50: {  	[sflag:s22] =	ssyncset.done $0x0  }
0x51: {  	[sflag:s22] =	ssyncadd.s32 $0xFFFFC000  }
0x52: {  	_ =	swait.ge [sflag:s23], $0x4000  }
0x53: {  	[sflag:s23] =	ssyncset.done $0x0  }
0x54: {  	[sflag:s23] =	ssyncadd.s32 $0xFFFFC000  }
0x55: {  	[tilespmem:s3], [sflag:$0x5] =	stream.linear.gather [hbm4b:s9+s3], $0x1400, $0x38;
	[tilespmem:$0x1E800] =	vst v63  }
0x56: {  	_ =	swait.ge [sflag:s14], $0x1400  }
0x57: {  	[sflag:s14] =	ssyncset.done $0x0  }
0x58: {  	[sflag:s14] =	ssyncadd.s32 $0xFFFFEC00  }
0x59: {  	[tilespmem:s15], [sflag:$0x5] =	stream.linear.gather [hbm4b:s10+s3], $0x1400, $0x38;
	[tilespmem:$0x1E800] =	vst v63  }
0x5a: {  	_ =	swait.ge [sflag:s14], $0x1400  }
0x5b: {  	[sflag:s14] =	ssyncset.done $0x0  }
0x5c: {  	[sflag:s14] =	ssyncadd.s32 $0xFFFFEC00  }
0x5d: {  	[tilespmem:s17], [sflag:$0x1] =	stream.indirect.gather [hbm4b:s4+s16], $0x80, s3, s16, $0xb8;
	[tilespmem:$0x1E800] =	vst v63  }
0x5e: {  	_ =	swait.ge [sflag:s18], $0x4000  }
0x5f: {  	[sflag:s18] =	ssyncset.done $0x0  }
0x60: {  	[sflag:s18] =	ssyncadd.s32 $0xFFFFC000  }
0x61: {  	[spmem:s1] =	stream.indirect.scatter.add.f32 [tilespmem:s17], [sflag:$0x3], $0x80, s15, s16, $0xb8;
	[tilespmem:$0x1E800] =	vst v63  }
0x62: {  	_ = 	snop  }
0x63: {  	[tilespmem:s19], [sflag:$0x2] =	stream.indirect.gather [hbm4b:s4+s16], $0x80, s16, s16, $0xb8;
	[tilespmem:$0x1E800] =	vst v63  }
0x64: {  	_ =	swait.ge [sflag:s20], $0x4000  }
0x65: {  	[sflag:s20] =	ssyncset.done $0x0  }
0x66: {  	[sflag:s20] =	ssyncadd.s32 $0xFFFFC000  }
0x67: {  	[spmem:s1] =	stream.indirect.scatter.add.f32 [tilespmem:s19], [sflag:$0x4], $0x80, s21, s16, $0xb8;
	[tilespmem:$0x1E800] =	vst v63  }
0x68: {  	_ =	swait.ge [sflag:s22], $0x4000  }
0x69: {  	[sflag:s22] =	ssyncset.done $0x0  }
0x6a: {  	s25 =	simm.s32 $0x100;
	[sflag:s22] =	ssyncadd.s32 $0xFFFFC000  }
0x6b: {  	[tilespmem:s17], [sflag:$0x1] =	stream.indirect.gather [hbm4b:s4+s16], $0x80, s25, s16, $0xb8;
	[tilespmem:$0x1E800] =	vst v63  }
0x6c: {  	_ =	swait.ge [sflag:s23], $0x4000  }
0x6d: {  	[sflag:s23] =	ssyncset.done $0x0  }
0x6e: {  	[sflag:s23] =	ssyncadd.s32 $0xFFFFC000  }
0x6f: {  	_ =	swait.ge [sflag:s18], $0x4000  }
0x70: {  	[sflag:s18] =	ssyncset.done $0x0  }
0x71: {  	s30 =	simm.s32 $0x1500;
	[sflag:s18] =	ssyncadd.s32 $0xFFFFC000  }
0x72: {  	[spmem:s1] =	stream.indirect.scatter.add.f32 [tilespmem:s17], [sflag:$0x3], $0x80, s30, s16, $0xb8;
	[tilespmem:$0x1E800] =	vst v63  }
0x73: {  	s31 =	simm.s32 $0x180  }
0x74: {  	[tilespmem:s19], [sflag:$0x2] =	stream.indirect.gather [hbm4b:s4+s16], $0x80, s31, s16, $0xb8;
	[tilespmem:$0x1E800] =	vst v63  }
0x75: {  	_ =	swait.ge [sflag:s20], $0x4000  }
0x76: {  	[sflag:s20] =	ssyncset.done $0x0  }
0x77: {  	s26 =	simm.s32 $0x1580;
	s25 =	simm.s32 $0xFFFFB800;
	[sflag:s20] =	ssyncadd.s32 $0xFFFFC000  }
.LBB2_4:
0x78: {  	[spmem:s1] =	stream.indirect.scatter.add.f32 [tilespmem:s19], [sflag:$0x4], $0x80, s26, s16, $0xb8;
	[tilespmem:$0x1E800] =	vst v63  }
0x79: {  	s26 =	smov.u32 s25  }
0x7a: {  	p0 =	sne.s32 s25, $0xFFFFFC00;
	s25 =	sadd.s32 $0x400, s25;
	_ =	swait.ge [sflag:s22], $0x4000  }
0x7b: {  	s26 =	sshra.s32 s26, $0x2;
	[sflag:s22] =	ssyncset.done $0x0  }
0x7c: {  	s28 =	sadd.s32 $0x1400, s26;
	[sflag:s22] =	ssyncadd.s32 $0xFFFFC000  }
0x7d: {  	[tilespmem:s17], [sflag:$0x1] =	stream.indirect.gather [hbm4b:s4+s16], $0x80, s28, s16, $0xb8;
	[tilespmem:$0x1E800] =	vst v63  }
0x7e: {  	_ =	swait.ge [sflag:s23], $0x4000  }
0x7f: {  	[sflag:s23] =	ssyncset.done $0x0  }
0x80: {  	[sflag:s23] =	ssyncadd.s32 $0xFFFFC000  }
0x81: {  	_ =	swait.ge [sflag:s18], $0x4000  }
0x82: {  	[sflag:s18] =	ssyncset.done $0x0  }
0x83: {  	s28 =	sadd.s32 $0x2800, s26;
	[sflag:s18] =	ssyncadd.s32 $0xFFFFC000  }
0x84: {  	[spmem:s1] =	stream.indirect.scatter.add.f32 [tilespmem:s17], [sflag:$0x3], $0x80, s28, s16, $0xb8;
	[tilespmem:$0x1E800] =	vst v63  }
.Ltmp1:
0x85: {  	s28 =	sadd.s32 $0x1480, s26;
	(pc) =	sbr.rel @p0 .LBB2_4-.Ltmp1, $4  }
0x86: {  	[tilespmem:s19], [sflag:$0x2] =	stream.indirect.gather [hbm4b:s4+s16], $0x80, s28, s16, $0xb8;
	[tilespmem:$0x1E800] =	vst v63  }
0x87: {  	_ =	swait.ge [sflag:s20], $0x4000  }
0x88: {  	[sflag:s20] =	ssyncset.done $0x0  }
0x89: {  	s26 =	sadd.s32 $0x2880, s26;
	[sflag:s20] =	ssyncadd.s32 $0xFFFFC000  }
0x8a: {  	[spmem:s1] =	stream.indirect.scatter.add.f32 [tilespmem:s19], [sflag:$0x4], $0x80, s26, s16, $0xb8;
	[tilespmem:$0x1E800] =	vst v63  }
0x8b: {  	_ =	swait.ge [sflag:s22], $0x4000  }
0x8c: {  	[sflag:s22] =	ssyncset.done $0x0  }
0x8d: {  	[sflag:s22] =	ssyncadd.s32 $0xFFFFC000  }
0x8e: {  	_ =	swait.ge [sflag:s23], $0x4000  }
0x8f: {  	s24 =	sadd.s32 $0x1, s24;
	[sflag:s23] =	ssyncset.done $0x0  }
0x90: {  	p0 =	sne.s32 s24, s12;
	[sflag:s23] =	ssyncadd.s32 $0xFFFFC000  }
.Ltmp2:
0x91: {  	[bflag:$0x0] =	sbarrier.arrive $0xFFFF;
	(pc) =	sbr.rel @p0 .LBB2_1-.Ltmp2, $4  }
0x92: {  	[hbm:s11], [sflag:s6] =	dma.local [spmem:s13], $0x2800  }
0x93: {  	_ =	swait.ge [sflag:s14], $0x2800  }
0x94: {  	[sflag:s14] =	ssyncset.done $0x0  }
0x95: {  	[sflag:s14] =	ssyncadd.s32 $0xFFFFD800  }
0x96: {  	_ =	sfence.sel $0x180000  }
0x97: {  	[bflag:$0x0] =	sbarrier.arrive $0xFFFF  }
0x98: {  	p0 =	sne.s32 s2, $0x0;
	_ =	strace $0x9000004D  }
0x99: {  	s0 =	sadd.s32 @!p0 $0x100000, s0;
	[bflag:$0x2] =	sbarrier.arrive $0xFFFF  }
0x9a: {  	[sflag:s0] =	ssyncadd.tile.s32 @!p0 $0x1;
	_ =	shalt  }
.Lfunc_end2:
_tile_overlayer_lowered:
.L_overlay_start_2:
0x9b: {  	(tag) =	ssettag $0x2  }
0x9c: {  	s0 =	rddreg [dreg:$0x0];
	s2 =	stileid.u32  }
0x9d: {  	s1 =	rddreg [dreg:$0x1];
	p0 =	sne.s32 s2, $0x0  }
0x9e: {  	s3 =	rddreg [dreg:$0x2];
	[bflag:$0x3] =	sbarrier.arrive $0xFFFF;
	s2 =	simm.s32 @!p0 $0x1C05  }
0x9f: {  	[timem:s3], [sflag:s2] =	dma.local @!p0 [hbm:s0], s1  }
0xa0: {  	s0 =	simm.s32 @!p0 $0x5  }
0xa1: {  	_ =	swait.ge @!p0 [sflag:s0], s1  }
0xa2: {  	s1 =	ssub.s32 @!p0 $0x0, s1;
	[sflag:s0] =	ssyncset.done @!p0 $0x0  }
0xa3: {  	[sflag:s0] =	ssyncadd.s32 @!p0 s1  }
0xa4: {  	[bflag:$0x3] =	sbarrier.arrive $0xFFFF  }
0xa5: {  	_ =	shalt  }

// kernel: kernel.20.cloned.1.call-start
scs
__scs_entry_jumppad:
0x0: {  	(pc) =	sbr.rel $0x88, $3  }
0x1: {  	(tag) =	ssettag $0x0;
	lr =	simm.s32 $0x1  }
0x2: {  	[smem:$0x3F99] =	sst lr;
	_ =	strace $0xD0000000  }
0x3: {  	_ = 	snop  }
0x4: {  	_ = 	snop  }
0x5: {  	_ = 	snop  }
0x6: {  	_ = 	snop  }
0x7: {  	_ = 	snop  }
__scs_overlays_trampoline_lowered:
0x8: {  	[smem:$0x3FA8] =	sst s0  }
0x9: {  	[smem:$0x3FA9] =	sst s1  }
0xa: {  	[smem:$0x3FAA] =	sst s2  }
0xb: {  	[smem:$0x3FAB] =	sst s3  }
0xc: {  	[smem:$0x3FAC] =	sst s4  }
0xd: {  	[smem:$0x3FAD] =	sst s5  }
0xe: {  	[smem:$0x3FAE] =	sst s6  }
0xf: {  	[smem:$0x3FAF] =	sst s7  }
0x10: {  	[smem:$0x3FB0] =	sst s8  }
0x11: {  	[smem:$0x3FB1] =	sst s9;
	s0 =	simm.s32 @!p0 $0x0  }
0x12: {  	s1 =	sld [smem:$0x3F97];
	s0 =	simm.s32 @p0 $0x1  }
0x13: {  	[smem:$0x3FB2] =	sst s0;
	s0 =	simm.s32 @!p1 $0x0  }
0x14: {  	s2 =	sld [smem:$0x3F96];
	s0 =	simm.s32 @p1 $0x1  }
0x15: {  	[smem:$0x3FB3] =	sst s0;
	s0 =	simm.s32 @!p2 $0x0  }
0x16: {  	s3 =	sld [smem:$0x3FDB];
	s0 =	simm.s32 @p2 $0x1  }
0x17: {  	s4 =	simm.s32 $0x1BF5;
	[smem:$0x3FB5] =	sst s0  }
0x18: {  	s0 =	sld [smem:$0x3F98];
	_ =	swait.ge [sflag:s4], $0x0  }
0x19: {  	s7 =	sld [smem:$0x3F99]  }
0x1a: {  	s8 =	sadd.s32 $0xFFFFE003, lr  }
0x1b: {  	s9 =	sadd.s32 $0xFFFFFEF7, lr;
	s5 =	simm.s32 $0xFFFFFFFF;
	p2 =	slt.u32 s8, $0xFFFFF086  }
0x1c: {  	p1 =	slt.u32 s9, $0xF7A;
	s5 =	simm.s32 @!p2 $0x0  }
0x1d: {  	s5 =	simm.s32 @p1 $0x1;
	p0 =	seq.s32 s7, s2  }
0x1e: {  	s7 =	smul.u32 @!p0 $0xF7A, s2;
	p2 =	seq.s32 @!p0 s5, $0x0  }
0x1f: {  	s9 =	smul.u32 $0xF7A, s1;
	s8 =	simm.s32 @!p0 $0x1BF5;
	p2 =	por !p2, p0  }
0x20: {  	[sflag:s8] =	ssyncset.s32 @!p0 $0xFFFFF086;
	s6 =	sadd.s32 @!p0 s3, s7;
	s7 =	simm.s32 @!p0 $0x108  }
0x21: {  	s3 =	sadd.s32 s3, s9;
	s6 =	sadd.s32 @!p0 $0x88, s6;
	s7 =	simm.s32 @p2 $0x1082  }
0x22: {  	[simem:s7], [sflag:s8] =	dma.local @!p0 [hbm:s6], $0xF7A  }
0x23: {  	s9 =	sor.u32 $0xD0000000, s2;
	s6 =	simm.s32 $0x108;
	_ =	swait.ge @!p0 [sflag:s8], $0x0  }
0x24: {  	s3 =	sadd.s32 $0x88, s3;
	s6 =	simm.s32 @!p1 $0x1082;
	[sflag:s4] =	ssyncset.s32 $0xFFFFF086  }
0x25: {  	[simem:s6], [sflag:s4] =	dma.local [hbm:s3], $0xF7A  }
0x26: {  	[smem:$0x3F99] =	sst s1;
	(tag) =	ssettag s2;
	_ =	strace s9  }
0x27: {  	s1 =	sld [smem:$0x3FA9]  }
0x28: {  	s2 =	sld [smem:$0x3FAA]  }
0x29: {  	s4 =	sld [smem:$0x3FAC]  }
0x2a: {  	p0 =	seq.s32 s5, $0x0;
	s5 =	sld [smem:$0x3FAD]  }
0x2b: {  	s6 =	sld [smem:$0x3FAE]  }
0x2c: {  	s7 =	sld [smem:$0x3FAF]  }
0x2d: {  	s3 =	simm.s32 $0x108;
	s8 =	sld [smem:$0x3FB0]  }
0x2e: {  	s3 =	simm.s32 @!p0 $0x1082;
	s9 =	sld [smem:$0x3FB1]  }
0x2f: {  	lr =	sadd.s32 s0, s3;
	s0 =	sld [smem:$0x3FA8]  }
0x30: {  	s3 =	sld [smem:$0x3FAB]  }
0x31: {  	[smem:$0x3FB4] =	sst s10  }
0x32: {  	s10 =	sld [smem:$0x3FB2];
	_ =	sdelay $0x3  }
0x33: {  	p0 =	seq.s32 s10, $0x1;
	s10 =	sld [smem:$0x3FB4];
	_ =	sdelay $0x3  }
0x34: {  	[smem:$0x3FB4] =	sst s10  }
0x35: {  	s10 =	sld [smem:$0x3FB3];
	_ =	sdelay $0x3  }
0x36: {  	p1 =	seq.s32 s10, $0x1;
	s10 =	sld [smem:$0x3FB4];
	_ =	sdelay $0x3  }
0x37: {  	[smem:$0x3FB4] =	sst s10  }
0x38: {  	s10 =	sld [smem:$0x3FB5]  }
0x39: {  	_ = 	snop;
	(pc) =	sbr.ind lr, $3  }
0x3a: {  	_ = 	snop  }
0x3b: {  	_ = 	snop  }
0x3c: {  	p2 =	seq.s32 s10, $0x1;
	s10 =	sld [smem:$0x3FB4]  }
0x3d: {  	_ =	shalt  }
0x3e: {  	_ =	shalt  }
0x3f: {  	_ =	shalt  }
0x40: {  	_ =	shalt  }
0x41: {  	_ =	shalt  }
0x42: {  	_ =	shalt  }
0x43: {  	_ =	shalt  }
0x44: {  	_ =	shalt  }
0x45: {  	_ =	shalt  }
0x46: {  	_ =	shalt  }
0x47: {  	_ =	shalt  }
0x48: {  	_ =	shalt  }
0x49: {  	_ =	shalt  }
0x4a: {  	_ =	shalt  }
0x4b: {  	_ =	shalt  }
0x4c: {  	_ =	shalt  }
0x4d: {  	_ =	shalt  }
0x4e: {  	_ =	shalt  }
0x4f: {  	_ =	shalt  }
0x50: {  	_ =	shalt  }
0x51: {  	_ =	shalt  }
0x52: {  	_ =	shalt  }
0x53: {  	_ =	shalt  }
0x54: {  	_ =	shalt  }
0x55: {  	_ =	shalt  }
0x56: {  	_ =	shalt  }
0x57: {  	_ =	shalt  }
0x58: {  	_ =	shalt  }
0x59: {  	_ =	shalt  }
0x5a: {  	_ =	shalt  }
0x5b: {  	_ =	shalt  }
0x5c: {  	_ =	shalt  }
0x5d: {  	_ =	shalt  }
0x5e: {  	_ =	shalt  }
0x5f: {  	_ =	shalt  }
0x60: {  	_ =	shalt  }
0x61: {  	_ =	shalt  }
0x62: {  	_ =	shalt  }
0x63: {  	_ =	shalt  }
0x64: {  	_ =	shalt  }
0x65: {  	_ =	shalt  }
0x66: {  	_ =	shalt  }
0x67: {  	_ =	shalt  }
0x68: {  	_ =	shalt  }
0x69: {  	_ =	shalt  }
0x6a: {  	_ =	shalt  }
0x6b: {  	_ =	shalt  }
0x6c: {  	_ =	shalt  }
0x6d: {  	_ =	shalt  }
0x6e: {  	_ =	shalt  }
0x6f: {  	_ =	shalt  }
0x70: {  	_ =	shalt  }
0x71: {  	_ =	shalt  }
0x72: {  	_ =	shalt  }
0x73: {  	_ =	shalt  }
0x74: {  	_ =	shalt  }
0x75: {  	_ =	shalt  }
0x76: {  	_ =	shalt  }
0x77: {  	_ =	shalt  }
0x78: {  	_ =	shalt  }
0x79: {  	_ =	shalt  }
0x7a: {  	_ =	shalt  }
0x7b: {  	_ =	shalt  }
0x7c: {  	_ =	shalt  }
0x7d: {  	_ =	shalt  }
0x7e: {  	_ =	shalt  }
0x7f: {  	_ =	shalt  }
0x80: {  	_ =	shalt  }
0x81: {  	_ =	shalt  }
0x82: {  	_ =	shalt  }
0x83: {  	_ =	shalt  }
0x84: {  	_ =	shalt  }
0x85: {  	_ =	shalt  }
0x86: {  	_ =	shalt  }
0x87: {  	_ =	shalt  }
.Lfunc_end0:
.L_simem_size_0:
called_computation.3_lowered:
.L_overlay_start_0:
0x88: {  	s2 =	sld [smem:$0x3FD9]  }
0x89: {  	s3 =	sld [smem:$0x3FFE];
	_ =	sdelay $0x1  }
0x8a: {  	s1 =	srdreg.scid  }
0x8b: {  	s0 =	sand.u32 $0x1, s1  }
0x8c: {  	s17 =	sshll.u32 s0, $0xA;
	s2 =	sadd.s32 s3, s2  }
0x8d: {  	s2 =	sadd.s32 s2, s17  }
0x8e: {  	[smem:$0x3FC0] =	sst s2  }
0x8f: {  	_ = 	snop  }
0x90: {  	s2 =	sld [smem:$0x3FD0];
	(tm) =	ssettm $0x1  }
0x91: {  	s18 =	sld [smem:$0x3FFB];
	_ =	sdelay $0x3  }
0x92: {  	_ =	strace s18  }
0x93: {  	s3 =	sld [smem:$0x3FFC];
	_ =	sdelay $0x3  }
0x94: {  	_ =	strace s3  }
0x95: {  	s3 =	sld [smem:$0x3FFD];
	_ =	sdelay $0x3  }
0x96: {  	_ =	strace s3  }
0x97: {  	_ =	strace $0x8FFFFFFF  }
0x98: {  	s19 =	sld [smem:$0x3FDB];
	_ =	sdelay $0x1  }
0x99: {  	s4 =	simm.s32 $_scs_section_size  }
0x9a: {  	s5 =	simm.s32 $_size__tile_overlayer_lowered;
	s6 =	simm.s32 $_tile_overlayer_lowered  }
0x9b: {  	s22 =	simm.s32 $0x1BFF;
	s21 =	sshll.u32 s6, $0x1;
	s3 =	sadd.s32 s4, s19  }
0x9c: {  	s7 =	simm.s32 $0x0;
	s20 =	sshll.u32 s5, $0x1;
	s5 =	sadd.s32 s21, s3  }
0x9d: {  	[timem:s7], [sflag:s22] =	dma.local [hbm:s5], s20  }
0x9e: {  	_ =	swait.ge [sflag:s22], s20  }
0x9f: {  	s4 =	ssub.s32 $0x0, s20;
	[sflag:s22] =	ssyncset.done $0x0  }
0xa0: {  	[sflag:s22] =	ssyncadd.s32 s4;
	_ =	sdelay $0x1  }
0xa1: {  	s23 =	simm.s32 $0x1B8B  }
0xa2: {  	_ =	swait.ge [sflag:s23], $0x1  }
0xa3: {  	[sflag:s23] =	ssyncset.done $0x0  }
0xa4: {  	s25 =	simm.s32 $0x1B8E;
	s24 =	sld [smem:$0x3FFE];
	[sflag:s23] =	ssyncadd.s32 $0xFFFFFFFF  }
0xa5: {  	s26 =	simm.s32 $execute0_lowered;
	[smem:$0x3FD2] =	sst s25  }
0xa6: {  	s5 =	sshll.u32 s26, $0x1;
	_ =	strace $0x8000004F;
	[dreg:$0x1] =	wrdreg $0xFFFFFFFF  }
0xa7: {  	s28 =	simm.s32 $_size_execute0_lowered;
	s3 =	sadd.s32 s3, s5;
	[dreg:$0x0] =	wrdreg $0x0  }
0xa8: {  	s5 =	sshll.u32 s28, $0x1;
	[dreg:$0x2] =	wrdreg s3  }
0xa9: {  	[dreg:$0x3] =	wrdreg s5  }
0xaa: {  	[dreg:$0x4] =	wrdreg $0xC0  }
0xab: {  	_ =	task [dreg:s7], $0x5FFFF  }
0xac: {  	[dreg:$0x1] =	wrdreg $0xFFFFFFFF  }
0xad: {  	[dreg:$0x0] =	wrdreg $0x60  }
0xae: {  	[dreg:$0x2] =	wrdreg s24  }
0xaf: {  	[dreg:$0x3] =	wrdreg s2  }
0xb0: {  	[dreg:$0x4] =	wrdreg $0xA8000  }
0xb1: {  	[dreg:$0x5] =	wrdreg $0x9  }
0xb2: {  	_ =	task.clear_ibuf [dreg:s7], $0x6FFFF;
	_ =	strace $0x9000004F  }
0xb3: {  	s29 =	simm.s32 $0x9;
	_ =	strace $0x80000051  }
0xb4: {  	_ =	swait.ge [sflag:s29], $0x1  }
0xb5: {  	[sflag:s29] =	ssyncadd.s32 $0xFFFFFFFF  }
0xb6: {  	_ =	strace $0x90000051  }
0xb7: {  	_ =	sfence  }
0xb8: {  	s30 =	sld [smem:$0x0];
	_ =	sdelay $0x2  }
0xb9: {  	s31 =	sshll.u32 s1, $0xD;
	s1 =	sshrl.u32 s1, $0x2  }
0xba: {  	s3 =	sand.u32 $0x4000, s31;
	s1 =	sadd.s32 s1, s30  }
0xbb: {  	s0 =	sor.u32 s3, s0;
	s1 =	sshll.u32 s1, $0x11  }
0xbc: {  	s0 =	sor.u32 s1, s0  }
0xbd: {  	s0 =	sadd.s32 $0x8F2B, s0  }
0xbe: {  	[sflag:s0] =	ssyncadd.remote.s32 $0x1  }
0xbf: {  	_ =	sfence.sel $0xFFFF  }
0xc0: {  	[dreg:$0x0] =	wrdreg $0xFFFFFFFF;
	(pc) =	sbr.abs _section_cstart, $3  }
0xc1: {  	[dreg:$0x1] =	wrdreg $0xFFFFFFFF  }
0xc2: {  	_ =	task.clear_ibuf [dreg:s7], $0x2FFFF;
	_ =	strace $0x9FFFFFFF  }
0xc3: {  	(tm) =	ssettm $0x7FFFFFFF  }
tec
execute0_lowered:
.L_overlay_start_1:
0x0: {  	(tag) =	ssettag $0x1  }
0x1: {  	s6 =	rddreg [dreg:$0x0]  }
0x2: {  	s9 =	rddreg [dreg:$0x1]  }
0x3: {  	s1 =	rddreg [dreg:$0x2]  }
0x4: {  	s2 =	srdreg.scid;
	s0 =	rddreg [dreg:$0x3]  }
0x5: {  	s3 =	simm.s32 $0x0;
	s16 =	simm.s32 $0x80;
	s17 =	simm.s32 $0x2800  }
0x6: {  	s18 =	simm.s32 $0x1;
	s19 =	simm.s32 $0x6800;
	s20 =	simm.s32 $0x2  }
0x7: {  	s21 =	simm.s32 $0x1480;
	s22 =	simm.s32 $0x3;
	s23 =	simm.s32 $0x4  }
0x8: {  	s7 =	sand.u32 $0x1, s2;
	s2 =	stileid.u32;
	[smem:$0x7FF] =	sst s3  }
0x9: {  	s4 =	sadd.s32 $0x11400, s6;
	s11 =	sadd.s32 $0x4400, s6;
	s8 =	smul.u32 $0x140000, s7  }
0xa: {  	s5 =	sadd.s32 $0xEC00, s6;
	s10 =	smul.u32 $0x14000, s2;
	_ =	strace $0x80000050  }
0xb: {  	s24 =	sshll.u32 s2, $0x1;
	s12 =	ssub.s32 $0x2, s7;
	s25 =	smul.u32 $0x50000, s2  }
0xc: {  	s28 =	sshll.u32 s2, $0x6;
	s7 =	sor.u32 s7, s24;
	s13 =	sshrl.u32 s12, $0x1  }
0xd: {  	s24 =	simm.s32 $0x0;
	s8 =	sadd.s32 s10, s8;
	s14 =	smul.u32 $0x2800, s7  }
0xe: {  	s12 =	ssub.s32 s12, s13;
	s26 =	sshrl.u32 s25, $0x2;
	s29 =	smul.u32 $0x500, s7  }
0xf: {  	s8 =	sshrl.u32 s8, $0x3;
	s31 =	sadd.s32 s26, s1;
	s12 =	smax.u32 s12, $0x1  }
0x10: {  	s15 =	sadd.s32 s8, s6;
	s30 =	sshrl.u32 s14, $0x3;
	s6 =	sor.u32 $0x1C05, s28  }
0x11: {  	s7 =	sadd.s32 s9, s29;
	s8 =	sadd.s32 s11, s29;
	s14 =	sadd.s32 $0x280, s30  }
0x12: {  	s13 =	sshrl.u32 s31, $0x3;
	s9 =	sadd.s32 s9, s14;
	s10 =	sadd.s32 s11, s14  }
0x13: {  	s11 =	sadd.s32 $0x61400, s15;
	s14 =	simm.s32 $0x5;
	s15 =	simm.s32 $0x1400  }
.LBB2_1:
0x14: {  	[spmem:s13], [sflag:s6] =	dma.local [hbm:s5], $0x2800  }
0x15: {  	_ =	swait.ge [sflag:s14], $0x2800  }
0x16: {  	[sflag:s14] =	ssyncset.done $0x0  }
0x17: {  	[sflag:s14] =	ssyncadd.s32 $0xFFFFD800  }
0x18: {  	[bflag:$0x0] =	sbarrier.arrive $0xFFFF  }
0x19: {  	[tilespmem:s3], [sflag:$0x5] =	stream.linear.gather [hbm4b:s7+s3], $0x1400, $0x38;
	[tilespmem:$0x1E800] =	vst v63  }
0x1a: {  	_ =	swait.ge [sflag:s14], $0x1400  }
0x1b: {  	[sflag:s14] =	ssyncset.done $0x0  }
0x1c: {  	[sflag:s14] =	ssyncadd.s32 $0xFFFFEC00  }
0x1d: {  	[tilespmem:s15], [sflag:$0x5] =	stream.linear.gather [hbm4b:s8+s3], $0x1400, $0x38;
	[tilespmem:$0x1E800] =	vst v63  }
0x1e: {  	_ =	swait.ge [sflag:s14], $0x1400  }
0x1f: {  	[sflag:s14] =	ssyncset.done $0x0  }
0x20: {  	[sflag:s14] =	ssyncadd.s32 $0xFFFFEC00  }
0x21: {  	[tilespmem:s17], [sflag:$0x1] =	stream.indirect.gather [hbm4b:s4+s16], $0x80, s3, s16, $0xb8;
	[tilespmem:$0x1E800] =	vst v63  }
0x22: {  	_ =	swait.ge [sflag:s18], $0x4000  }
0x23: {  	[sflag:s18] =	ssyncset.done $0x0  }
0x24: {  	[sflag:s18] =	ssyncadd.s32 $0xFFFFC000  }
0x25: {  	[spmem:s1] =	stream.indirect.scatter.add.f32 [tilespmem:s17], [sflag:$0x3], $0x80, s15, s16, $0xb8;
	[tilespmem:$0x1E800] =	vst v63  }
0x26: {  	_ = 	snop  }
0x27: {  	[tilespmem:s19], [sflag:$0x2] =	stream.indirect.gather [hbm4b:s4+s16], $0x80, s16, s16, $0xb8;
	[tilespmem:$0x1E800] =	vst v63  }
0x28: {  	_ =	swait.ge [sflag:s20], $0x4000  }
0x29: {  	[sflag:s20] =	ssyncset.done $0x0  }
0x2a: {  	[sflag:s20] =	ssyncadd.s32 $0xFFFFC000  }
0x2b: {  	[spmem:s1] =	stream.indirect.scatter.add.f32 [tilespmem:s19], [sflag:$0x4], $0x80, s21, s16, $0xb8;
	[tilespmem:$0x1E800] =	vst v63  }
0x2c: {  	_ =	swait.ge [sflag:s22], $0x4000  }
0x2d: {  	[sflag:s22] =	ssyncset.done $0x0  }
0x2e: {  	s25 =	simm.s32 $0x100;
	[sflag:s22] =	ssyncadd.s32 $0xFFFFC000  }
0x2f: {  	[tilespmem:s17], [sflag:$0x1] =	stream.indirect.gather [hbm4b:s4+s16], $0x80, s25, s16, $0xb8;
	[tilespmem:$0x1E800] =	vst v63  }
0x30: {  	_ =	swait.ge [sflag:s23], $0x4000  }
0x31: {  	[sflag:s23] =	ssyncset.done $0x0  }
0x32: {  	[sflag:s23] =	ssyncadd.s32 $0xFFFFC000  }
0x33: {  	_ =	swait.ge [sflag:s18], $0x4000  }
0x34: {  	[sflag:s18] =	ssyncset.done $0x0  }
0x35: {  	s30 =	simm.s32 $0x1500;
	[sflag:s18] =	ssyncadd.s32 $0xFFFFC000  }
0x36: {  	[spmem:s1] =	stream.indirect.scatter.add.f32 [tilespmem:s17], [sflag:$0x3], $0x80, s30, s16, $0xb8;
	[tilespmem:$0x1E800] =	vst v63  }
0x37: {  	s31 =	simm.s32 $0x180  }
0x38: {  	[tilespmem:s19], [sflag:$0x2] =	stream.indirect.gather [hbm4b:s4+s16], $0x80, s31, s16, $0xb8;
	[tilespmem:$0x1E800] =	vst v63  }
0x39: {  	_ =	swait.ge [sflag:s20], $0x4000  }
0x3a: {  	[sflag:s20] =	ssyncset.done $0x0  }
0x3b: {  	s26 =	simm.s32 $0x1580;
	s25 =	simm.s32 $0xFFFFB800;
	[sflag:s20] =	ssyncadd.s32 $0xFFFFC000  }
.LBB2_2:
0x3c: {  	[spmem:s1] =	stream.indirect.scatter.add.f32 [tilespmem:s19], [sflag:$0x4], $0x80, s26, s16, $0xb8;
	[tilespmem:$0x1E800] =	vst v63  }
0x3d: {  	s26 =	smov.u32 s25  }
0x3e: {  	p0 =	sne.s32 s25, $0xFFFFFC00;
	s25 =	sadd.s32 $0x400, s25;
	_ =	swait.ge [sflag:s22], $0x4000  }
0x3f: {  	s26 =	sshra.s32 s26, $0x2;
	[sflag:s22] =	ssyncset.done $0x0  }
0x40: {  	s28 =	sadd.s32 $0x1400, s26;
	[sflag:s22] =	ssyncadd.s32 $0xFFFFC000  }
0x41: {  	[tilespmem:s17], [sflag:$0x1] =	stream.indirect.gather [hbm4b:s4+s16], $0x80, s28, s16, $0xb8;
	[tilespmem:$0x1E800] =	vst v63  }
0x42: {  	_ =	swait.ge [sflag:s23], $0x4000  }
0x43: {  	[sflag:s23] =	ssyncset.done $0x0  }
0x44: {  	[sflag:s23] =	ssyncadd.s32 $0xFFFFC000  }
0x45: {  	_ =	swait.ge [sflag:s18], $0x4000  }
0x46: {  	[sflag:s18] =	ssyncset.done $0x0  }
0x47: {  	s28 =	sadd.s32 $0x2800, s26;
	[sflag:s18] =	ssyncadd.s32 $0xFFFFC000  }
0x48: {  	[spmem:s1] =	stream.indirect.scatter.add.f32 [tilespmem:s17], [sflag:$0x3], $0x80, s28, s16, $0xb8;
	[tilespmem:$0x1E800] =	vst v63  }
.Ltmp0:
0x49: {  	s28 =	sadd.s32 $0x1480, s26;
	(pc) =	sbr.rel @p0 .LBB2_2-.Ltmp0, $4  }
0x4a: {  	[tilespmem:s19], [sflag:$0x2] =	stream.indirect.gather [hbm4b:s4+s16], $0x80, s28, s16, $0xb8;
	[tilespmem:$0x1E800] =	vst v63  }
0x4b: {  	_ =	swait.ge [sflag:s20], $0x4000  }
0x4c: {  	[sflag:s20] =	ssyncset.done $0x0  }
0x4d: {  	s26 =	sadd.s32 $0x2880, s26;
	[sflag:s20] =	ssyncadd.s32 $0xFFFFC000  }
0x4e: {  	[spmem:s1] =	stream.indirect.scatter.add.f32 [tilespmem:s19], [sflag:$0x4], $0x80, s26, s16, $0xb8;
	[tilespmem:$0x1E800] =	vst v63  }
0x4f: {  	_ =	swait.ge [sflag:s22], $0x4000  }
0x50: {  	[sflag:s22] =	ssyncset.done $0x0  }
0x51: {  	[sflag:s22] =	ssyncadd.s32 $0xFFFFC000  }
0x52: {  	_ =	swait.ge [sflag:s23], $0x4000  }
0x53: {  	[sflag:s23] =	ssyncset.done $0x0  }
0x54: {  	[sflag:s23] =	ssyncadd.s32 $0xFFFFC000  }
0x55: {  	[tilespmem:s3], [sflag:$0x5] =	stream.linear.gather [hbm4b:s9+s3], $0x1400, $0x38;
	[tilespmem:$0x1E800] =	vst v63  }
0x56: {  	_ =	swait.ge [sflag:s14], $0x1400  }
0x57: {  	[sflag:s14] =	ssyncset.done $0x0  }
0x58: {  	[sflag:s14] =	ssyncadd.s32 $0xFFFFEC00  }
0x59: {  	[tilespmem:s15], [sflag:$0x5] =	stream.linear.gather [hbm4b:s10+s3], $0x1400, $0x38;
	[tilespmem:$0x1E800] =	vst v63  }
0x5a: {  	_ =	swait.ge [sflag:s14], $0x1400  }
0x5b: {  	[sflag:s14] =	ssyncset.done $0x0  }
0x5c: {  	[sflag:s14] =	ssyncadd.s32 $0xFFFFEC00  }
0x5d: {  	[tilespmem:s17], [sflag:$0x1] =	stream.indirect.gather [hbm4b:s4+s16], $0x80, s3, s16, $0xb8;
	[tilespmem:$0x1E800] =	vst v63  }
0x5e: {  	_ =	swait.ge [sflag:s18], $0x4000  }
0x5f: {  	[sflag:s18] =	ssyncset.done $0x0  }
0x60: {  	[sflag:s18] =	ssyncadd.s32 $0xFFFFC000  }
0x61: {  	[spmem:s1] =	stream.indirect.scatter.add.f32 [tilespmem:s17], [sflag:$0x3], $0x80, s15, s16, $0xb8;
	[tilespmem:$0x1E800] =	vst v63  }
0x62: {  	_ = 	snop  }
0x63: {  	[tilespmem:s19], [sflag:$0x2] =	stream.indirect.gather [hbm4b:s4+s16], $0x80, s16, s16, $0xb8;
	[tilespmem:$0x1E800] =	vst v63  }
0x64: {  	_ =	swait.ge [sflag:s20], $0x4000  }
0x65: {  	[sflag:s20] =	ssyncset.done $0x0  }
0x66: {  	[sflag:s20] =	ssyncadd.s32 $0xFFFFC000  }
0x67: {  	[spmem:s1] =	stream.indirect.scatter.add.f32 [tilespmem:s19], [sflag:$0x4], $0x80, s21, s16, $0xb8;
	[tilespmem:$0x1E800] =	vst v63  }
0x68: {  	_ =	swait.ge [sflag:s22], $0x4000  }
0x69: {  	[sflag:s22] =	ssyncset.done $0x0  }
0x6a: {  	s25 =	simm.s32 $0x100;
	[sflag:s22] =	ssyncadd.s32 $0xFFFFC000  }
0x6b: {  	[tilespmem:s17], [sflag:$0x1] =	stream.indirect.gather [hbm4b:s4+s16], $0x80, s25, s16, $0xb8;
	[tilespmem:$0x1E800] =	vst v63  }
0x6c: {  	_ =	swait.ge [sflag:s23], $0x4000  }
0x6d: {  	[sflag:s23] =	ssyncset.done $0x0  }
0x6e: {  	[sflag:s23] =	ssyncadd.s32 $0xFFFFC000  }
0x6f: {  	_ =	swait.ge [sflag:s18], $0x4000  }
0x70: {  	[sflag:s18] =	ssyncset.done $0x0  }
0x71: {  	s30 =	simm.s32 $0x1500;
	[sflag:s18] =	ssyncadd.s32 $0xFFFFC000  }
0x72: {  	[spmem:s1] =	stream.indirect.scatter.add.f32 [tilespmem:s17], [sflag:$0x3], $0x80, s30, s16, $0xb8;
	[tilespmem:$0x1E800] =	vst v63  }
0x73: {  	s31 =	simm.s32 $0x180  }
0x74: {  	[tilespmem:s19], [sflag:$0x2] =	stream.indirect.gather [hbm4b:s4+s16], $0x80, s31, s16, $0xb8;
	[tilespmem:$0x1E800] =	vst v63  }
0x75: {  	_ =	swait.ge [sflag:s20], $0x4000  }
0x76: {  	[sflag:s20] =	ssyncset.done $0x0  }
0x77: {  	s26 =	simm.s32 $0x1580;
	s25 =	simm.s32 $0xFFFFB800;
	[sflag:s20] =	ssyncadd.s32 $0xFFFFC000  }
.LBB2_4:
0x78: {  	[spmem:s1] =	stream.indirect.scatter.add.f32 [tilespmem:s19], [sflag:$0x4], $0x80, s26, s16, $0xb8;
	[tilespmem:$0x1E800] =	vst v63  }
0x79: {  	s26 =	smov.u32 s25  }
0x7a: {  	p0 =	sne.s32 s25, $0xFFFFFC00;
	s25 =	sadd.s32 $0x400, s25;
	_ =	swait.ge [sflag:s22], $0x4000  }
0x7b: {  	s26 =	sshra.s32 s26, $0x2;
	[sflag:s22] =	ssyncset.done $0x0  }
0x7c: {  	s28 =	sadd.s32 $0x1400, s26;
	[sflag:s22] =	ssyncadd.s32 $0xFFFFC000  }
0x7d: {  	[tilespmem:s17], [sflag:$0x1] =	stream.indirect.gather [hbm4b:s4+s16], $0x80, s28, s16, $0xb8;
	[tilespmem:$0x1E800] =	vst v63  }
0x7e: {  	_ =	swait.ge [sflag:s23], $0x4000  }
0x7f: {  	[sflag:s23] =	ssyncset.done $0x0  }
0x80: {  	[sflag:s23] =	ssyncadd.s32 $0xFFFFC000  }
0x81: {  	_ =	swait.ge [sflag:s18], $0x4000  }
0x82: {  	[sflag:s18] =	ssyncset.done $0x0  }
0x83: {  	s28 =	sadd.s32 $0x2800, s26;
	[sflag:s18] =	ssyncadd.s32 $0xFFFFC000  }
0x84: {  	[spmem:s1] =	stream.indirect.scatter.add.f32 [tilespmem:s17], [sflag:$0x3], $0x80, s28, s16, $0xb8;
	[tilespmem:$0x1E800] =	vst v63  }
.Ltmp1:
0x85: {  	s28 =	sadd.s32 $0x1480, s26;
	(pc) =	sbr.rel @p0 .LBB2_4-.Ltmp1, $4  }
0x86: {  	[tilespmem:s19], [sflag:$0x2] =	stream.indirect.gather [hbm4b:s4+s16], $0x80, s28, s16, $0xb8;
	[tilespmem:$0x1E800] =	vst v63  }
0x87: {  	_ =	swait.ge [sflag:s20], $0x4000  }
0x88: {  	[sflag:s20] =	ssyncset.done $0x0  }
0x89: {  	s26 =	sadd.s32 $0x2880, s26;
	[sflag:s20] =	ssyncadd.s32 $0xFFFFC000  }
0x8a: {  	[spmem:s1] =	stream.indirect.scatter.add.f32 [tilespmem:s19], [sflag:$0x4], $0x80, s26, s16, $0xb8;
	[tilespmem:$0x1E800] =	vst v63  }
0x8b: {  	_ =	swait.ge [sflag:s22], $0x4000  }
0x8c: {  	[sflag:s22] =	ssyncset.done $0x0  }
0x8d: {  	[sflag:s22] =	ssyncadd.s32 $0xFFFFC000  }
0x8e: {  	_ =	swait.ge [sflag:s23], $0x4000  }
0x8f: {  	s24 =	sadd.s32 $0x1, s24;
	[sflag:s23] =	ssyncset.done $0x0  }
0x90: {  	p0 =	sne.s32 s24, s12;
	[sflag:s23] =	ssyncadd.s32 $0xFFFFC000  }
.Ltmp2:
0x91: {  	[bflag:$0x0] =	sbarrier.arrive $0xFFFF;
	(pc) =	sbr.rel @p0 .LBB2_1-.Ltmp2, $4  }
0x92: {  	[hbm:s11], [sflag:s6] =	dma.local [spmem:s13], $0x2800  }
0x93: {  	_ =	swait.ge [sflag:s14], $0x2800  }
0x94: {  	[sflag:s14] =	ssyncset.done $0x0  }
0x95: {  	[sflag:s14] =	ssyncadd.s32 $0xFFFFD800  }
0x96: {  	_ =	sfence.sel $0x180000  }
0x97: {  	[bflag:$0x0] =	sbarrier.arrive $0xFFFF  }
0x98: {  	p0 =	sne.s32 s2, $0x0;
	_ =	strace $0x90000050  }
0x99: {  	s0 =	sadd.s32 @!p0 $0x100000, s0;
	[bflag:$0x2] =	sbarrier.arrive $0xFFFF  }
0x9a: {  	[sflag:s0] =	ssyncadd.tile.s32 @!p0 $0x1;
	_ =	shalt  }
.Lfunc_end2:
_tile_overlayer_lowered:
.L_overlay_start_2:
0x9b: {  	(tag) =	ssettag $0x2  }
0x9c: {  	s0 =	rddreg [dreg:$0x0];
	s2 =	stileid.u32  }
0x9d: {  	s1 =	rddreg [dreg:$0x1];
	p0 =	sne.s32 s2, $0x0  }
0x9e: {  	s3 =	rddreg [dreg:$0x2];
	[bflag:$0x3] =	sbarrier.arrive $0xFFFF;
	s2 =	simm.s32 @!p0 $0x1C05  }
0x9f: {  	[timem:s3], [sflag:s2] =	dma.local @!p0 [hbm:s0], s1  }
0xa0: {  	s0 =	simm.s32 @!p0 $0x5  }
0xa1: {  	_ =	swait.ge @!p0 [sflag:s0], s1  }
0xa2: {  	s1 =	ssub.s32 @!p0 $0x0, s1;
	[sflag:s0] =	ssyncset.done @!p0 $0x0  }
0xa3: {  	[sflag:s0] =	ssyncadd.s32 @!p0 s1  }
0xa4: {  	[bflag:$0x3] =	sbarrier.arrive $0xFFFF  }
0xa5: {  	_ =	shalt  }

</sc_bundles>
